<compile_context>
chip_gen: v7x
topology: tpu7x:2x2x1
jax: 0.10.2.dev20260603
libtpu: 0.0.44.dev20260713+nightly
codegen_flags: <defaults>
</compile_context>

<pallas_src>
import dataclasses
import functools

import jax
import jax.numpy as jnp
from jax import lax
from jax.experimental import pallas as pl
from jax.experimental.pallas import tpu as pltpu
from jax.experimental.pallas import tpu_sc as plsc

N_CAT = 26
VOCAB = 100000
EMB = 5
N_NUM = 13
B = 4096

NC = 2
NS = 16
NW = NC * NS

NROW = B * N_CAT
R_PER_W = NROW // NW
NELEM = NROW * EMB
E_PER_W = R_PER_W * EMB
CHUNK = 128
N_CHUNK = R_PER_W // CHUNK
GROUP = 13


@functools.cache
def _make_sc_gather():
    cp = pltpu.CompilerParams()
    if "needs_layout_passes" in pltpu.CompilerParams.__dataclass_fields__:
        cp = dataclasses.replace(cp, needs_layout_passes=False)

    @functools.partial(
        pl.kernel,
        compiler_params=cp,
        out_type=jax.ShapeDtypeStruct((NELEM,), jnp.float32),
        mesh=plsc.VectorSubcoreMesh(core_axis_name="c", subcore_axis_name="s"),
        scratch_types=[
            pltpu.VMEM((N_CAT, B // NW), jnp.int32),
            pltpu.VMEM((R_PER_W,), jnp.int32),
            pltpu.VMEM((E_PER_W,), jnp.float32),
            pltpu.VMEM((E_PER_W,), jnp.float32),
            pltpu.SemaphoreType.DMA,
        ],
    )
    def _sc_gather(t0, t1, t2, t3, t4, cate_hbm, out_hbm,
                   cate_v, idx_v, vals_v, out_v, sem):
        planes = (t0, t1, t2, t3, t4)
        wid = lax.axis_index("s") * NC + lax.axis_index("c")
        base = wid * R_PER_W
        b0 = wid * (B // NW)
        pltpu.sync_copy(cate_hbm.at[:, pl.ds(b0, B // NW)], cate_v)

        iota16 = lax.iota(jnp.int32, 16)
        pats = []
        for p in range(13):
            s = (16 * p) % N_CAT
            db = jnp.where(iota16 >= (N_CAT - s), 1, 0).astype(jnp.int32)
            i_p = s + iota16 - N_CAT * db
            bb = (16 * p) // N_CAT
            pats.append((i_p, i_p * VOCAB, db + bb))

        @pl.loop(0, R_PER_W // 208)
        def _(q):
            for p in range(13):
                i_p, ivo_p, db_p = pats[p]
                v = plsc.load_gather(cate_v, [i_p, db_p + q * 8])
                idx_v[pl.ds(q * 208 + p * 16, 16)] = v + ivo_p

        for e in range(EMB):
            plane = planes[e]

            @pl.loop(0, N_CHUNK, step=GROUP)
            def _(c0, plane=plane, e=e):
                for j in range(GROUP):
                    o = (c0 + j) * CHUNK
                    pltpu.async_copy(
                        plane.at[idx_v.at[pl.ds(o, CHUNK)]],
                        vals_v.at[pl.ds(e * R_PER_W + o, CHUNK)],
                        sem,
                    )
                for j in range(GROUP):
                    o = (c0 + j) * CHUNK
                    pltpu.make_async_copy(
                        plane.at[idx_v.at[pl.ds(o, CHUNK)]],
                        vals_v.at[pl.ds(e * R_PER_W + o, CHUNK)],
                        sem,
                    ).wait()

        iota = lax.iota(jnp.int32, 16)
        pat = [iota * EMB + e for e in range(EMB)]

        @pl.loop(0, R_PER_W // 16)
        def _(t):
            for e in range(EMB):
                v = vals_v[pl.ds(e * R_PER_W + t * 16, 16)]
                plsc.store_scatter(out_v, [pat[e] + t * 80], v)

        pltpu.sync_copy(out_v, out_hbm.at[pl.ds(base * EMB, E_PER_W)])

    return _sc_gather


def _tc_body(cat_ref, num_ref, w_ref, b_ref, out_ref):
    num_out = lax.dot_general(
        num_ref[...], w_ref[...],
        (((1,), (1,)), ((), ())),
        preferred_element_type=jnp.float32,
    ) + b_ref[...]
    out_ref[...] = jnp.concatenate([cat_ref[...], num_out], axis=1)


def kernel(cate_indices, num_values, emb_tables, W, b):
    t = jnp.transpose(emb_tables, (2, 0, 1))
    planes = [t[e].reshape(-1) for e in range(EMB)]

    cat = _make_sc_gather()(
        *planes, cate_indices.astype(jnp.int32)
    ).reshape(B, N_CAT * EMB)

    blk = 1024
    out = pl.pallas_call(
        _tc_body,
        grid=(B // blk,),
        in_specs=[
            pl.BlockSpec((blk, N_CAT * EMB), lambda i: (i, 0)),
            pl.BlockSpec((blk, N_NUM), lambda i: (i, 0)),
            pl.BlockSpec((N_NUM, N_NUM), lambda i: (0, 0)),
            pl.BlockSpec((1, N_NUM), lambda i: (0, 0)),
        ],
        out_specs=pl.BlockSpec((blk, N_CAT * EMB + N_NUM), lambda i: (i, 0)),
        out_shape=jax.ShapeDtypeStruct((B, N_CAT * EMB + N_NUM), jnp.float32),
    )(cat, num_values, W, b.reshape(1, N_NUM))
    return out

# --- scband reference (transcript-rebuilt; emitter-appended) ---
"""Pipeline reference for scband-input-module-35536559407780 (READ-ONLY COPY).

The authoritative reference and input builder live on the scoring server;
editing this copy changes nothing except your own understanding.
"""

import jax, jax.numpy as jnp
import numpy as np

N_CAT = 26
VOCAB = 100000
EMB = 5
N_NUM = 13
B = 4096


def setup_inputs(seed: int = 0) -> dict:
    key = jax.random.key(seed)
    k1, k2, k3, k4 = jax.random.split(key, 4)
    # one index per categorical field per example
    cate_indices = jax.random.randint(k1, (N_CAT, B), 0, VOCAB)
    # concatenated numerical features [B, 13]
    num_values = jax.random.normal(k2, (B, N_NUM), dtype=jnp.float32)
    # 26 embedding tables stacked: [26, vocab, 5]
    emb_tables = jax.random.normal(k3, (N_CAT, VOCAB, EMB), dtype=jnp.float32) * 0.05
    # fc_num: Linear(13, 13)
    W = jax.random.normal(k4, (N_NUM, N_NUM), dtype=jnp.float32) * (1.0 / np.sqrt(N_NUM))
    b = jnp.zeros((N_NUM,), dtype=jnp.float32)
    return {"cate_indices": cate_indices, "num_values": num_values,
            "emb_tables": emb_tables, "W": W, "b": b}


def reference(cate_indices, num_values, emb_tables, W, b):
    # per-field embedding lookup: table_i[idx_i] -> [N_CAT, B, EMB]
    emb = jax.vmap(lambda t, i: jnp.take(t, i, axis=0))(emb_tables, cate_indices)
    # torch.cat over feature axis -> [B, N_CAT*EMB]
    category_concate = jnp.transpose(emb, (1, 0, 2)).reshape(emb.shape[1], N_CAT * EMB)
    # fc_num on concatenated numerical features
    num_output = num_values @ W.T + b
    feat_concate = jnp.concatenate([category_concate, num_output], axis=1)
    return feat_concate

if __name__ == "__main__":
    import jax
    _d = setup_inputs()
    print(jax.jit(kernel)(*tuple(_d.values())))

</pallas_src>

<mosaic_0001>
#map = affine_map<(d0, d1) -> (0)>
#map1 = affine_map<(d0, d1) -> (0, 0)>
module attributes {stable_mosaic.version = 14 : i64} {
  func.func @_sc_gather(%arg0: i32, %arg1: i32, %arg2: memref<2600000xf32, #tpu.memory_space<hbm>>, %arg3: memref<2600000xf32, #tpu.memory_space<hbm>>, %arg4: memref<2600000xf32, #tpu.memory_space<hbm>>, %arg5: memref<2600000xf32, #tpu.memory_space<hbm>>, %arg6: memref<2600000xf32, #tpu.memory_space<hbm>>, %arg7: memref<26x4096xi32, #tpu.memory_space<hbm>>, %arg8: memref<532480xf32, #tpu.memory_space<hbm>>, %arg9: memref<26x128xi32, #tpu.memory_space<vmem>>, %arg10: memref<3328xi32, #tpu.memory_space<vmem>>, %arg11: memref<16640xf32, #tpu.memory_space<vmem>>, %arg12: memref<16640xf32, #tpu.memory_space<vmem>>, %arg13: memref<!tpu.dma_semaphore, #tpu.memory_space<semaphore_mem>>) attributes {dimension_semantics = [#tpu.dimension_semantics<core_parallel>, #tpu.dimension_semantics<subcore_parallel>], iteration_bounds = array<i64: 2, 16>, scalar_prefetch = 0 : i64, scratch_operands = 5 : i64, tpu.core_type = #tpu.core_type<sc_vector_subcore>, window_params = [{transform_indices = #map}, {transform_indices = #map}, {transform_indices = #map}, {transform_indices = #map}, {transform_indices = #map}, {transform_indices = #map1}, {transform_indices = #map}]} {
    %mul3A = arith.constant 2 : i32
    %mul3A_0 = arith.muli %arg1, %mul3A : i32
    %add3A = arith.addi %mul3A_0, %arg0 : i32
    %mul3A_1 = arith.constant 3328 : i32
    %mul3A_2 = arith.muli %add3A, %mul3A_1 : i32
    %mul3A_3 = arith.constant 128 : i32
    %mul3A_4 = arith.muli %add3A, %mul3A_3 : i32
    "tpu.region"() ({
      %run_scoped3A = tpu.sem_alloc : memref<!tpu.dma_semaphore, #tpu.memory_space<semaphore_mem>>
      %dma_start3A = arith.constant 0 : i32
      %dma_start3A_340 = tpu.memref_slice %arg7[%dma_start3A, %mul3A_4] : memref<26x4096xi32, #tpu.memory_space<hbm>> -> memref<26x128xi32, #tpu.memory_space<hbm>>
      %dma_start3A_341 = arith.constant 0 : i32
      %dma_start3A_342 = tpu.memref_slice %arg7[%dma_start3A_341, %mul3A_4] : memref<26x4096xi32, #tpu.memory_space<hbm>> -> memref<26x128xi32, #tpu.memory_space<hbm>>
      tpu.enqueue_dma source(%dma_start3A_342 : memref<26x128xi32, #tpu.memory_space<hbm>>) target(%arg9 : memref<26x128xi32, #tpu.memory_space<vmem>>) target_semaphore(%run_scoped3A : memref<!tpu.dma_semaphore, #tpu.memory_space<semaphore_mem>>)
      %dma_wait3A = arith.constant 0 : i32
      %dma_wait3A_343 = tpu.memref_slice %arg7[%dma_wait3A, %mul3A_4] : memref<26x4096xi32, #tpu.memory_space<hbm>> -> memref<26x128xi32, #tpu.memory_space<hbm>>
      %dma_wait3A_344 = arith.constant 0 : i32
      %dma_wait3A_345 = tpu.memref_slice %arg7[%dma_wait3A_344, %mul3A_4] : memref<26x4096xi32, #tpu.memory_space<hbm>> -> memref<26x128xi32, #tpu.memory_space<hbm>>
      tpu.wait_dma2 semaphore(%run_scoped3A : memref<!tpu.dma_semaphore, #tpu.memory_space<semaphore_mem>>) src(%dma_wait3A_345 : memref<26x128xi32, #tpu.memory_space<hbm>>) dst(%arg9 : memref<26x128xi32, #tpu.memory_space<vmem>>)
      tpu.yield
    }) : () -> ()
    %iota3A = tpu.iota {dimensions = array<i32: 0>} : vector<16xi32>
    %ge3A = arith.constant 26 : i32
    %ge3A_5 = vector.broadcast %ge3A : i32 to vector<16xi32>
    %ge3A_6 = arith.cmpi sge, %iota3A, %ge3A_5 : vector<16xi32>
    %jit3A = arith.constant 1 : i32
    %jit3A_7 = arith.constant 0 : i32
    %broadcast_in_dim3A = vector.broadcast %jit3A : i32 to vector<16xi32>
    %broadcast_in_dim3A_8 = vector.broadcast %jit3A_7 : i32 to vector<16xi32>
    %select_n3A = arith.select %ge3A_6, %broadcast_in_dim3A, %broadcast_in_dim3A_8 : vector<16xi1>, vector<16xi32>
    %add3A_9 = arith.constant 0 : i32
    %add3A_10 = vector.broadcast %add3A_9 : i32 to vector<16xi32>
    %add3A_11 = arith.addi %add3A_10, %iota3A : vector<16xi32>
    %mul3A_12 = arith.constant 26 : i32
    %mul3A_13 = vector.broadcast %mul3A_12 : i32 to vector<16xi32>
    %mul3A_14 = arith.muli %mul3A_13, %select_n3A : vector<16xi32>
    %sub3A = arith.subi %add3A_11, %mul3A_14 : vector<16xi32>
    %mul3A_15 = arith.constant 100000 : i32
    %mul3A_16 = vector.broadcast %mul3A_15 : i32 to vector<16xi32>
    %mul3A_17 = arith.muli %sub3A, %mul3A_16 : vector<16xi32>
    %add3A_18 = arith.constant 0 : i32
    %add3A_19 = vector.broadcast %add3A_18 : i32 to vector<16xi32>
    %add3A_20 = arith.addi %select_n3A, %add3A_19 : vector<16xi32>
    %ge3A_21 = arith.constant 10 : i32
    %ge3A_22 = vector.broadcast %ge3A_21 : i32 to vector<16xi32>
    %ge3A_23 = arith.cmpi sge, %iota3A, %ge3A_22 : vector<16xi32>
    %jit3A_24 = arith.constant 1 : i32
    %jit3A_25 = arith.constant 0 : i32
    %broadcast_in_dim3A_26 = vector.broadcast %jit3A_24 : i32 to vector<16xi32>
    %broadcast_in_dim3A_27 = vector.broadcast %jit3A_25 : i32 to vector<16xi32>
    %select_n3A_28 = arith.select %ge3A_23, %broadcast_in_dim3A_26, %broadcast_in_dim3A_27 : vector<16xi1>, vector<16xi32>
    %add3A_29 = arith.constant 16 : i32
    %add3A_30 = vector.broadcast %add3A_29 : i32 to vector<16xi32>
    %add3A_31 = arith.addi %add3A_30, %iota3A : vector<16xi32>
    %mul3A_32 = arith.constant 26 : i32
    %mul3A_33 = vector.broadcast %mul3A_32 : i32 to vector<16xi32>
    %mul3A_34 = arith.muli %mul3A_33, %select_n3A_28 : vector<16xi32>
    %sub3A_35 = arith.subi %add3A_31, %mul3A_34 : vector<16xi32>
    %mul3A_36 = arith.constant 100000 : i32
    %mul3A_37 = vector.broadcast %mul3A_36 : i32 to vector<16xi32>
    %mul3A_38 = arith.muli %sub3A_35, %mul3A_37 : vector<16xi32>
    %add3A_39 = arith.constant 0 : i32
    %add3A_40 = vector.broadcast %add3A_39 : i32 to vector<16xi32>
    %add3A_41 = arith.addi %select_n3A_28, %add3A_40 : vector<16xi32>
    %ge3A_42 = arith.constant 20 : i32
    %ge3A_43 = vector.broadcast %ge3A_42 : i32 to vector<16xi32>
    %ge3A_44 = arith.cmpi sge, %iota3A, %ge3A_43 : vector<16xi32>
    %jit3A_45 = arith.constant 1 : i32
    %jit3A_46 = arith.constant 0 : i32
    %broadcast_in_dim3A_47 = vector.broadcast %jit3A_45 : i32 to vector<16xi32>
    %broadcast_in_dim3A_48 = vector.broadcast %jit3A_46 : i32 to vector<16xi32>
    %select_n3A_49 = arith.select %ge3A_44, %broadcast_in_dim3A_47, %broadcast_in_dim3A_48 : vector<16xi1>, vector<16xi32>
    %add3A_50 = arith.constant 6 : i32
    %add3A_51 = vector.broadcast %add3A_50 : i32 to vector<16xi32>
    %add3A_52 = arith.addi %add3A_51, %iota3A : vector<16xi32>
    %mul3A_53 = arith.constant 26 : i32
    %mul3A_54 = vector.broadcast %mul3A_53 : i32 to vector<16xi32>
    %mul3A_55 = arith.muli %mul3A_54, %select_n3A_49 : vector<16xi32>
    %sub3A_56 = arith.subi %add3A_52, %mul3A_55 : vector<16xi32>
    %mul3A_57 = arith.constant 100000 : i32
    %mul3A_58 = vector.broadcast %mul3A_57 : i32 to vector<16xi32>
    %mul3A_59 = arith.muli %sub3A_56, %mul3A_58 : vector<16xi32>
    %add3A_60 = arith.constant 1 : i32
    %add3A_61 = vector.broadcast %add3A_60 : i32 to vector<16xi32>
    %add3A_62 = arith.addi %select_n3A_49, %add3A_61 : vector<16xi32>
    %ge3A_63 = arith.constant 4 : i32
    %ge3A_64 = vector.broadcast %ge3A_63 : i32 to vector<16xi32>
    %ge3A_65 = arith.cmpi sge, %iota3A, %ge3A_64 : vector<16xi32>
    %jit3A_66 = arith.constant 1 : i32
    %jit3A_67 = arith.constant 0 : i32
    %broadcast_in_dim3A_68 = vector.broadcast %jit3A_66 : i32 to vector<16xi32>
    %broadcast_in_dim3A_69 = vector.broadcast %jit3A_67 : i32 to vector<16xi32>
    %select_n3A_70 = arith.select %ge3A_65, %broadcast_in_dim3A_68, %broadcast_in_dim3A_69 : vector<16xi1>, vector<16xi32>
    %add3A_71 = arith.constant 22 : i32
    %add3A_72 = vector.broadcast %add3A_71 : i32 to vector<16xi32>
    %add3A_73 = arith.addi %add3A_72, %iota3A : vector<16xi32>
    %mul3A_74 = arith.constant 26 : i32
    %mul3A_75 = vector.broadcast %mul3A_74 : i32 to vector<16xi32>
    %mul3A_76 = arith.muli %mul3A_75, %select_n3A_70 : vector<16xi32>
    %sub3A_77 = arith.subi %add3A_73, %mul3A_76 : vector<16xi32>
    %mul3A_78 = arith.constant 100000 : i32
    %mul3A_79 = vector.broadcast %mul3A_78 : i32 to vector<16xi32>
    %mul3A_80 = arith.muli %sub3A_77, %mul3A_79 : vector<16xi32>
    %add3A_81 = arith.constant 1 : i32
    %add3A_82 = vector.broadcast %add3A_81 : i32 to vector<16xi32>
    %add3A_83 = arith.addi %select_n3A_70, %add3A_82 : vector<16xi32>
    %ge3A_84 = arith.constant 14 : i32
    %ge3A_85 = vector.broadcast %ge3A_84 : i32 to vector<16xi32>
    %ge3A_86 = arith.cmpi sge, %iota3A, %ge3A_85 : vector<16xi32>
    %jit3A_87 = arith.constant 1 : i32
    %jit3A_88 = arith.constant 0 : i32
    %broadcast_in_dim3A_89 = vector.broadcast %jit3A_87 : i32 to vector<16xi32>
    %broadcast_in_dim3A_90 = vector.broadcast %jit3A_88 : i32 to vector<16xi32>
    %select_n3A_91 = arith.select %ge3A_86, %broadcast_in_dim3A_89, %broadcast_in_dim3A_90 : vector<16xi1>, vector<16xi32>
    %add3A_92 = arith.constant 12 : i32
    %add3A_93 = vector.broadcast %add3A_92 : i32 to vector<16xi32>
    %add3A_94 = arith.addi %add3A_93, %iota3A : vector<16xi32>
    %mul3A_95 = arith.constant 26 : i32
    %mul3A_96 = vector.broadcast %mul3A_95 : i32 to vector<16xi32>
    %mul3A_97 = arith.muli %mul3A_96, %select_n3A_91 : vector<16xi32>
    %sub3A_98 = arith.subi %add3A_94, %mul3A_97 : vector<16xi32>
    %mul3A_99 = arith.constant 100000 : i32
    %mul3A_100 = vector.broadcast %mul3A_99 : i32 to vector<16xi32>
    %mul3A_101 = arith.muli %sub3A_98, %mul3A_100 : vector<16xi32>
    %add3A_102 = arith.constant 2 : i32
    %add3A_103 = vector.broadcast %add3A_102 : i32 to vector<16xi32>
    %add3A_104 = arith.addi %select_n3A_91, %add3A_103 : vector<16xi32>
    %ge3A_105 = arith.constant 24 : i32
    %ge3A_106 = vector.broadcast %ge3A_105 : i32 to vector<16xi32>
    %ge3A_107 = arith.cmpi sge, %iota3A, %ge3A_106 : vector<16xi32>
    %jit3A_108 = arith.constant 1 : i32
    %jit3A_109 = arith.constant 0 : i32
    %broadcast_in_dim3A_110 = vector.broadcast %jit3A_108 : i32 to vector<16xi32>
    %broadcast_in_dim3A_111 = vector.broadcast %jit3A_109 : i32 to vector<16xi32>
    %select_n3A_112 = arith.select %ge3A_107, %broadcast_in_dim3A_110, %broadcast_in_dim3A_111 : vector<16xi1>, vector<16xi32>
    %add3A_113 = arith.constant 2 : i32
    %add3A_114 = vector.broadcast %add3A_113 : i32 to vector<16xi32>
    %add3A_115 = arith.addi %add3A_114, %iota3A : vector<16xi32>
    %mul3A_116 = arith.constant 26 : i32
    %mul3A_117 = vector.broadcast %mul3A_116 : i32 to vector<16xi32>
    %mul3A_118 = arith.muli %mul3A_117, %select_n3A_112 : vector<16xi32>
    %sub3A_119 = arith.subi %add3A_115, %mul3A_118 : vector<16xi32>
    %mul3A_120 = arith.constant 100000 : i32
    %mul3A_121 = vector.broadcast %mul3A_120 : i32 to vector<16xi32>
    %mul3A_122 = arith.muli %sub3A_119, %mul3A_121 : vector<16xi32>
    %add3A_123 = arith.constant 3 : i32
    %add3A_124 = vector.broadcast %add3A_123 : i32 to vector<16xi32>
    %add3A_125 = arith.addi %select_n3A_112, %add3A_124 : vector<16xi32>
    %ge3A_126 = arith.constant 8 : i32
    %ge3A_127 = vector.broadcast %ge3A_126 : i32 to vector<16xi32>
    %ge3A_128 = arith.cmpi sge, %iota3A, %ge3A_127 : vector<16xi32>
    %jit3A_129 = arith.constant 1 : i32
    %jit3A_130 = arith.constant 0 : i32
    %broadcast_in_dim3A_131 = vector.broadcast %jit3A_129 : i32 to vector<16xi32>
    %broadcast_in_dim3A_132 = vector.broadcast %jit3A_130 : i32 to vector<16xi32>
    %select_n3A_133 = arith.select %ge3A_128, %broadcast_in_dim3A_131, %broadcast_in_dim3A_132 : vector<16xi1>, vector<16xi32>
    %add3A_134 = arith.constant 18 : i32
    %add3A_135 = vector.broadcast %add3A_134 : i32 to vector<16xi32>
    %add3A_136 = arith.addi %add3A_135, %iota3A : vector<16xi32>
    %mul3A_137 = arith.constant 26 : i32
    %mul3A_138 = vector.broadcast %mul3A_137 : i32 to vector<16xi32>
    %mul3A_139 = arith.muli %mul3A_138, %select_n3A_133 : vector<16xi32>
    %sub3A_140 = arith.subi %add3A_136, %mul3A_139 : vector<16xi32>
    %mul3A_141 = arith.constant 100000 : i32
    %mul3A_142 = vector.broadcast %mul3A_141 : i32 to vector<16xi32>
    %mul3A_143 = arith.muli %sub3A_140, %mul3A_142 : vector<16xi32>
    %add3A_144 = arith.constant 3 : i32
    %add3A_145 = vector.broadcast %add3A_144 : i32 to vector<16xi32>
    %add3A_146 = arith.addi %select_n3A_133, %add3A_145 : vector<16xi32>
    %ge3A_147 = arith.constant 18 : i32
    %ge3A_148 = vector.broadcast %ge3A_147 : i32 to vector<16xi32>
    %ge3A_149 = arith.cmpi sge, %iota3A, %ge3A_148 : vector<16xi32>
    %jit3A_150 = arith.constant 1 : i32
    %jit3A_151 = arith.constant 0 : i32
    %broadcast_in_dim3A_152 = vector.broadcast %jit3A_150 : i32 to vector<16xi32>
    %broadcast_in_dim3A_153 = vector.broadcast %jit3A_151 : i32 to vector<16xi32>
    %select_n3A_154 = arith.select %ge3A_149, %broadcast_in_dim3A_152, %broadcast_in_dim3A_153 : vector<16xi1>, vector<16xi32>
    %add3A_155 = arith.constant 8 : i32
    %add3A_156 = vector.broadcast %add3A_155 : i32 to vector<16xi32>
    %add3A_157 = arith.addi %add3A_156, %iota3A : vector<16xi32>
    %mul3A_158 = arith.constant 26 : i32
    %mul3A_159 = vector.broadcast %mul3A_158 : i32 to vector<16xi32>
    %mul3A_160 = arith.muli %mul3A_159, %select_n3A_154 : vector<16xi32>
    %sub3A_161 = arith.subi %add3A_157, %mul3A_160 : vector<16xi32>
    %mul3A_162 = arith.constant 100000 : i32
    %mul3A_163 = vector.broadcast %mul3A_162 : i32 to vector<16xi32>
    %mul3A_164 = arith.muli %sub3A_161, %mul3A_163 : vector<16xi32>
    %add3A_165 = arith.constant 4 : i32
    %add3A_166 = vector.broadcast %add3A_165 : i32 to vector<16xi32>
    %add3A_167 = arith.addi %select_n3A_154, %add3A_166 : vector<16xi32>
    %ge3A_168 = arith.constant 2 : i32
    %ge3A_169 = vector.broadcast %ge3A_168 : i32 to vector<16xi32>
    %ge3A_170 = arith.cmpi sge, %iota3A, %ge3A_169 : vector<16xi32>
    %jit3A_171 = arith.constant 1 : i32
    %jit3A_172 = arith.constant 0 : i32
    %broadcast_in_dim3A_173 = vector.broadcast %jit3A_171 : i32 to vector<16xi32>
    %broadcast_in_dim3A_174 = vector.broadcast %jit3A_172 : i32 to vector<16xi32>
    %select_n3A_175 = arith.select %ge3A_170, %broadcast_in_dim3A_173, %broadcast_in_dim3A_174 : vector<16xi1>, vector<16xi32>
    %add3A_176 = arith.constant 24 : i32
    %add3A_177 = vector.broadcast %add3A_176 : i32 to vector<16xi32>
    %add3A_178 = arith.addi %add3A_177, %iota3A : vector<16xi32>
    %mul3A_179 = arith.constant 26 : i32
    %mul3A_180 = vector.broadcast %mul3A_179 : i32 to vector<16xi32>
    %mul3A_181 = arith.muli %mul3A_180, %select_n3A_175 : vector<16xi32>
    %sub3A_182 = arith.subi %add3A_178, %mul3A_181 : vector<16xi32>
    %mul3A_183 = arith.constant 100000 : i32
    %mul3A_184 = vector.broadcast %mul3A_183 : i32 to vector<16xi32>
    %mul3A_185 = arith.muli %sub3A_182, %mul3A_184 : vector<16xi32>
    %add3A_186 = arith.constant 4 : i32
    %add3A_187 = vector.broadcast %add3A_186 : i32 to vector<16xi32>
    %add3A_188 = arith.addi %select_n3A_175, %add3A_187 : vector<16xi32>
    %ge3A_189 = arith.constant 12 : i32
    %ge3A_190 = vector.broadcast %ge3A_189 : i32 to vector<16xi32>
    %ge3A_191 = arith.cmpi sge, %iota3A, %ge3A_190 : vector<16xi32>
    %jit3A_192 = arith.constant 1 : i32
    %jit3A_193 = arith.constant 0 : i32
    %broadcast_in_dim3A_194 = vector.broadcast %jit3A_192 : i32 to vector<16xi32>
    %broadcast_in_dim3A_195 = vector.broadcast %jit3A_193 : i32 to vector<16xi32>
    %select_n3A_196 = arith.select %ge3A_191, %broadcast_in_dim3A_194, %broadcast_in_dim3A_195 : vector<16xi1>, vector<16xi32>
    %add3A_197 = arith.constant 14 : i32
    %add3A_198 = vector.broadcast %add3A_197 : i32 to vector<16xi32>
    %add3A_199 = arith.addi %add3A_198, %iota3A : vector<16xi32>
    %mul3A_200 = arith.constant 26 : i32
    %mul3A_201 = vector.broadcast %mul3A_200 : i32 to vector<16xi32>
    %mul3A_202 = arith.muli %mul3A_201, %select_n3A_196 : vector<16xi32>
    %sub3A_203 = arith.subi %add3A_199, %mul3A_202 : vector<16xi32>
    %mul3A_204 = arith.constant 100000 : i32
    %mul3A_205 = vector.broadcast %mul3A_204 : i32 to vector<16xi32>
    %mul3A_206 = arith.muli %sub3A_203, %mul3A_205 : vector<16xi32>
    %add3A_207 = arith.constant 5 : i32
    %add3A_208 = vector.broadcast %add3A_207 : i32 to vector<16xi32>
    %add3A_209 = arith.addi %select_n3A_196, %add3A_208 : vector<16xi32>
    %ge3A_210 = arith.constant 22 : i32
    %ge3A_211 = vector.broadcast %ge3A_210 : i32 to vector<16xi32>
    %ge3A_212 = arith.cmpi sge, %iota3A, %ge3A_211 : vector<16xi32>
    %jit3A_213 = arith.constant 1 : i32
    %jit3A_214 = arith.constant 0 : i32
    %broadcast_in_dim3A_215 = vector.broadcast %jit3A_213 : i32 to vector<16xi32>
    %broadcast_in_dim3A_216 = vector.broadcast %jit3A_214 : i32 to vector<16xi32>
    %select_n3A_217 = arith.select %ge3A_212, %broadcast_in_dim3A_215, %broadcast_in_dim3A_216 : vector<16xi1>, vector<16xi32>
    %add3A_218 = arith.constant 4 : i32
    %add3A_219 = vector.broadcast %add3A_218 : i32 to vector<16xi32>
    %add3A_220 = arith.addi %add3A_219, %iota3A : vector<16xi32>
    %mul3A_221 = arith.constant 26 : i32
    %mul3A_222 = vector.broadcast %mul3A_221 : i32 to vector<16xi32>
    %mul3A_223 = arith.muli %mul3A_222, %select_n3A_217 : vector<16xi32>
    %sub3A_224 = arith.subi %add3A_220, %mul3A_223 : vector<16xi32>
    %mul3A_225 = arith.constant 100000 : i32
    %mul3A_226 = vector.broadcast %mul3A_225 : i32 to vector<16xi32>
    %mul3A_227 = arith.muli %sub3A_224, %mul3A_226 : vector<16xi32>
    %add3A_228 = arith.constant 6 : i32
    %add3A_229 = vector.broadcast %add3A_228 : i32 to vector<16xi32>
    %add3A_230 = arith.addi %select_n3A_217, %add3A_229 : vector<16xi32>
    %ge3A_231 = arith.constant 6 : i32
    %ge3A_232 = vector.broadcast %ge3A_231 : i32 to vector<16xi32>
    %ge3A_233 = arith.cmpi sge, %iota3A, %ge3A_232 : vector<16xi32>
    %jit3A_234 = arith.constant 1 : i32
    %jit3A_235 = arith.constant 0 : i32
    %broadcast_in_dim3A_236 = vector.broadcast %jit3A_234 : i32 to vector<16xi32>
    %broadcast_in_dim3A_237 = vector.broadcast %jit3A_235 : i32 to vector<16xi32>
    %select_n3A_238 = arith.select %ge3A_233, %broadcast_in_dim3A_236, %broadcast_in_dim3A_237 : vector<16xi1>, vector<16xi32>
    %add3A_239 = arith.constant 20 : i32
    %add3A_240 = vector.broadcast %add3A_239 : i32 to vector<16xi32>
    %add3A_241 = arith.addi %add3A_240, %iota3A : vector<16xi32>
    %mul3A_242 = arith.constant 26 : i32
    %mul3A_243 = vector.broadcast %mul3A_242 : i32 to vector<16xi32>
    %mul3A_244 = arith.muli %mul3A_243, %select_n3A_238 : vector<16xi32>
    %sub3A_245 = arith.subi %add3A_241, %mul3A_244 : vector<16xi32>
    %mul3A_246 = arith.constant 100000 : i32
    %mul3A_247 = vector.broadcast %mul3A_246 : i32 to vector<16xi32>
    %mul3A_248 = arith.muli %sub3A_245, %mul3A_247 : vector<16xi32>
    %add3A_249 = arith.constant 6 : i32
    %add3A_250 = vector.broadcast %add3A_249 : i32 to vector<16xi32>
    %add3A_251 = arith.addi %select_n3A_238, %add3A_250 : vector<16xi32>
    %ge3A_252 = arith.constant 16 : i32
    %ge3A_253 = vector.broadcast %ge3A_252 : i32 to vector<16xi32>
    %ge3A_254 = arith.cmpi sge, %iota3A, %ge3A_253 : vector<16xi32>
    %jit3A_255 = arith.constant 1 : i32
    %jit3A_256 = arith.constant 0 : i32
    %broadcast_in_dim3A_257 = vector.broadcast %jit3A_255 : i32 to vector<16xi32>
    %broadcast_in_dim3A_258 = vector.broadcast %jit3A_256 : i32 to vector<16xi32>
    %select_n3A_259 = arith.select %ge3A_254, %broadcast_in_dim3A_257, %broadcast_in_dim3A_258 : vector<16xi1>, vector<16xi32>
    %add3A_260 = arith.constant 10 : i32
    %add3A_261 = vector.broadcast %add3A_260 : i32 to vector<16xi32>
    %add3A_262 = arith.addi %add3A_261, %iota3A : vector<16xi32>
    %mul3A_263 = arith.constant 26 : i32
    %mul3A_264 = vector.broadcast %mul3A_263 : i32 to vector<16xi32>
    %mul3A_265 = arith.muli %mul3A_264, %select_n3A_259 : vector<16xi32>
    %sub3A_266 = arith.subi %add3A_262, %mul3A_265 : vector<16xi32>
    %mul3A_267 = arith.constant 100000 : i32
    %mul3A_268 = vector.broadcast %mul3A_267 : i32 to vector<16xi32>
    %mul3A_269 = arith.muli %sub3A_266, %mul3A_268 : vector<16xi32>
    %add3A_270 = arith.constant 7 : i32
    %add3A_271 = vector.broadcast %add3A_270 : i32 to vector<16xi32>
    %add3A_272 = arith.addi %select_n3A_259, %add3A_271 : vector<16xi32>
    %scan3A = arith.constant 0 : i32
    %scan3A_273 = arith.constant 16 : i32
    %scan3A_274 = arith.addi %scan3A, %scan3A_273 : i32
    %scan3A_275 = arith.constant 1 : i32
    scf.for %scan3A_340 = %scan3A to %scan3A_274 step %scan3A_275  : i32 {
      %mul3A_341 = arith.constant 1 : i32
      %mul3A_342 = arith.muli %scan3A_340, %mul3A_341 : i32
      %add3A_343 = arith.constant 0 : i32
      %add3A_344 = arith.addi %add3A_343, %mul3A_342 : i32
      %mul3A_345 = arith.constant 8 : i32
      %mul3A_346 = arith.muli %add3A_344, %mul3A_345 : i32
      %add3A_347 = vector.broadcast %mul3A_346 : i32 to vector<16xi32>
      %add3A_348 = arith.addi %add3A_20, %add3A_347 : vector<16xi32>
      %gather3A = tpu.vector_load_idx %arg9[%sub3A, %add3A_348] : memref<26x128xi32, #tpu.memory_space<vmem>>[vector<16xi32>, vector<16xi32>], vector<16xi32>,
      %add3A_349 = arith.addi %gather3A, %mul3A_17 : vector<16xi32>
      %mul3A_350 = arith.constant 208 : i32
      %mul3A_351 = arith.muli %add3A_344, %mul3A_350 : i32
      %add3A_352 = arith.constant 0 : i32
      %add3A_353 = arith.addi %mul3A_351, %add3A_352 : i32
      %swap3A = arith.index_cast %add3A_353 : i32 to index
      %swap3A_354 = tpu.vector_load %arg10[%swap3A] {strides = array<i32>} : memref<3328xi32, #tpu.memory_space<vmem>>, vector<16xi32>,
      tpu.vector_store %arg10[%swap3A], %add3A_349 {strides = array<i32>} : memref<3328xi32, #tpu.memory_space<vmem>>, vector<16xi32>,
      %mul3A_355 = arith.constant 8 : i32
      %mul3A_356 = arith.muli %add3A_344, %mul3A_355 : i32
      %add3A_357 = vector.broadcast %mul3A_356 : i32 to vector<16xi32>
      %add3A_358 = arith.addi %add3A_41, %add3A_357 : vector<16xi32>
      %gather3A_359 = tpu.vector_load_idx %arg9[%sub3A_35, %add3A_358] : memref<26x128xi32, #tpu.memory_space<vmem>>[vector<16xi32>, vector<16xi32>], vector<16xi32>,
      %add3A_360 = arith.addi %gather3A_359, %mul3A_38 : vector<16xi32>
      %mul3A_361 = arith.constant 208 : i32
      %mul3A_362 = arith.muli %add3A_344, %mul3A_361 : i32
      %add3A_363 = arith.constant 16 : i32
      %add3A_364 = arith.addi %mul3A_362, %add3A_363 : i32
      %swap3A_365 = arith.index_cast %add3A_364 : i32 to index
      %swap3A_366 = tpu.vector_load %arg10[%swap3A_365] {strides = array<i32>} : memref<3328xi32, #tpu.memory_space<vmem>>, vector<16xi32>,
      tpu.vector_store %arg10[%swap3A_365], %add3A_360 {strides = array<i32>} : memref<3328xi32, #tpu.memory_space<vmem>>, vector<16xi32>,
      %mul3A_367 = arith.constant 8 : i32
      %mul3A_368 = arith.muli %add3A_344, %mul3A_367 : i32
      %add3A_369 = vector.broadcast %mul3A_368 : i32 to vector<16xi32>
      %add3A_370 = arith.addi %add3A_62, %add3A_369 : vector<16xi32>
      %gather3A_371 = tpu.vector_load_idx %arg9[%sub3A_56, %add3A_370] : memref<26x128xi32, #tpu.memory_space<vmem>>[vector<16xi32>, vector<16xi32>], vector<16xi32>,
      %add3A_372 = arith.addi %gather3A_371, %mul3A_59 : vector<16xi32>
      %mul3A_373 = arith.constant 208 : i32
      %mul3A_374 = arith.muli %add3A_344, %mul3A_373 : i32
      %add3A_375 = arith.constant 32 : i32
      %add3A_376 = arith.addi %mul3A_374, %add3A_375 : i32
      %swap3A_377 = arith.index_cast %add3A_376 : i32 to index
      %swap3A_378 = tpu.vector_load %arg10[%swap3A_377] {strides = array<i32>} : memref<3328xi32, #tpu.memory_space<vmem>>, vector<16xi32>,
      tpu.vector_store %arg10[%swap3A_377], %add3A_372 {strides = array<i32>} : memref<3328xi32, #tpu.memory_space<vmem>>, vector<16xi32>,
      %mul3A_379 = arith.constant 8 : i32
      %mul3A_380 = arith.muli %add3A_344, %mul3A_379 : i32
      %add3A_381 = vector.broadcast %mul3A_380 : i32 to vector<16xi32>
      %add3A_382 = arith.addi %add3A_83, %add3A_381 : vector<16xi32>
      %gather3A_383 = tpu.vector_load_idx %arg9[%sub3A_77, %add3A_382] : memref<26x128xi32, #tpu.memory_space<vmem>>[vector<16xi32>, vector<16xi32>], vector<16xi32>,
      %add3A_384 = arith.addi %gather3A_383, %mul3A_80 : vector<16xi32>
      %mul3A_385 = arith.constant 208 : i32
      %mul3A_386 = arith.muli %add3A_344, %mul3A_385 : i32
      %add3A_387 = arith.constant 48 : i32
      %add3A_388 = arith.addi %mul3A_386, %add3A_387 : i32
      %swap3A_389 = arith.index_cast %add3A_388 : i32 to index
      %swap3A_390 = tpu.vector_load %arg10[%swap3A_389] {strides = array<i32>} : memref<3328xi32, #tpu.memory_space<vmem>>, vector<16xi32>,
      tpu.vector_store %arg10[%swap3A_389], %add3A_384 {strides = array<i32>} : memref<3328xi32, #tpu.memory_space<vmem>>, vector<16xi32>,
      %mul3A_391 = arith.constant 8 : i32
      %mul3A_392 = arith.muli %add3A_344, %mul3A_391 : i32
      %add3A_393 = vector.broadcast %mul3A_392 : i32 to vector<16xi32>
      %add3A_394 = arith.addi %add3A_104, %add3A_393 : vector<16xi32>
      %gather3A_395 = tpu.vector_load_idx %arg9[%sub3A_98, %add3A_394] : memref<26x128xi32, #tpu.memory_space<vmem>>[vector<16xi32>, vector<16xi32>], vector<16xi32>,
      %add3A_396 = arith.addi %gather3A_395, %mul3A_101 : vector<16xi32>
      %mul3A_397 = arith.constant 208 : i32
      %mul3A_398 = arith.muli %add3A_344, %mul3A_397 : i32
      %add3A_399 = arith.constant 64 : i32
      %add3A_400 = arith.addi %mul3A_398, %add3A_399 : i32
      %swap3A_401 = arith.index_cast %add3A_400 : i32 to index
      %swap3A_402 = tpu.vector_load %arg10[%swap3A_401] {strides = array<i32>} : memref<3328xi32, #tpu.memory_space<vmem>>, vector<16xi32>,
      tpu.vector_store %arg10[%swap3A_401], %add3A_396 {strides = array<i32>} : memref<3328xi32, #tpu.memory_space<vmem>>, vector<16xi32>,
      %mul3A_403 = arith.constant 8 : i32
      %mul3A_404 = arith.muli %add3A_344, %mul3A_403 : i32
      %add3A_405 = vector.broadcast %mul3A_404 : i32 to vector<16xi32>
      %add3A_406 = arith.addi %add3A_125, %add3A_405 : vector<16xi32>
      %gather3A_407 = tpu.vector_load_idx %arg9[%sub3A_119, %add3A_406] : memref<26x128xi32, #tpu.memory_space<vmem>>[vector<16xi32>, vector<16xi32>], vector<16xi32>,
      %add3A_408 = arith.addi %gather3A_407, %mul3A_122 : vector<16xi32>
      %mul3A_409 = arith.constant 208 : i32
      %mul3A_410 = arith.muli %add3A_344, %mul3A_409 : i32
      %add3A_411 = arith.constant 80 : i32
      %add3A_412 = arith.addi %mul3A_410, %add3A_411 : i32
      %swap3A_413 = arith.index_cast %add3A_412 : i32 to index
      %swap3A_414 = tpu.vector_load %arg10[%swap3A_413] {strides = array<i32>} : memref<3328xi32, #tpu.memory_space<vmem>>, vector<16xi32>,
      tpu.vector_store %arg10[%swap3A_413], %add3A_408 {strides = array<i32>} : memref<3328xi32, #tpu.memory_space<vmem>>, vector<16xi32>,
      %mul3A_415 = arith.constant 8 : i32
      %mul3A_416 = arith.muli %add3A_344, %mul3A_415 : i32
      %add3A_417 = vector.broadcast %mul3A_416 : i32 to vector<16xi32>
      %add3A_418 = arith.addi %add3A_146, %add3A_417 : vector<16xi32>
      %gather3A_419 = tpu.vector_load_idx %arg9[%sub3A_140, %add3A_418] : memref<26x128xi32, #tpu.memory_space<vmem>>[vector<16xi32>, vector<16xi32>], vector<16xi32>,
      %add3A_420 = arith.addi %gather3A_419, %mul3A_143 : vector<16xi32>
      %mul3A_421 = arith.constant 208 : i32
      %mul3A_422 = arith.muli %add3A_344, %mul3A_421 : i32
      %add3A_423 = arith.constant 96 : i32
      %add3A_424 = arith.addi %mul3A_422, %add3A_423 : i32
      %swap3A_425 = arith.index_cast %add3A_424 : i32 to index
      %swap3A_426 = tpu.vector_load %arg10[%swap3A_425] {strides = array<i32>} : memref<3328xi32, #tpu.memory_space<vmem>>, vector<16xi32>,
      tpu.vector_store %arg10[%swap3A_425], %add3A_420 {strides = array<i32>} : memref<3328xi32, #tpu.memory_space<vmem>>, vector<16xi32>,
      %mul3A_427 = arith.constant 8 : i32
      %mul3A_428 = arith.muli %add3A_344, %mul3A_427 : i32
      %add3A_429 = vector.broadcast %mul3A_428 : i32 to vector<16xi32>
      %add3A_430 = arith.addi %add3A_167, %add3A_429 : vector<16xi32>
      %gather3A_431 = tpu.vector_load_idx %arg9[%sub3A_161, %add3A_430] : memref<26x128xi32, #tpu.memory_space<vmem>>[vector<16xi32>, vector<16xi32>], vector<16xi32>,
      %add3A_432 = arith.addi %gather3A_431, %mul3A_164 : vector<16xi32>
      %mul3A_433 = arith.constant 208 : i32
      %mul3A_434 = arith.muli %add3A_344, %mul3A_433 : i32
      %add3A_435 = arith.constant 112 : i32
      %add3A_436 = arith.addi %mul3A_434, %add3A_435 : i32
      %swap3A_437 = arith.index_cast %add3A_436 : i32 to index
      %swap3A_438 = tpu.vector_load %arg10[%swap3A_437] {strides = array<i32>} : memref<3328xi32, #tpu.memory_space<vmem>>, vector<16xi32>,
      tpu.vector_store %arg10[%swap3A_437], %add3A_432 {strides = array<i32>} : memref<3328xi32, #tpu.memory_space<vmem>>, vector<16xi32>,
      %mul3A_439 = arith.constant 8 : i32
      %mul3A_440 = arith.muli %add3A_344, %mul3A_439 : i32
      %add3A_441 = vector.broadcast %mul3A_440 : i32 to vector<16xi32>
      %add3A_442 = arith.addi %add3A_188, %add3A_441 : vector<16xi32>
      %gather3A_443 = tpu.vector_load_idx %arg9[%sub3A_182, %add3A_442] : memref<26x128xi32, #tpu.memory_space<vmem>>[vector<16xi32>, vector<16xi32>], vector<16xi32>,
      %add3A_444 = arith.addi %gather3A_443, %mul3A_185 : vector<16xi32>
      %mul3A_445 = arith.constant 208 : i32
      %mul3A_446 = arith.muli %add3A_344, %mul3A_445 : i32
      %add3A_447 = arith.constant 128 : i32
      %add3A_448 = arith.addi %mul3A_446, %add3A_447 : i32
      %swap3A_449 = arith.index_cast %add3A_448 : i32 to index
      %swap3A_450 = tpu.vector_load %arg10[%swap3A_449] {strides = array<i32>} : memref<3328xi32, #tpu.memory_space<vmem>>, vector<16xi32>,
      tpu.vector_store %arg10[%swap3A_449], %add3A_444 {strides = array<i32>} : memref<3328xi32, #tpu.memory_space<vmem>>, vector<16xi32>,
      %mul3A_451 = arith.constant 8 : i32
      %mul3A_452 = arith.muli %add3A_344, %mul3A_451 : i32
      %add3A_453 = vector.broadcast %mul3A_452 : i32 to vector<16xi32>
      %add3A_454 = arith.addi %add3A_209, %add3A_453 : vector<16xi32>
      %gather3A_455 = tpu.vector_load_idx %arg9[%sub3A_203, %add3A_454] : memref<26x128xi32, #tpu.memory_space<vmem>>[vector<16xi32>, vector<16xi32>], vector<16xi32>,
      %add3A_456 = arith.addi %gather3A_455, %mul3A_206 : vector<16xi32>
      %mul3A_457 = arith.constant 208 : i32
      %mul3A_458 = arith.muli %add3A_344, %mul3A_457 : i32
      %add3A_459 = arith.constant 144 : i32
      %add3A_460 = arith.addi %mul3A_458, %add3A_459 : i32
      %swap3A_461 = arith.index_cast %add3A_460 : i32 to index
      %swap3A_462 = tpu.vector_load %arg10[%swap3A_461] {strides = array<i32>} : memref<3328xi32, #tpu.memory_space<vmem>>, vector<16xi32>,
      tpu.vector_store %arg10[%swap3A_461], %add3A_456 {strides = array<i32>} : memref<3328xi32, #tpu.memory_space<vmem>>, vector<16xi32>,
      %mul3A_463 = arith.constant 8 : i32
      %mul3A_464 = arith.muli %add3A_344, %mul3A_463 : i32
      %add3A_465 = vector.broadcast %mul3A_464 : i32 to vector<16xi32>
      %add3A_466 = arith.addi %add3A_230, %add3A_465 : vector<16xi32>
      %gather3A_467 = tpu.vector_load_idx %arg9[%sub3A_224, %add3A_466] : memref<26x128xi32, #tpu.memory_space<vmem>>[vector<16xi32>, vector<16xi32>], vector<16xi32>,
      %add3A_468 = arith.addi %gather3A_467, %mul3A_227 : vector<16xi32>
      %mul3A_469 = arith.constant 208 : i32
      %mul3A_470 = arith.muli %add3A_344, %mul3A_469 : i32
      %add3A_471 = arith.constant 160 : i32
      %add3A_472 = arith.addi %mul3A_470, %add3A_471 : i32
      %swap3A_473 = arith.index_cast %add3A_472 : i32 to index
      %swap3A_474 = tpu.vector_load %arg10[%swap3A_473] {strides = array<i32>} : memref<3328xi32, #tpu.memory_space<vmem>>, vector<16xi32>,
      tpu.vector_store %arg10[%swap3A_473], %add3A_468 {strides = array<i32>} : memref<3328xi32, #tpu.memory_space<vmem>>, vector<16xi32>,
      %mul3A_475 = arith.constant 8 : i32
      %mul3A_476 = arith.muli %add3A_344, %mul3A_475 : i32
      %add3A_477 = vector.broadcast %mul3A_476 : i32 to vector<16xi32>
      %add3A_478 = arith.addi %add3A_251, %add3A_477 : vector<16xi32>
      %gather3A_479 = tpu.vector_load_idx %arg9[%sub3A_245, %add3A_478] : memref<26x128xi32, #tpu.memory_space<vmem>>[vector<16xi32>, vector<16xi32>], vector<16xi32>,
      %add3A_480 = arith.addi %gather3A_479, %mul3A_248 : vector<16xi32>
      %mul3A_481 = arith.constant 208 : i32
      %mul3A_482 = arith.muli %add3A_344, %mul3A_481 : i32
      %add3A_483 = arith.constant 176 : i32
      %add3A_484 = arith.addi %mul3A_482, %add3A_483 : i32
      %swap3A_485 = arith.index_cast %add3A_484 : i32 to index
      %swap3A_486 = tpu.vector_load %arg10[%swap3A_485] {strides = array<i32>} : memref<3328xi32, #tpu.memory_space<vmem>>, vector<16xi32>,
      tpu.vector_store %arg10[%swap3A_485], %add3A_480 {strides = array<i32>} : memref<3328xi32, #tpu.memory_space<vmem>>, vector<16xi32>,
      %mul3A_487 = arith.constant 8 : i32
      %mul3A_488 = arith.muli %add3A_344, %mul3A_487 : i32
      %add3A_489 = vector.broadcast %mul3A_488 : i32 to vector<16xi32>
      %add3A_490 = arith.addi %add3A_272, %add3A_489 : vector<16xi32>
      %gather3A_491 = tpu.vector_load_idx %arg9[%sub3A_266, %add3A_490] : memref<26x128xi32, #tpu.memory_space<vmem>>[vector<16xi32>, vector<16xi32>], vector<16xi32>,
      %add3A_492 = arith.addi %gather3A_491, %mul3A_269 : vector<16xi32>
      %mul3A_493 = arith.constant 208 : i32
      %mul3A_494 = arith.muli %add3A_344, %mul3A_493 : i32
      %add3A_495 = arith.constant 192 : i32
      %add3A_496 = arith.addi %mul3A_494, %add3A_495 : i32
      %swap3A_497 = arith.index_cast %add3A_496 : i32 to index
      %swap3A_498 = tpu.vector_load %arg10[%swap3A_497] {strides = array<i32>} : memref<3328xi32, #tpu.memory_space<vmem>>, vector<16xi32>,
      tpu.vector_store %arg10[%swap3A_497], %add3A_492 {strides = array<i32>} : memref<3328xi32, #tpu.memory_space<vmem>>, vector<16xi32>,
    }
    %scan3A_276 = arith.constant 16 : i32
    %scan3A_277 = arith.constant 0 : i32
    %scan3A_278 = arith.constant 2 : i32
    %scan3A_279 = arith.addi %scan3A_277, %scan3A_278 : i32
    %scan3A_280 = arith.constant 1 : i32
    scf.for %scan3A_340 = %scan3A_277 to %scan3A_279 step %scan3A_280  : i32 {
      %mul3A_341 = arith.constant 13 : i32
      %mul3A_342 = arith.muli %scan3A_340, %mul3A_341 : i32
      %add3A_343 = arith.constant 0 : i32
      %add3A_344 = arith.addi %add3A_343, %mul3A_342 : i32
      %add3A_345 = arith.constant 0 : i32
      %add3A_346 = arith.addi %add3A_344, %add3A_345 : i32
      %mul3A_347 = arith.constant 128 : i32
      %mul3A_348 = arith.muli %add3A_346, %mul3A_347 : i32
      %add3A_349 = arith.constant 0 : i32
      %add3A_350 = arith.addi %add3A_349, %mul3A_348 : i32
      %dma_start3A = tpu.memref_slice %arg11[%add3A_350] : memref<16640xf32, #tpu.memory_space<vmem>> -> memref<128xf32, #tpu.memory_space<vmem>>
      %dma_start3A_351 = tpu.memref_slice %arg10[%mul3A_348] : memref<3328xi32, #tpu.memory_space<vmem>> -> memref<128xi32, #tpu.memory_space<vmem>>
      %dma_start3A_352 = arith.constant 0 : i32
      %dma_start3A_353 = tpu.memref_slice %arg2[%dma_start3A_352] : memref<2600000xf32, #tpu.memory_space<hbm>> -> memref<2600000xf32, #tpu.memory_space<hbm>>
      tpu.enqueue_indirect_dma source(%dma_start3A_353 : memref<2600000xf32, #tpu.memory_space<hbm>>) target(%dma_start3A : memref<128xf32, #tpu.memory_space<vmem>>) offsets(%dma_start3A_351 : memref<128xi32, #tpu.memory_space<vmem>>) semaphore(%arg13 : memref<!tpu.dma_semaphore, #tpu.memory_space<semaphore_mem>>)
      %add3A_354 = arith.constant 1 : i32
      %add3A_355 = arith.addi %add3A_344, %add3A_354 : i32
      %mul3A_356 = arith.constant 128 : i32
      %mul3A_357 = arith.muli %add3A_355, %mul3A_356 : i32
      %add3A_358 = arith.constant 0 : i32
      %add3A_359 = arith.addi %add3A_358, %mul3A_357 : i32
      %dma_start3A_360 = tpu.memref_slice %arg11[%add3A_359] : memref<16640xf32, #tpu.memory_space<vmem>> -> memref<128xf32, #tpu.memory_space<vmem>>
      %dma_start3A_361 = tpu.memref_slice %arg10[%mul3A_357] : memref<3328xi32, #tpu.memory_space<vmem>> -> memref<128xi32, #tpu.memory_space<vmem>>
      %dma_start3A_362 = arith.constant 0 : i32
      %dma_start3A_363 = tpu.memref_slice %arg2[%dma_start3A_362] : memref<2600000xf32, #tpu.memory_space<hbm>> -> memref<2600000xf32, #tpu.memory_space<hbm>>
      tpu.enqueue_indirect_dma source(%dma_start3A_363 : memref<2600000xf32, #tpu.memory_space<hbm>>) target(%dma_start3A_360 : memref<128xf32, #tpu.memory_space<vmem>>) offsets(%dma_start3A_361 : memref<128xi32, #tpu.memory_space<vmem>>) semaphore(%arg13 : memref<!tpu.dma_semaphore, #tpu.memory_space<semaphore_mem>>)
      %add3A_364 = arith.constant 2 : i32
      %add3A_365 = arith.addi %add3A_344, %add3A_364 : i32
      %mul3A_366 = arith.constant 128 : i32
      %mul3A_367 = arith.muli %add3A_365, %mul3A_366 : i32
      %add3A_368 = arith.constant 0 : i32
      %add3A_369 = arith.addi %add3A_368, %mul3A_367 : i32
      %dma_start3A_370 = tpu.memref_slice %arg11[%add3A_369] : memref<16640xf32, #tpu.memory_space<vmem>> -> memref<128xf32, #tpu.memory_space<vmem>>
      %dma_start3A_371 = tpu.memref_slice %arg10[%mul3A_367] : memref<3328xi32, #tpu.memory_space<vmem>> -> memref<128xi32, #tpu.memory_space<vmem>>
      %dma_start3A_372 = arith.constant 0 : i32
      %dma_start3A_373 = tpu.memref_slice %arg2[%dma_start3A_372] : memref<2600000xf32, #tpu.memory_space<hbm>> -> memref<2600000xf32, #tpu.memory_space<hbm>>
      tpu.enqueue_indirect_dma source(%dma_start3A_373 : memref<2600000xf32, #tpu.memory_space<hbm>>) target(%dma_start3A_370 : memref<128xf32, #tpu.memory_space<vmem>>) offsets(%dma_start3A_371 : memref<128xi32, #tpu.memory_space<vmem>>) semaphore(%arg13 : memref<!tpu.dma_semaphore, #tpu.memory_space<semaphore_mem>>)
      %add3A_374 = arith.constant 3 : i32
      %add3A_375 = arith.addi %add3A_344, %add3A_374 : i32
      %mul3A_376 = arith.constant 128 : i32
      %mul3A_377 = arith.muli %add3A_375, %mul3A_376 : i32
      %add3A_378 = arith.constant 0 : i32
      %add3A_379 = arith.addi %add3A_378, %mul3A_377 : i32
      %dma_start3A_380 = tpu.memref_slice %arg11[%add3A_379] : memref<16640xf32, #tpu.memory_space<vmem>> -> memref<128xf32, #tpu.memory_space<vmem>>
      %dma_start3A_381 = tpu.memref_slice %arg10[%mul3A_377] : memref<3328xi32, #tpu.memory_space<vmem>> -> memref<128xi32, #tpu.memory_space<vmem>>
      %dma_start3A_382 = arith.constant 0 : i32
      %dma_start3A_383 = tpu.memref_slice %arg2[%dma_start3A_382] : memref<2600000xf32, #tpu.memory_space<hbm>> -> memref<2600000xf32, #tpu.memory_space<hbm>>
      tpu.enqueue_indirect_dma source(%dma_start3A_383 : memref<2600000xf32, #tpu.memory_space<hbm>>) target(%dma_start3A_380 : memref<128xf32, #tpu.memory_space<vmem>>) offsets(%dma_start3A_381 : memref<128xi32, #tpu.memory_space<vmem>>) semaphore(%arg13 : memref<!tpu.dma_semaphore, #tpu.memory_space<semaphore_mem>>)
      %add3A_384 = arith.constant 4 : i32
      %add3A_385 = arith.addi %add3A_344, %add3A_384 : i32
      %mul3A_386 = arith.constant 128 : i32
      %mul3A_387 = arith.muli %add3A_385, %mul3A_386 : i32
      %add3A_388 = arith.constant 0 : i32
      %add3A_389 = arith.addi %add3A_388, %mul3A_387 : i32
      %dma_start3A_390 = tpu.memref_slice %arg11[%add3A_389] : memref<16640xf32, #tpu.memory_space<vmem>> -> memref<128xf32, #tpu.memory_space<vmem>>
      %dma_start3A_391 = tpu.memref_slice %arg10[%mul3A_387] : memref<3328xi32, #tpu.memory_space<vmem>> -> memref<128xi32, #tpu.memory_space<vmem>>
      %dma_start3A_392 = arith.constant 0 : i32
      %dma_start3A_393 = tpu.memref_slice %arg2[%dma_start3A_392] : memref<2600000xf32, #tpu.memory_space<hbm>> -> memref<2600000xf32, #tpu.memory_space<hbm>>
      tpu.enqueue_indirect_dma source(%dma_start3A_393 : memref<2600000xf32, #tpu.memory_space<hbm>>) target(%dma_start3A_390 : memref<128xf32, #tpu.memory_space<vmem>>) offsets(%dma_start3A_391 : memref<128xi32, #tpu.memory_space<vmem>>) semaphore(%arg13 : memref<!tpu.dma_semaphore, #tpu.memory_space<semaphore_mem>>)
      %add3A_394 = arith.constant 5 : i32
      %add3A_395 = arith.addi %add3A_344, %add3A_394 : i32
      %mul3A_396 = arith.constant 128 : i32
      %mul3A_397 = arith.muli %add3A_395, %mul3A_396 : i32
      %add3A_398 = arith.constant 0 : i32
      %add3A_399 = arith.addi %add3A_398, %mul3A_397 : i32
      %dma_start3A_400 = tpu.memref_slice %arg11[%add3A_399] : memref<16640xf32, #tpu.memory_space<vmem>> -> memref<128xf32, #tpu.memory_space<vmem>>
      %dma_start3A_401 = tpu.memref_slice %arg10[%mul3A_397] : memref<3328xi32, #tpu.memory_space<vmem>> -> memref<128xi32, #tpu.memory_space<vmem>>
      %dma_start3A_402 = arith.constant 0 : i32
      %dma_start3A_403 = tpu.memref_slice %arg2[%dma_start3A_402] : memref<2600000xf32, #tpu.memory_space<hbm>> -> memref<2600000xf32, #tpu.memory_space<hbm>>
      tpu.enqueue_indirect_dma source(%dma_start3A_403 : memref<2600000xf32, #tpu.memory_space<hbm>>) target(%dma_start3A_400 : memref<128xf32, #tpu.memory_space<vmem>>) offsets(%dma_start3A_401 : memref<128xi32, #tpu.memory_space<vmem>>) semaphore(%arg13 : memref<!tpu.dma_semaphore, #tpu.memory_space<semaphore_mem>>)
      %add3A_404 = arith.constant 6 : i32
      %add3A_405 = arith.addi %add3A_344, %add3A_404 : i32
      %mul3A_406 = arith.constant 128 : i32
      %mul3A_407 = arith.muli %add3A_405, %mul3A_406 : i32
      %add3A_408 = arith.constant 0 : i32
      %add3A_409 = arith.addi %add3A_408, %mul3A_407 : i32
      %dma_start3A_410 = tpu.memref_slice %arg11[%add3A_409] : memref<16640xf32, #tpu.memory_space<vmem>> -> memref<128xf32, #tpu.memory_space<vmem>>
      %dma_start3A_411 = tpu.memref_slice %arg10[%mul3A_407] : memref<3328xi32, #tpu.memory_space<vmem>> -> memref<128xi32, #tpu.memory_space<vmem>>
      %dma_start3A_412 = arith.constant 0 : i32
      %dma_start3A_413 = tpu.memref_slice %arg2[%dma_start3A_412] : memref<2600000xf32, #tpu.memory_space<hbm>> -> memref<2600000xf32, #tpu.memory_space<hbm>>
      tpu.enqueue_indirect_dma source(%dma_start3A_413 : memref<2600000xf32, #tpu.memory_space<hbm>>) target(%dma_start3A_410 : memref<128xf32, #tpu.memory_space<vmem>>) offsets(%dma_start3A_411 : memref<128xi32, #tpu.memory_space<vmem>>) semaphore(%arg13 : memref<!tpu.dma_semaphore, #tpu.memory_space<semaphore_mem>>)
      %add3A_414 = arith.constant 7 : i32
      %add3A_415 = arith.addi %add3A_344, %add3A_414 : i32
      %mul3A_416 = arith.constant 128 : i32
      %mul3A_417 = arith.muli %add3A_415, %mul3A_416 : i32
      %add3A_418 = arith.constant 0 : i32
      %add3A_419 = arith.addi %add3A_418, %mul3A_417 : i32
      %dma_start3A_420 = tpu.memref_slice %arg11[%add3A_419] : memref<16640xf32, #tpu.memory_space<vmem>> -> memref<128xf32, #tpu.memory_space<vmem>>
      %dma_start3A_421 = tpu.memref_slice %arg10[%mul3A_417] : memref<3328xi32, #tpu.memory_space<vmem>> -> memref<128xi32, #tpu.memory_space<vmem>>
      %dma_start3A_422 = arith.constant 0 : i32
      %dma_start3A_423 = tpu.memref_slice %arg2[%dma_start3A_422] : memref<2600000xf32, #tpu.memory_space<hbm>> -> memref<2600000xf32, #tpu.memory_space<hbm>>
      tpu.enqueue_indirect_dma source(%dma_start3A_423 : memref<2600000xf32, #tpu.memory_space<hbm>>) target(%dma_start3A_420 : memref<128xf32, #tpu.memory_space<vmem>>) offsets(%dma_start3A_421 : memref<128xi32, #tpu.memory_space<vmem>>) semaphore(%arg13 : memref<!tpu.dma_semaphore, #tpu.memory_space<semaphore_mem>>)
      %add3A_424 = arith.constant 8 : i32
      %add3A_425 = arith.addi %add3A_344, %add3A_424 : i32
      %mul3A_426 = arith.constant 128 : i32
      %mul3A_427 = arith.muli %add3A_425, %mul3A_426 : i32
      %add3A_428 = arith.constant 0 : i32
      %add3A_429 = arith.addi %add3A_428, %mul3A_427 : i32
      %dma_start3A_430 = tpu.memref_slice %arg11[%add3A_429] : memref<16640xf32, #tpu.memory_space<vmem>> -> memref<128xf32, #tpu.memory_space<vmem>>
      %dma_start3A_431 = tpu.memref_slice %arg10[%mul3A_427] : memref<3328xi32, #tpu.memory_space<vmem>> -> memref<128xi32, #tpu.memory_space<vmem>>
      %dma_start3A_432 = arith.constant 0 : i32
      %dma_start3A_433 = tpu.memref_slice %arg2[%dma_start3A_432] : memref<2600000xf32, #tpu.memory_space<hbm>> -> memref<2600000xf32, #tpu.memory_space<hbm>>
      tpu.enqueue_indirect_dma source(%dma_start3A_433 : memref<2600000xf32, #tpu.memory_space<hbm>>) target(%dma_start3A_430 : memref<128xf32, #tpu.memory_space<vmem>>) offsets(%dma_start3A_431 : memref<128xi32, #tpu.memory_space<vmem>>) semaphore(%arg13 : memref<!tpu.dma_semaphore, #tpu.memory_space<semaphore_mem>>)
      %add3A_434 = arith.constant 9 : i32
      %add3A_435 = arith.addi %add3A_344, %add3A_434 : i32
      %mul3A_436 = arith.constant 128 : i32
      %mul3A_437 = arith.muli %add3A_435, %mul3A_436 : i32
      %add3A_438 = arith.constant 0 : i32
      %add3A_439 = arith.addi %add3A_438, %mul3A_437 : i32
      %dma_start3A_440 = tpu.memref_slice %arg11[%add3A_439] : memref<16640xf32, #tpu.memory_space<vmem>> -> memref<128xf32, #tpu.memory_space<vmem>>
      %dma_start3A_441 = tpu.memref_slice %arg10[%mul3A_437] : memref<3328xi32, #tpu.memory_space<vmem>> -> memref<128xi32, #tpu.memory_space<vmem>>
      %dma_start3A_442 = arith.constant 0 : i32
      %dma_start3A_443 = tpu.memref_slice %arg2[%dma_start3A_442] : memref<2600000xf32, #tpu.memory_space<hbm>> -> memref<2600000xf32, #tpu.memory_space<hbm>>
      tpu.enqueue_indirect_dma source(%dma_start3A_443 : memref<2600000xf32, #tpu.memory_space<hbm>>) target(%dma_start3A_440 : memref<128xf32, #tpu.memory_space<vmem>>) offsets(%dma_start3A_441 : memref<128xi32, #tpu.memory_space<vmem>>) semaphore(%arg13 : memref<!tpu.dma_semaphore, #tpu.memory_space<semaphore_mem>>)
      %add3A_444 = arith.constant 10 : i32
      %add3A_445 = arith.addi %add3A_344, %add3A_444 : i32
      %mul3A_446 = arith.constant 128 : i32
      %mul3A_447 = arith.muli %add3A_445, %mul3A_446 : i32
      %add3A_448 = arith.constant 0 : i32
      %add3A_449 = arith.addi %add3A_448, %mul3A_447 : i32
      %dma_start3A_450 = tpu.memref_slice %arg11[%add3A_449] : memref<16640xf32, #tpu.memory_space<vmem>> -> memref<128xf32, #tpu.memory_space<vmem>>
      %dma_start3A_451 = tpu.memref_slice %arg10[%mul3A_447] : memref<3328xi32, #tpu.memory_space<vmem>> -> memref<128xi32, #tpu.memory_space<vmem>>
      %dma_start3A_452 = arith.constant 0 : i32
      %dma_start3A_453 = tpu.memref_slice %arg2[%dma_start3A_452] : memref<2600000xf32, #tpu.memory_space<hbm>> -> memref<2600000xf32, #tpu.memory_space<hbm>>
      tpu.enqueue_indirect_dma source(%dma_start3A_453 : memref<2600000xf32, #tpu.memory_space<hbm>>) target(%dma_start3A_450 : memref<128xf32, #tpu.memory_space<vmem>>) offsets(%dma_start3A_451 : memref<128xi32, #tpu.memory_space<vmem>>) semaphore(%arg13 : memref<!tpu.dma_semaphore, #tpu.memory_space<semaphore_mem>>)
      %add3A_454 = arith.constant 11 : i32
      %add3A_455 = arith.addi %add3A_344, %add3A_454 : i32
      %mul3A_456 = arith.constant 128 : i32
      %mul3A_457 = arith.muli %add3A_455, %mul3A_456 : i32
      %add3A_458 = arith.constant 0 : i32
      %add3A_459 = arith.addi %add3A_458, %mul3A_457 : i32
      %dma_start3A_460 = tpu.memref_slice %arg11[%add3A_459] : memref<16640xf32, #tpu.memory_space<vmem>> -> memref<128xf32, #tpu.memory_space<vmem>>
      %dma_start3A_461 = tpu.memref_slice %arg10[%mul3A_457] : memref<3328xi32, #tpu.memory_space<vmem>> -> memref<128xi32, #tpu.memory_space<vmem>>
      %dma_start3A_462 = arith.constant 0 : i32
      %dma_start3A_463 = tpu.memref_slice %arg2[%dma_start3A_462] : memref<2600000xf32, #tpu.memory_space<hbm>> -> memref<2600000xf32, #tpu.memory_space<hbm>>
      tpu.enqueue_indirect_dma source(%dma_start3A_463 : memref<2600000xf32, #tpu.memory_space<hbm>>) target(%dma_start3A_460 : memref<128xf32, #tpu.memory_space<vmem>>) offsets(%dma_start3A_461 : memref<128xi32, #tpu.memory_space<vmem>>) semaphore(%arg13 : memref<!tpu.dma_semaphore, #tpu.memory_space<semaphore_mem>>)
      %add3A_464 = arith.constant 12 : i32
      %add3A_465 = arith.addi %add3A_344, %add3A_464 : i32
      %mul3A_466 = arith.constant 128 : i32
      %mul3A_467 = arith.muli %add3A_465, %mul3A_466 : i32
      %add3A_468 = arith.constant 0 : i32
      %add3A_469 = arith.addi %add3A_468, %mul3A_467 : i32
      %dma_start3A_470 = tpu.memref_slice %arg11[%add3A_469] : memref<16640xf32, #tpu.memory_space<vmem>> -> memref<128xf32, #tpu.memory_space<vmem>>
      %dma_start3A_471 = tpu.memref_slice %arg10[%mul3A_467] : memref<3328xi32, #tpu.memory_space<vmem>> -> memref<128xi32, #tpu.memory_space<vmem>>
      %dma_start3A_472 = arith.constant 0 : i32
      %dma_start3A_473 = tpu.memref_slice %arg2[%dma_start3A_472] : memref<2600000xf32, #tpu.memory_space<hbm>> -> memref<2600000xf32, #tpu.memory_space<hbm>>
      tpu.enqueue_indirect_dma source(%dma_start3A_473 : memref<2600000xf32, #tpu.memory_space<hbm>>) target(%dma_start3A_470 : memref<128xf32, #tpu.memory_space<vmem>>) offsets(%dma_start3A_471 : memref<128xi32, #tpu.memory_space<vmem>>) semaphore(%arg13 : memref<!tpu.dma_semaphore, #tpu.memory_space<semaphore_mem>>)
      %add3A_474 = arith.constant 0 : i32
      %add3A_475 = arith.addi %add3A_344, %add3A_474 : i32
      %mul3A_476 = arith.constant 128 : i32
      %mul3A_477 = arith.muli %add3A_475, %mul3A_476 : i32
      %add3A_478 = arith.constant 0 : i32
      %add3A_479 = arith.addi %add3A_478, %mul3A_477 : i32
      %dma_wait3A = tpu.memref_slice %arg11[%add3A_479] : memref<16640xf32, #tpu.memory_space<vmem>> -> memref<128xf32, #tpu.memory_space<vmem>>
      %dma_wait3A_480 = tpu.memref_slice %arg10[%mul3A_477] : memref<3328xi32, #tpu.memory_space<vmem>> -> memref<128xi32, #tpu.memory_space<vmem>>
      %dma_wait3A_481 = arith.constant 0 : i32
      %dma_wait3A_482 = tpu.memref_slice %arg2[%dma_wait3A_481] : memref<2600000xf32, #tpu.memory_space<hbm>> -> memref<2600000xf32, #tpu.memory_space<hbm>>
      tpu.wait_indirect_dma semaphore(%arg13 : memref<!tpu.dma_semaphore, #tpu.memory_space<semaphore_mem>>) src(%dma_wait3A_482 : memref<2600000xf32, #tpu.memory_space<hbm>>) dst(%dma_wait3A : memref<128xf32, #tpu.memory_space<vmem>>)
      %add3A_483 = arith.constant 1 : i32
      %add3A_484 = arith.addi %add3A_344, %add3A_483 : i32
      %mul3A_485 = arith.constant 128 : i32
      %mul3A_486 = arith.muli %add3A_484, %mul3A_485 : i32
      %add3A_487 = arith.constant 0 : i32
      %add3A_488 = arith.addi %add3A_487, %mul3A_486 : i32
      %dma_wait3A_489 = tpu.memref_slice %arg11[%add3A_488] : memref<16640xf32, #tpu.memory_space<vmem>> -> memref<128xf32, #tpu.memory_space<vmem>>
      %dma_wait3A_490 = tpu.memref_slice %arg10[%mul3A_486] : memref<3328xi32, #tpu.memory_space<vmem>> -> memref<128xi32, #tpu.memory_space<vmem>>
      %dma_wait3A_491 = arith.constant 0 : i32
      %dma_wait3A_492 = tpu.memref_slice %arg2[%dma_wait3A_491] : memref<2600000xf32, #tpu.memory_space<hbm>> -> memref<2600000xf32, #tpu.memory_space<hbm>>
      tpu.wait_indirect_dma semaphore(%arg13 : memref<!tpu.dma_semaphore, #tpu.memory_space<semaphore_mem>>) src(%dma_wait3A_492 : memref<2600000xf32, #tpu.memory_space<hbm>>) dst(%dma_wait3A_489 : memref<128xf32, #tpu.memory_space<vmem>>)
      %add3A_493 = arith.constant 2 : i32
      %add3A_494 = arith.addi %add3A_344, %add3A_493 : i32
      %mul3A_495 = arith.constant 128 : i32
      %mul3A_496 = arith.muli %add3A_494, %mul3A_495 : i32
      %add3A_497 = arith.constant 0 : i32
      %add3A_498 = arith.addi %add3A_497, %mul3A_496 : i32
      %dma_wait3A_499 = tpu.memref_slice %arg11[%add3A_498] : memref<16640xf32, #tpu.memory_space<vmem>> -> memref<128xf32, #tpu.memory_space<vmem>>
      %dma_wait3A_500 = tpu.memref_slice %arg10[%mul3A_496] : memref<3328xi32, #tpu.memory_space<vmem>> -> memref<128xi32, #tpu.memory_space<vmem>>
      %dma_wait3A_501 = arith.constant 0 : i32
      %dma_wait3A_502 = tpu.memref_slice %arg2[%dma_wait3A_501] : memref<2600000xf32, #tpu.memory_space<hbm>> -> memref<2600000xf32, #tpu.memory_space<hbm>>
      tpu.wait_indirect_dma semaphore(%arg13 : memref<!tpu.dma_semaphore, #tpu.memory_space<semaphore_mem>>) src(%dma_wait3A_502 : memref<2600000xf32, #tpu.memory_space<hbm>>) dst(%dma_wait3A_499 : memref<128xf32, #tpu.memory_space<vmem>>)
      %add3A_503 = arith.constant 3 : i32
      %add3A_504 = arith.addi %add3A_344, %add3A_503 : i32
      %mul3A_505 = arith.constant 128 : i32
      %mul3A_506 = arith.muli %add3A_504, %mul3A_505 : i32
      %add3A_507 = arith.constant 0 : i32
      %add3A_508 = arith.addi %add3A_507, %mul3A_506 : i32
      %dma_wait3A_509 = tpu.memref_slice %arg11[%add3A_508] : memref<16640xf32, #tpu.memory_space<vmem>> -> memref<128xf32, #tpu.memory_space<vmem>>
      %dma_wait3A_510 = tpu.memref_slice %arg10[%mul3A_506] : memref<3328xi32, #tpu.memory_space<vmem>> -> memref<128xi32, #tpu.memory_space<vmem>>
      %dma_wait3A_511 = arith.constant 0 : i32
      %dma_wait3A_512 = tpu.memref_slice %arg2[%dma_wait3A_511] : memref<2600000xf32, #tpu.memory_space<hbm>> -> memref<2600000xf32, #tpu.memory_space<hbm>>
      tpu.wait_indirect_dma semaphore(%arg13 : memref<!tpu.dma_semaphore, #tpu.memory_space<semaphore_mem>>) src(%dma_wait3A_512 : memref<2600000xf32, #tpu.memory_space<hbm>>) dst(%dma_wait3A_509 : memref<128xf32, #tpu.memory_space<vmem>>)
      %add3A_513 = arith.constant 4 : i32
      %add3A_514 = arith.addi %add3A_344, %add3A_513 : i32
      %mul3A_515 = arith.constant 128 : i32
      %mul3A_516 = arith.muli %add3A_514, %mul3A_515 : i32
      %add3A_517 = arith.constant 0 : i32
      %add3A_518 = arith.addi %add3A_517, %mul3A_516 : i32
      %dma_wait3A_519 = tpu.memref_slice %arg11[%add3A_518] : memref<16640xf32, #tpu.memory_space<vmem>> -> memref<128xf32, #tpu.memory_space<vmem>>
      %dma_wait3A_520 = tpu.memref_slice %arg10[%mul3A_516] : memref<3328xi32, #tpu.memory_space<vmem>> -> memref<128xi32, #tpu.memory_space<vmem>>
      %dma_wait3A_521 = arith.constant 0 : i32
      %dma_wait3A_522 = tpu.memref_slice %arg2[%dma_wait3A_521] : memref<2600000xf32, #tpu.memory_space<hbm>> -> memref<2600000xf32, #tpu.memory_space<hbm>>
      tpu.wait_indirect_dma semaphore(%arg13 : memref<!tpu.dma_semaphore, #tpu.memory_space<semaphore_mem>>) src(%dma_wait3A_522 : memref<2600000xf32, #tpu.memory_space<hbm>>) dst(%dma_wait3A_519 : memref<128xf32, #tpu.memory_space<vmem>>)
      %add3A_523 = arith.constant 5 : i32
      %add3A_524 = arith.addi %add3A_344, %add3A_523 : i32
      %mul3A_525 = arith.constant 128 : i32
      %mul3A_526 = arith.muli %add3A_524, %mul3A_525 : i32
      %add3A_527 = arith.constant 0 : i32
      %add3A_528 = arith.addi %add3A_527, %mul3A_526 : i32
      %dma_wait3A_529 = tpu.memref_slice %arg11[%add3A_528] : memref<16640xf32, #tpu.memory_space<vmem>> -> memref<128xf32, #tpu.memory_space<vmem>>
      %dma_wait3A_530 = tpu.memref_slice %arg10[%mul3A_526] : memref<3328xi32, #tpu.memory_space<vmem>> -> memref<128xi32, #tpu.memory_space<vmem>>
      %dma_wait3A_531 = arith.constant 0 : i32
      %dma_wait3A_532 = tpu.memref_slice %arg2[%dma_wait3A_531] : memref<2600000xf32, #tpu.memory_space<hbm>> -> memref<2600000xf32, #tpu.memory_space<hbm>>
      tpu.wait_indirect_dma semaphore(%arg13 : memref<!tpu.dma_semaphore, #tpu.memory_space<semaphore_mem>>) src(%dma_wait3A_532 : memref<2600000xf32, #tpu.memory_space<hbm>>) dst(%dma_wait3A_529 : memref<128xf32, #tpu.memory_space<vmem>>)
      %add3A_533 = arith.constant 6 : i32
      %add3A_534 = arith.addi %add3A_344, %add3A_533 : i32
      %mul3A_535 = arith.constant 128 : i32
      %mul3A_536 = arith.muli %add3A_534, %mul3A_535 : i32
      %add3A_537 = arith.constant 0 : i32
      %add3A_538 = arith.addi %add3A_537, %mul3A_536 : i32
      %dma_wait3A_539 = tpu.memref_slice %arg11[%add3A_538] : memref<16640xf32, #tpu.memory_space<vmem>> -> memref<128xf32, #tpu.memory_space<vmem>>
      %dma_wait3A_540 = tpu.memref_slice %arg10[%mul3A_536] : memref<3328xi32, #tpu.memory_space<vmem>> -> memref<128xi32, #tpu.memory_space<vmem>>
      %dma_wait3A_541 = arith.constant 0 : i32
      %dma_wait3A_542 = tpu.memref_slice %arg2[%dma_wait3A_541] : memref<2600000xf32, #tpu.memory_space<hbm>> -> memref<2600000xf32, #tpu.memory_space<hbm>>
      tpu.wait_indirect_dma semaphore(%arg13 : memref<!tpu.dma_semaphore, #tpu.memory_space<semaphore_mem>>) src(%dma_wait3A_542 : memref<2600000xf32, #tpu.memory_space<hbm>>) dst(%dma_wait3A_539 : memref<128xf32, #tpu.memory_space<vmem>>)
      %add3A_543 = arith.constant 7 : i32
      %add3A_544 = arith.addi %add3A_344, %add3A_543 : i32
      %mul3A_545 = arith.constant 128 : i32
      %mul3A_546 = arith.muli %add3A_544, %mul3A_545 : i32
      %add3A_547 = arith.constant 0 : i32
      %add3A_548 = arith.addi %add3A_547, %mul3A_546 : i32
      %dma_wait3A_549 = tpu.memref_slice %arg11[%add3A_548] : memref<16640xf32, #tpu.memory_space<vmem>> -> memref<128xf32, #tpu.memory_space<vmem>>
      %dma_wait3A_550 = tpu.memref_slice %arg10[%mul3A_546] : memref<3328xi32, #tpu.memory_space<vmem>> -> memref<128xi32, #tpu.memory_space<vmem>>
      %dma_wait3A_551 = arith.constant 0 : i32
      %dma_wait3A_552 = tpu.memref_slice %arg2[%dma_wait3A_551] : memref<2600000xf32, #tpu.memory_space<hbm>> -> memref<2600000xf32, #tpu.memory_space<hbm>>
      tpu.wait_indirect_dma semaphore(%arg13 : memref<!tpu.dma_semaphore, #tpu.memory_space<semaphore_mem>>) src(%dma_wait3A_552 : memref<2600000xf32, #tpu.memory_space<hbm>>) dst(%dma_wait3A_549 : memref<128xf32, #tpu.memory_space<vmem>>)
      %add3A_553 = arith.constant 8 : i32
      %add3A_554 = arith.addi %add3A_344, %add3A_553 : i32
      %mul3A_555 = arith.constant 128 : i32
      %mul3A_556 = arith.muli %add3A_554, %mul3A_555 : i32
      %add3A_557 = arith.constant 0 : i32
      %add3A_558 = arith.addi %add3A_557, %mul3A_556 : i32
      %dma_wait3A_559 = tpu.memref_slice %arg11[%add3A_558] : memref<16640xf32, #tpu.memory_space<vmem>> -> memref<128xf32, #tpu.memory_space<vmem>>
      %dma_wait3A_560 = tpu.memref_slice %arg10[%mul3A_556] : memref<3328xi32, #tpu.memory_space<vmem>> -> memref<128xi32, #tpu.memory_space<vmem>>
      %dma_wait3A_561 = arith.constant 0 : i32
      %dma_wait3A_562 = tpu.memref_slice %arg2[%dma_wait3A_561] : memref<2600000xf32, #tpu.memory_space<hbm>> -> memref<2600000xf32, #tpu.memory_space<hbm>>
      tpu.wait_indirect_dma semaphore(%arg13 : memref<!tpu.dma_semaphore, #tpu.memory_space<semaphore_mem>>) src(%dma_wait3A_562 : memref<2600000xf32, #tpu.memory_space<hbm>>) dst(%dma_wait3A_559 : memref<128xf32, #tpu.memory_space<vmem>>)
      %add3A_563 = arith.constant 9 : i32
      %add3A_564 = arith.addi %add3A_344, %add3A_563 : i32
      %mul3A_565 = arith.constant 128 : i32
      %mul3A_566 = arith.muli %add3A_564, %mul3A_565 : i32
      %add3A_567 = arith.constant 0 : i32
      %add3A_568 = arith.addi %add3A_567, %mul3A_566 : i32
      %dma_wait3A_569 = tpu.memref_slice %arg11[%add3A_568] : memref<16640xf32, #tpu.memory_space<vmem>> -> memref<128xf32, #tpu.memory_space<vmem>>
      %dma_wait3A_570 = tpu.memref_slice %arg10[%mul3A_566] : memref<3328xi32, #tpu.memory_space<vmem>> -> memref<128xi32, #tpu.memory_space<vmem>>
      %dma_wait3A_571 = arith.constant 0 : i32
      %dma_wait3A_572 = tpu.memref_slice %arg2[%dma_wait3A_571] : memref<2600000xf32, #tpu.memory_space<hbm>> -> memref<2600000xf32, #tpu.memory_space<hbm>>
      tpu.wait_indirect_dma semaphore(%arg13 : memref<!tpu.dma_semaphore, #tpu.memory_space<semaphore_mem>>) src(%dma_wait3A_572 : memref<2600000xf32, #tpu.memory_space<hbm>>) dst(%dma_wait3A_569 : memref<128xf32, #tpu.memory_space<vmem>>)
      %add3A_573 = arith.constant 10 : i32
      %add3A_574 = arith.addi %add3A_344, %add3A_573 : i32
      %mul3A_575 = arith.constant 128 : i32
      %mul3A_576 = arith.muli %add3A_574, %mul3A_575 : i32
      %add3A_577 = arith.constant 0 : i32
      %add3A_578 = arith.addi %add3A_577, %mul3A_576 : i32
      %dma_wait3A_579 = tpu.memref_slice %arg11[%add3A_578] : memref<16640xf32, #tpu.memory_space<vmem>> -> memref<128xf32, #tpu.memory_space<vmem>>
      %dma_wait3A_580 = tpu.memref_slice %arg10[%mul3A_576] : memref<3328xi32, #tpu.memory_space<vmem>> -> memref<128xi32, #tpu.memory_space<vmem>>
      %dma_wait3A_581 = arith.constant 0 : i32
      %dma_wait3A_582 = tpu.memref_slice %arg2[%dma_wait3A_581] : memref<2600000xf32, #tpu.memory_space<hbm>> -> memref<2600000xf32, #tpu.memory_space<hbm>>
      tpu.wait_indirect_dma semaphore(%arg13 : memref<!tpu.dma_semaphore, #tpu.memory_space<semaphore_mem>>) src(%dma_wait3A_582 : memref<2600000xf32, #tpu.memory_space<hbm>>) dst(%dma_wait3A_579 : memref<128xf32, #tpu.memory_space<vmem>>)
      %add3A_583 = arith.constant 11 : i32
      %add3A_584 = arith.addi %add3A_344, %add3A_583 : i32
      %mul3A_585 = arith.constant 128 : i32
      %mul3A_586 = arith.muli %add3A_584, %mul3A_585 : i32
      %add3A_587 = arith.constant 0 : i32
      %add3A_588 = arith.addi %add3A_587, %mul3A_586 : i32
      %dma_wait3A_589 = tpu.memref_slice %arg11[%add3A_588] : memref<16640xf32, #tpu.memory_space<vmem>> -> memref<128xf32, #tpu.memory_space<vmem>>
      %dma_wait3A_590 = tpu.memref_slice %arg10[%mul3A_586] : memref<3328xi32, #tpu.memory_space<vmem>> -> memref<128xi32, #tpu.memory_space<vmem>>
      %dma_wait3A_591 = arith.constant 0 : i32
      %dma_wait3A_592 = tpu.memref_slice %arg2[%dma_wait3A_591] : memref<2600000xf32, #tpu.memory_space<hbm>> -> memref<2600000xf32, #tpu.memory_space<hbm>>
      tpu.wait_indirect_dma semaphore(%arg13 : memref<!tpu.dma_semaphore, #tpu.memory_space<semaphore_mem>>) src(%dma_wait3A_592 : memref<2600000xf32, #tpu.memory_space<hbm>>) dst(%dma_wait3A_589 : memref<128xf32, #tpu.memory_space<vmem>>)
      %add3A_593 = arith.constant 12 : i32
      %add3A_594 = arith.addi %add3A_344, %add3A_593 : i32
      %mul3A_595 = arith.constant 128 : i32
      %mul3A_596 = arith.muli %add3A_594, %mul3A_595 : i32
      %add3A_597 = arith.constant 0 : i32
      %add3A_598 = arith.addi %add3A_597, %mul3A_596 : i32
      %dma_wait3A_599 = tpu.memref_slice %arg11[%add3A_598] : memref<16640xf32, #tpu.memory_space<vmem>> -> memref<128xf32, #tpu.memory_space<vmem>>
      %dma_wait3A_600 = tpu.memref_slice %arg10[%mul3A_596] : memref<3328xi32, #tpu.memory_space<vmem>> -> memref<128xi32, #tpu.memory_space<vmem>>
      %dma_wait3A_601 = arith.constant 0 : i32
      %dma_wait3A_602 = tpu.memref_slice %arg2[%dma_wait3A_601] : memref<2600000xf32, #tpu.memory_space<hbm>> -> memref<2600000xf32, #tpu.memory_space<hbm>>
      tpu.wait_indirect_dma semaphore(%arg13 : memref<!tpu.dma_semaphore, #tpu.memory_space<semaphore_mem>>) src(%dma_wait3A_602 : memref<2600000xf32, #tpu.memory_space<hbm>>) dst(%dma_wait3A_599 : memref<128xf32, #tpu.memory_space<vmem>>)
    }
    %scan3A_281 = arith.constant 2 : i32
    %scan3A_282 = arith.constant 0 : i32
    %scan3A_283 = arith.constant 2 : i32
    %scan3A_284 = arith.addi %scan3A_282, %scan3A_283 : i32
    %scan3A_285 = arith.constant 1 : i32
    scf.for %scan3A_340 = %scan3A_282 to %scan3A_284 step %scan3A_285  : i32 {
      %mul3A_341 = arith.constant 13 : i32
      %mul3A_342 = arith.muli %scan3A_340, %mul3A_341 : i32
      %add3A_343 = arith.constant 0 : i32
      %add3A_344 = arith.addi %add3A_343, %mul3A_342 : i32
      %add3A_345 = arith.constant 0 : i32
      %add3A_346 = arith.addi %add3A_344, %add3A_345 : i32
      %mul3A_347 = arith.constant 128 : i32
      %mul3A_348 = arith.muli %add3A_346, %mul3A_347 : i32
      %add3A_349 = arith.constant 3328 : i32
      %add3A_350 = arith.addi %add3A_349, %mul3A_348 : i32
      %dma_start3A = tpu.memref_slice %arg11[%add3A_350] : memref<16640xf32, #tpu.memory_space<vmem>> -> memref<128xf32, #tpu.memory_space<vmem>>
      %dma_start3A_351 = tpu.memref_slice %arg10[%mul3A_348] : memref<3328xi32, #tpu.memory_space<vmem>> -> memref<128xi32, #tpu.memory_space<vmem>>
      %dma_start3A_352 = arith.constant 0 : i32
      %dma_start3A_353 = tpu.memref_slice %arg3[%dma_start3A_352] : memref<2600000xf32, #tpu.memory_space<hbm>> -> memref<2600000xf32, #tpu.memory_space<hbm>>
      tpu.enqueue_indirect_dma source(%dma_start3A_353 : memref<2600000xf32, #tpu.memory_space<hbm>>) target(%dma_start3A : memref<128xf32, #tpu.memory_space<vmem>>) offsets(%dma_start3A_351 : memref<128xi32, #tpu.memory_space<vmem>>) semaphore(%arg13 : memref<!tpu.dma_semaphore, #tpu.memory_space<semaphore_mem>>)
      %add3A_354 = arith.constant 1 : i32
      %add3A_355 = arith.addi %add3A_344, %add3A_354 : i32
      %mul3A_356 = arith.constant 128 : i32
      %mul3A_357 = arith.muli %add3A_355, %mul3A_356 : i32
      %add3A_358 = arith.constant 3328 : i32
      %add3A_359 = arith.addi %add3A_358, %mul3A_357 : i32
      %dma_start3A_360 = tpu.memref_slice %arg11[%add3A_359] : memref<16640xf32, #tpu.memory_space<vmem>> -> memref<128xf32, #tpu.memory_space<vmem>>
      %dma_start3A_361 = tpu.memref_slice %arg10[%mul3A_357] : memref<3328xi32, #tpu.memory_space<vmem>> -> memref<128xi32, #tpu.memory_space<vmem>>
      %dma_start3A_362 = arith.constant 0 : i32
      %dma_start3A_363 = tpu.memref_slice %arg3[%dma_start3A_362] : memref<2600000xf32, #tpu.memory_space<hbm>> -> memref<2600000xf32, #tpu.memory_space<hbm>>
      tpu.enqueue_indirect_dma source(%dma_start3A_363 : memref<2600000xf32, #tpu.memory_space<hbm>>) target(%dma_start3A_360 : memref<128xf32, #tpu.memory_space<vmem>>) offsets(%dma_start3A_361 : memref<128xi32, #tpu.memory_space<vmem>>) semaphore(%arg13 : memref<!tpu.dma_semaphore, #tpu.memory_space<semaphore_mem>>)
      %add3A_364 = arith.constant 2 : i32
      %add3A_365 = arith.addi %add3A_344, %add3A_364 : i32
      %mul3A_366 = arith.constant 128 : i32
      %mul3A_367 = arith.muli %add3A_365, %mul3A_366 : i32
      %add3A_368 = arith.constant 3328 : i32
      %add3A_369 = arith.addi %add3A_368, %mul3A_367 : i32
      %dma_start3A_370 = tpu.memref_slice %arg11[%add3A_369] : memref<16640xf32, #tpu.memory_space<vmem>> -> memref<128xf32, #tpu.memory_space<vmem>>
      %dma_start3A_371 = tpu.memref_slice %arg10[%mul3A_367] : memref<3328xi32, #tpu.memory_space<vmem>> -> memref<128xi32, #tpu.memory_space<vmem>>
      %dma_start3A_372 = arith.constant 0 : i32
      %dma_start3A_373 = tpu.memref_slice %arg3[%dma_start3A_372] : memref<2600000xf32, #tpu.memory_space<hbm>> -> memref<2600000xf32, #tpu.memory_space<hbm>>
      tpu.enqueue_indirect_dma source(%dma_start3A_373 : memref<2600000xf32, #tpu.memory_space<hbm>>) target(%dma_start3A_370 : memref<128xf32, #tpu.memory_space<vmem>>) offsets(%dma_start3A_371 : memref<128xi32, #tpu.memory_space<vmem>>) semaphore(%arg13 : memref<!tpu.dma_semaphore, #tpu.memory_space<semaphore_mem>>)
      %add3A_374 = arith.constant 3 : i32
      %add3A_375 = arith.addi %add3A_344, %add3A_374 : i32
      %mul3A_376 = arith.constant 128 : i32
      %mul3A_377 = arith.muli %add3A_375, %mul3A_376 : i32
      %add3A_378 = arith.constant 3328 : i32
      %add3A_379 = arith.addi %add3A_378, %mul3A_377 : i32
      %dma_start3A_380 = tpu.memref_slice %arg11[%add3A_379] : memref<16640xf32, #tpu.memory_space<vmem>> -> memref<128xf32, #tpu.memory_space<vmem>>
      %dma_start3A_381 = tpu.memref_slice %arg10[%mul3A_377] : memref<3328xi32, #tpu.memory_space<vmem>> -> memref<128xi32, #tpu.memory_space<vmem>>
      %dma_start3A_382 = arith.constant 0 : i32
      %dma_start3A_383 = tpu.memref_slice %arg3[%dma_start3A_382] : memref<2600000xf32, #tpu.memory_space<hbm>> -> memref<2600000xf32, #tpu.memory_space<hbm>>
      tpu.enqueue_indirect_dma source(%dma_start3A_383 : memref<2600000xf32, #tpu.memory_space<hbm>>) target(%dma_start3A_380 : memref<128xf32, #tpu.memory_space<vmem>>) offsets(%dma_start3A_381 : memref<128xi32, #tpu.memory_space<vmem>>) semaphore(%arg13 : memref<!tpu.dma_semaphore, #tpu.memory_space<semaphore_mem>>)
      %add3A_384 = arith.constant 4 : i32
      %add3A_385 = arith.addi %add3A_344, %add3A_384 : i32
      %mul3A_386 = arith.constant 128 : i32
      %mul3A_387 = arith.muli %add3A_385, %mul3A_386 : i32
      %add3A_388 = arith.constant 3328 : i32
      %add3A_389 = arith.addi %add3A_388, %mul3A_387 : i32
      %dma_start3A_390 = tpu.memref_slice %arg11[%add3A_389] : memref<16640xf32, #tpu.memory_space<vmem>> -> memref<128xf32, #tpu.memory_space<vmem>>
      %dma_start3A_391 = tpu.memref_slice %arg10[%mul3A_387] : memref<3328xi32, #tpu.memory_space<vmem>> -> memref<128xi32, #tpu.memory_space<vmem>>
      %dma_start3A_392 = arith.constant 0 : i32
      %dma_start3A_393 = tpu.memref_slice %arg3[%dma_start3A_392] : memref<2600000xf32, #tpu.memory_space<hbm>> -> memref<2600000xf32, #tpu.memory_space<hbm>>
      tpu.enqueue_indirect_dma source(%dma_start3A_393 : memref<2600000xf32, #tpu.memory_space<hbm>>) target(%dma_start3A_390 : memref<128xf32, #tpu.memory_space<vmem>>) offsets(%dma_start3A_391 : memref<128xi32, #tpu.memory_space<vmem>>) semaphore(%arg13 : memref<!tpu.dma_semaphore, #tpu.memory_space<semaphore_mem>>)
      %add3A_394 = arith.constant 5 : i32
      %add3A_395 = arith.addi %add3A_344, %add3A_394 : i32
      %mul3A_396 = arith.constant 128 : i32
      %mul3A_397 = arith.muli %add3A_395, %mul3A_396 : i32
      %add3A_398 = arith.constant 3328 : i32
      %add3A_399 = arith.addi %add3A_398, %mul3A_397 : i32
      %dma_start3A_400 = tpu.memref_slice %arg11[%add3A_399] : memref<16640xf32, #tpu.memory_space<vmem>> -> memref<128xf32, #tpu.memory_space<vmem>>
      %dma_start3A_401 = tpu.memref_slice %arg10[%mul3A_397] : memref<3328xi32, #tpu.memory_space<vmem>> -> memref<128xi32, #tpu.memory_space<vmem>>
      %dma_start3A_402 = arith.constant 0 : i32
      %dma_start3A_403 = tpu.memref_slice %arg3[%dma_start3A_402] : memref<2600000xf32, #tpu.memory_space<hbm>> -> memref<2600000xf32, #tpu.memory_space<hbm>>
      tpu.enqueue_indirect_dma source(%dma_start3A_403 : memref<2600000xf32, #tpu.memory_space<hbm>>) target(%dma_start3A_400 : memref<128xf32, #tpu.memory_space<vmem>>) offsets(%dma_start3A_401 : memref<128xi32, #tpu.memory_space<vmem>>) semaphore(%arg13 : memref<!tpu.dma_semaphore, #tpu.memory_space<semaphore_mem>>)
      %add3A_404 = arith.constant 6 : i32
      %add3A_405 = arith.addi %add3A_344, %add3A_404 : i32
      %mul3A_406 = arith.constant 128 : i32
      %mul3A_407 = arith.muli %add3A_405, %mul3A_406 : i32
      %add3A_408 = arith.constant 3328 : i32
      %add3A_409 = arith.addi %add3A_408, %mul3A_407 : i32
      %dma_start3A_410 = tpu.memref_slice %arg11[%add3A_409] : memref<16640xf32, #tpu.memory_space<vmem>> -> memref<128xf32, #tpu.memory_space<vmem>>
      %dma_start3A_411 = tpu.memref_slice %arg10[%mul3A_407] : memref<3328xi32, #tpu.memory_space<vmem>> -> memref<128xi32, #tpu.memory_space<vmem>>
      %dma_start3A_412 = arith.constant 0 : i32
      %dma_start3A_413 = tpu.memref_slice %arg3[%dma_start3A_412] : memref<2600000xf32, #tpu.memory_space<hbm>> -> memref<2600000xf32, #tpu.memory_space<hbm>>
      tpu.enqueue_indirect_dma source(%dma_start3A_413 : memref<2600000xf32, #tpu.memory_space<hbm>>) target(%dma_start3A_410 : memref<128xf32, #tpu.memory_space<vmem>>) offsets(%dma_start3A_411 : memref<128xi32, #tpu.memory_space<vmem>>) semaphore(%arg13 : memref<!tpu.dma_semaphore, #tpu.memory_space<semaphore_mem>>)
      %add3A_414 = arith.constant 7 : i32
      %add3A_415 = arith.addi %add3A_344, %add3A_414 : i32
      %mul3A_416 = arith.constant 128 : i32
      %mul3A_417 = arith.muli %add3A_415, %mul3A_416 : i32
      %add3A_418 = arith.constant 3328 : i32
      %add3A_419 = arith.addi %add3A_418, %mul3A_417 : i32
      %dma_start3A_420 = tpu.memref_slice %arg11[%add3A_419] : memref<16640xf32, #tpu.memory_space<vmem>> -> memref<128xf32, #tpu.memory_space<vmem>>
      %dma_start3A_421 = tpu.memref_slice %arg10[%mul3A_417] : memref<3328xi32, #tpu.memory_space<vmem>> -> memref<128xi32, #tpu.memory_space<vmem>>
      %dma_start3A_422 = arith.constant 0 : i32
      %dma_start3A_423 = tpu.memref_slice %arg3[%dma_start3A_422] : memref<2600000xf32, #tpu.memory_space<hbm>> -> memref<2600000xf32, #tpu.memory_space<hbm>>
      tpu.enqueue_indirect_dma source(%dma_start3A_423 : memref<2600000xf32, #tpu.memory_space<hbm>>) target(%dma_start3A_420 : memref<128xf32, #tpu.memory_space<vmem>>) offsets(%dma_start3A_421 : memref<128xi32, #tpu.memory_space<vmem>>) semaphore(%arg13 : memref<!tpu.dma_semaphore, #tpu.memory_space<semaphore_mem>>)
      %add3A_424 = arith.constant 8 : i32
      %add3A_425 = arith.addi %add3A_344, %add3A_424 : i32
      %mul3A_426 = arith.constant 128 : i32
      %mul3A_427 = arith.muli %add3A_425, %mul3A_426 : i32
      %add3A_428 = arith.constant 3328 : i32
      %add3A_429 = arith.addi %add3A_428, %mul3A_427 : i32
      %dma_start3A_430 = tpu.memref_slice %arg11[%add3A_429] : memref<16640xf32, #tpu.memory_space<vmem>> -> memref<128xf32, #tpu.memory_space<vmem>>
      %dma_start3A_431 = tpu.memref_slice %arg10[%mul3A_427] : memref<3328xi32, #tpu.memory_space<vmem>> -> memref<128xi32, #tpu.memory_space<vmem>>
      %dma_start3A_432 = arith.constant 0 : i32
      %dma_start3A_433 = tpu.memref_slice %arg3[%dma_start3A_432] : memref<2600000xf32, #tpu.memory_space<hbm>> -> memref<2600000xf32, #tpu.memory_space<hbm>>
      tpu.enqueue_indirect_dma source(%dma_start3A_433 : memref<2600000xf32, #tpu.memory_space<hbm>>) target(%dma_start3A_430 : memref<128xf32, #tpu.memory_space<vmem>>) offsets(%dma_start3A_431 : memref<128xi32, #tpu.memory_space<vmem>>) semaphore(%arg13 : memref<!tpu.dma_semaphore, #tpu.memory_space<semaphore_mem>>)
      %add3A_434 = arith.constant 9 : i32
      %add3A_435 = arith.addi %add3A_344, %add3A_434 : i32
      %mul3A_436 = arith.constant 128 : i32
      %mul3A_437 = arith.muli %add3A_435, %mul3A_436 : i32
      %add3A_438 = arith.constant 3328 : i32
      %add3A_439 = arith.addi %add3A_438, %mul3A_437 : i32
      %dma_start3A_440 = tpu.memref_slice %arg11[%add3A_439] : memref<16640xf32, #tpu.memory_space<vmem>> -> memref<128xf32, #tpu.memory_space<vmem>>
      %dma_start3A_441 = tpu.memref_slice %arg10[%mul3A_437] : memref<3328xi32, #tpu.memory_space<vmem>> -> memref<128xi32, #tpu.memory_space<vmem>>
      %dma_start3A_442 = arith.constant 0 : i32
      %dma_start3A_443 = tpu.memref_slice %arg3[%dma_start3A_442] : memref<2600000xf32, #tpu.memory_space<hbm>> -> memref<2600000xf32, #tpu.memory_space<hbm>>
      tpu.enqueue_indirect_dma source(%dma_start3A_443 : memref<2600000xf32, #tpu.memory_space<hbm>>) target(%dma_start3A_440 : memref<128xf32, #tpu.memory_space<vmem>>) offsets(%dma_start3A_441 : memref<128xi32, #tpu.memory_space<vmem>>) semaphore(%arg13 : memref<!tpu.dma_semaphore, #tpu.memory_space<semaphore_mem>>)
      %add3A_444 = arith.constant 10 : i32
      %add3A_445 = arith.addi %add3A_344, %add3A_444 : i32
      %mul3A_446 = arith.constant 128 : i32
      %mul3A_447 = arith.muli %add3A_445, %mul3A_446 : i32
      %add3A_448 = arith.constant 3328 : i32
      %add3A_449 = arith.addi %add3A_448, %mul3A_447 : i32
      %dma_start3A_450 = tpu.memref_slice %arg11[%add3A_449] : memref<16640xf32, #tpu.memory_space<vmem>> -> memref<128xf32, #tpu.memory_space<vmem>>
      %dma_start3A_451 = tpu.memref_slice %arg10[%mul3A_447] : memref<3328xi32, #tpu.memory_space<vmem>> -> memref<128xi32, #tpu.memory_space<vmem>>
      %dma_start3A_452 = arith.constant 0 : i32
      %dma_start3A_453 = tpu.memref_slice %arg3[%dma_start3A_452] : memref<2600000xf32, #tpu.memory_space<hbm>> -> memref<2600000xf32, #tpu.memory_space<hbm>>
      tpu.enqueue_indirect_dma source(%dma_start3A_453 : memref<2600000xf32, #tpu.memory_space<hbm>>) target(%dma_start3A_450 : memref<128xf32, #tpu.memory_space<vmem>>) offsets(%dma_start3A_451 : memref<128xi32, #tpu.memory_space<vmem>>) semaphore(%arg13 : memref<!tpu.dma_semaphore, #tpu.memory_space<semaphore_mem>>)
      %add3A_454 = arith.constant 11 : i32
      %add3A_455 = arith.addi %add3A_344, %add3A_454 : i32
      %mul3A_456 = arith.constant 128 : i32
      %mul3A_457 = arith.muli %add3A_455, %mul3A_456 : i32
      %add3A_458 = arith.constant 3328 : i32
      %add3A_459 = arith.addi %add3A_458, %mul3A_457 : i32
      %dma_start3A_460 = tpu.memref_slice %arg11[%add3A_459] : memref<16640xf32, #tpu.memory_space<vmem>> -> memref<128xf32, #tpu.memory_space<vmem>>
      %dma_start3A_461 = tpu.memref_slice %arg10[%mul3A_457] : memref<3328xi32, #tpu.memory_space<vmem>> -> memref<128xi32, #tpu.memory_space<vmem>>
      %dma_start3A_462 = arith.constant 0 : i32
      %dma_start3A_463 = tpu.memref_slice %arg3[%dma_start3A_462] : memref<2600000xf32, #tpu.memory_space<hbm>> -> memref<2600000xf32, #tpu.memory_space<hbm>>
      tpu.enqueue_indirect_dma source(%dma_start3A_463 : memref<2600000xf32, #tpu.memory_space<hbm>>) target(%dma_start3A_460 : memref<128xf32, #tpu.memory_space<vmem>>) offsets(%dma_start3A_461 : memref<128xi32, #tpu.memory_space<vmem>>) semaphore(%arg13 : memref<!tpu.dma_semaphore, #tpu.memory_space<semaphore_mem>>)
      %add3A_464 = arith.constant 12 : i32
      %add3A_465 = arith.addi %add3A_344, %add3A_464 : i32
      %mul3A_466 = arith.constant 128 : i32
      %mul3A_467 = arith.muli %add3A_465, %mul3A_466 : i32
      %add3A_468 = arith.constant 3328 : i32
      %add3A_469 = arith.addi %add3A_468, %mul3A_467 : i32
      %dma_start3A_470 = tpu.memref_slice %arg11[%add3A_469] : memref<16640xf32, #tpu.memory_space<vmem>> -> memref<128xf32, #tpu.memory_space<vmem>>
      %dma_start3A_471 = tpu.memref_slice %arg10[%mul3A_467] : memref<3328xi32, #tpu.memory_space<vmem>> -> memref<128xi32, #tpu.memory_space<vmem>>
      %dma_start3A_472 = arith.constant 0 : i32
      %dma_start3A_473 = tpu.memref_slice %arg3[%dma_start3A_472] : memref<2600000xf32, #tpu.memory_space<hbm>> -> memref<2600000xf32, #tpu.memory_space<hbm>>
      tpu.enqueue_indirect_dma source(%dma_start3A_473 : memref<2600000xf32, #tpu.memory_space<hbm>>) target(%dma_start3A_470 : memref<128xf32, #tpu.memory_space<vmem>>) offsets(%dma_start3A_471 : memref<128xi32, #tpu.memory_space<vmem>>) semaphore(%arg13 : memref<!tpu.dma_semaphore, #tpu.memory_space<semaphore_mem>>)
      %add3A_474 = arith.constant 0 : i32
      %add3A_475 = arith.addi %add3A_344, %add3A_474 : i32
      %mul3A_476 = arith.constant 128 : i32
      %mul3A_477 = arith.muli %add3A_475, %mul3A_476 : i32
      %add3A_478 = arith.constant 3328 : i32
      %add3A_479 = arith.addi %add3A_478, %mul3A_477 : i32
      %dma_wait3A = tpu.memref_slice %arg11[%add3A_479] : memref<16640xf32, #tpu.memory_space<vmem>> -> memref<128xf32, #tpu.memory_space<vmem>>
      %dma_wait3A_480 = tpu.memref_slice %arg10[%mul3A_477] : memref<3328xi32, #tpu.memory_space<vmem>> -> memref<128xi32, #tpu.memory_space<vmem>>
      %dma_wait3A_481 = arith.constant 0 : i32
      %dma_wait3A_482 = tpu.memref_slice %arg3[%dma_wait3A_481] : memref<2600000xf32, #tpu.memory_space<hbm>> -> memref<2600000xf32, #tpu.memory_space<hbm>>
      tpu.wait_indirect_dma semaphore(%arg13 : memref<!tpu.dma_semaphore, #tpu.memory_space<semaphore_mem>>) src(%dma_wait3A_482 : memref<2600000xf32, #tpu.memory_space<hbm>>) dst(%dma_wait3A : memref<128xf32, #tpu.memory_space<vmem>>)
      %add3A_483 = arith.constant 1 : i32
      %add3A_484 = arith.addi %add3A_344, %add3A_483 : i32
      %mul3A_485 = arith.constant 128 : i32
      %mul3A_486 = arith.muli %add3A_484, %mul3A_485 : i32
      %add3A_487 = arith.constant 3328 : i32
      %add3A_488 = arith.addi %add3A_487, %mul3A_486 : i32
      %dma_wait3A_489 = tpu.memref_slice %arg11[%add3A_488] : memref<16640xf32, #tpu.memory_space<vmem>> -> memref<128xf32, #tpu.memory_space<vmem>>
      %dma_wait3A_490 = tpu.memref_slice %arg10[%mul3A_486] : memref<3328xi32, #tpu.memory_space<vmem>> -> memref<128xi32, #tpu.memory_space<vmem>>
      %dma_wait3A_491 = arith.constant 0 : i32
      %dma_wait3A_492 = tpu.memref_slice %arg3[%dma_wait3A_491] : memref<2600000xf32, #tpu.memory_space<hbm>> -> memref<2600000xf32, #tpu.memory_space<hbm>>
      tpu.wait_indirect_dma semaphore(%arg13 : memref<!tpu.dma_semaphore, #tpu.memory_space<semaphore_mem>>) src(%dma_wait3A_492 : memref<2600000xf32, #tpu.memory_space<hbm>>) dst(%dma_wait3A_489 : memref<128xf32, #tpu.memory_space<vmem>>)
      %add3A_493 = arith.constant 2 : i32
      %add3A_494 = arith.addi %add3A_344, %add3A_493 : i32
      %mul3A_495 = arith.constant 128 : i32
      %mul3A_496 = arith.muli %add3A_494, %mul3A_495 : i32
      %add3A_497 = arith.constant 3328 : i32
      %add3A_498 = arith.addi %add3A_497, %mul3A_496 : i32
      %dma_wait3A_499 = tpu.memref_slice %arg11[%add3A_498] : memref<16640xf32, #tpu.memory_space<vmem>> -> memref<128xf32, #tpu.memory_space<vmem>>
      %dma_wait3A_500 = tpu.memref_slice %arg10[%mul3A_496] : memref<3328xi32, #tpu.memory_space<vmem>> -> memref<128xi32, #tpu.memory_space<vmem>>
      %dma_wait3A_501 = arith.constant 0 : i32
      %dma_wait3A_502 = tpu.memref_slice %arg3[%dma_wait3A_501] : memref<2600000xf32, #tpu.memory_space<hbm>> -> memref<2600000xf32, #tpu.memory_space<hbm>>
      tpu.wait_indirect_dma semaphore(%arg13 : memref<!tpu.dma_semaphore, #tpu.memory_space<semaphore_mem>>) src(%dma_wait3A_502 : memref<2600000xf32, #tpu.memory_space<hbm>>) dst(%dma_wait3A_499 : memref<128xf32, #tpu.memory_space<vmem>>)
      %add3A_503 = arith.constant 3 : i32
      %add3A_504 = arith.addi %add3A_344, %add3A_503 : i32
      %mul3A_505 = arith.constant 128 : i32
      %mul3A_506 = arith.muli %add3A_504, %mul3A_505 : i32
      %add3A_507 = arith.constant 3328 : i32
      %add3A_508 = arith.addi %add3A_507, %mul3A_506 : i32
      %dma_wait3A_509 = tpu.memref_slice %arg11[%add3A_508] : memref<16640xf32, #tpu.memory_space<vmem>> -> memref<128xf32, #tpu.memory_space<vmem>>
      %dma_wait3A_510 = tpu.memref_slice %arg10[%mul3A_506] : memref<3328xi32, #tpu.memory_space<vmem>> -> memref<128xi32, #tpu.memory_space<vmem>>
      %dma_wait3A_511 = arith.constant 0 : i32
      %dma_wait3A_512 = tpu.memref_slice %arg3[%dma_wait3A_511] : memref<2600000xf32, #tpu.memory_space<hbm>> -> memref<2600000xf32, #tpu.memory_space<hbm>>
      tpu.wait_indirect_dma semaphore(%arg13 : memref<!tpu.dma_semaphore, #tpu.memory_space<semaphore_mem>>) src(%dma_wait3A_512 : memref<2600000xf32, #tpu.memory_space<hbm>>) dst(%dma_wait3A_509 : memref<128xf32, #tpu.memory_space<vmem>>)
      %add3A_513 = arith.constant 4 : i32
      %add3A_514 = arith.addi %add3A_344, %add3A_513 : i32
      %mul3A_515 = arith.constant 128 : i32
      %mul3A_516 = arith.muli %add3A_514, %mul3A_515 : i32
      %add3A_517 = arith.constant 3328 : i32
      %add3A_518 = arith.addi %add3A_517, %mul3A_516 : i32
      %dma_wait3A_519 = tpu.memref_slice %arg11[%add3A_518] : memref<16640xf32, #tpu.memory_space<vmem>> -> memref<128xf32, #tpu.memory_space<vmem>>
      %dma_wait3A_520 = tpu.memref_slice %arg10[%mul3A_516] : memref<3328xi32, #tpu.memory_space<vmem>> -> memref<128xi32, #tpu.memory_space<vmem>>
      %dma_wait3A_521 = arith.constant 0 : i32
      %dma_wait3A_522 = tpu.memref_slice %arg3[%dma_wait3A_521] : memref<2600000xf32, #tpu.memory_space<hbm>> -> memref<2600000xf32, #tpu.memory_space<hbm>>
      tpu.wait_indirect_dma semaphore(%arg13 : memref<!tpu.dma_semaphore, #tpu.memory_space<semaphore_mem>>) src(%dma_wait3A_522 : memref<2600000xf32, #tpu.memory_space<hbm>>) dst(%dma_wait3A_519 : memref<128xf32, #tpu.memory_space<vmem>>)
      %add3A_523 = arith.constant 5 : i32
      %add3A_524 = arith.addi %add3A_344, %add3A_523 : i32
      %mul3A_525 = arith.constant 128 : i32
      %mul3A_526 = arith.muli %add3A_524, %mul3A_525 : i32
      %add3A_527 = arith.constant 3328 : i32
      %add3A_528 = arith.addi %add3A_527, %mul3A_526 : i32
      %dma_wait3A_529 = tpu.memref_slice %arg11[%add3A_528] : memref<16640xf32, #tpu.memory_space<vmem>> -> memref<128xf32, #tpu.memory_space<vmem>>
      %dma_wait3A_530 = tpu.memref_slice %arg10[%mul3A_526] : memref<3328xi32, #tpu.memory_space<vmem>> -> memref<128xi32, #tpu.memory_space<vmem>>
      %dma_wait3A_531 = arith.constant 0 : i32
      %dma_wait3A_532 = tpu.memref_slice %arg3[%dma_wait3A_531] : memref<2600000xf32, #tpu.memory_space<hbm>> -> memref<2600000xf32, #tpu.memory_space<hbm>>
      tpu.wait_indirect_dma semaphore(%arg13 : memref<!tpu.dma_semaphore, #tpu.memory_space<semaphore_mem>>) src(%dma_wait3A_532 : memref<2600000xf32, #tpu.memory_space<hbm>>) dst(%dma_wait3A_529 : memref<128xf32, #tpu.memory_space<vmem>>)
      %add3A_533 = arith.constant 6 : i32
      %add3A_534 = arith.addi %add3A_344, %add3A_533 : i32
      %mul3A_535 = arith.constant 128 : i32
      %mul3A_536 = arith.muli %add3A_534, %mul3A_535 : i32
      %add3A_537 = arith.constant 3328 : i32
      %add3A_538 = arith.addi %add3A_537, %mul3A_536 : i32
      %dma_wait3A_539 = tpu.memref_slice %arg11[%add3A_538] : memref<16640xf32, #tpu.memory_space<vmem>> -> memref<128xf32, #tpu.memory_space<vmem>>
      %dma_wait3A_540 = tpu.memref_slice %arg10[%mul3A_536] : memref<3328xi32, #tpu.memory_space<vmem>> -> memref<128xi32, #tpu.memory_space<vmem>>
      %dma_wait3A_541 = arith.constant 0 : i32
      %dma_wait3A_542 = tpu.memref_slice %arg3[%dma_wait3A_541] : memref<2600000xf32, #tpu.memory_space<hbm>> -> memref<2600000xf32, #tpu.memory_space<hbm>>
      tpu.wait_indirect_dma semaphore(%arg13 : memref<!tpu.dma_semaphore, #tpu.memory_space<semaphore_mem>>) src(%dma_wait3A_542 : memref<2600000xf32, #tpu.memory_space<hbm>>) dst(%dma_wait3A_539 : memref<128xf32, #tpu.memory_space<vmem>>)
      %add3A_543 = arith.constant 7 : i32
      %add3A_544 = arith.addi %add3A_344, %add3A_543 : i32
      %mul3A_545 = arith.constant 128 : i32
      %mul3A_546 = arith.muli %add3A_544, %mul3A_545 : i32
      %add3A_547 = arith.constant 3328 : i32
      %add3A_548 = arith.addi %add3A_547, %mul3A_546 : i32
      %dma_wait3A_549 = tpu.memref_slice %arg11[%add3A_548] : memref<16640xf32, #tpu.memory_space<vmem>> -> memref<128xf32, #tpu.memory_space<vmem>>
      %dma_wait3A_550 = tpu.memref_slice %arg10[%mul3A_546] : memref<3328xi32, #tpu.memory_space<vmem>> -> memref<128xi32, #tpu.memory_space<vmem>>
      %dma_wait3A_551 = arith.constant 0 : i32
      %dma_wait3A_552 = tpu.memref_slice %arg3[%dma_wait3A_551] : memref<2600000xf32, #tpu.memory_space<hbm>> -> memref<2600000xf32, #tpu.memory_space<hbm>>
      tpu.wait_indirect_dma semaphore(%arg13 : memref<!tpu.dma_semaphore, #tpu.memory_space<semaphore_mem>>) src(%dma_wait3A_552 : memref<2600000xf32, #tpu.memory_space<hbm>>) dst(%dma_wait3A_549 : memref<128xf32, #tpu.memory_space<vmem>>)
      %add3A_553 = arith.constant 8 : i32
      %add3A_554 = arith.addi %add3A_344, %add3A_553 : i32
      %mul3A_555 = arith.constant 128 : i32
      %mul3A_556 = arith.muli %add3A_554, %mul3A_555 : i32
      %add3A_557 = arith.constant 3328 : i32
      %add3A_558 = arith.addi %add3A_557, %mul3A_556 : i32
      %dma_wait3A_559 = tpu.memref_slice %arg11[%add3A_558] : memref<16640xf32, #tpu.memory_space<vmem>> -> memref<128xf32, #tpu.memory_space<vmem>>
      %dma_wait3A_560 = tpu.memref_slice %arg10[%mul3A_556] : memref<3328xi32, #tpu.memory_space<vmem>> -> memref<128xi32, #tpu.memory_space<vmem>>
      %dma_wait3A_561 = arith.constant 0 : i32
      %dma_wait3A_562 = tpu.memref_slice %arg3[%dma_wait3A_561] : memref<2600000xf32, #tpu.memory_space<hbm>> -> memref<2600000xf32, #tpu.memory_space<hbm>>
      tpu.wait_indirect_dma semaphore(%arg13 : memref<!tpu.dma_semaphore, #tpu.memory_space<semaphore_mem>>) src(%dma_wait3A_562 : memref<2600000xf32, #tpu.memory_space<hbm>>) dst(%dma_wait3A_559 : memref<128xf32, #tpu.memory_space<vmem>>)
      %add3A_563 = arith.constant 9 : i32
      %add3A_564 = arith.addi %add3A_344, %add3A_563 : i32
      %mul3A_565 = arith.constant 128 : i32
      %mul3A_566 = arith.muli %add3A_564, %mul3A_565 : i32
      %add3A_567 = arith.constant 3328 : i32
      %add3A_568 = arith.addi %add3A_567, %mul3A_566 : i32
      %dma_wait3A_569 = tpu.memref_slice %arg11[%add3A_568] : memref<16640xf32, #tpu.memory_space<vmem>> -> memref<128xf32, #tpu.memory_space<vmem>>
      %dma_wait3A_570 = tpu.memref_slice %arg10[%mul3A_566] : memref<3328xi32, #tpu.memory_space<vmem>> -> memref<128xi32, #tpu.memory_space<vmem>>
      %dma_wait3A_571 = arith.constant 0 : i32
      %dma_wait3A_572 = tpu.memref_slice %arg3[%dma_wait3A_571] : memref<2600000xf32, #tpu.memory_space<hbm>> -> memref<2600000xf32, #tpu.memory_space<hbm>>
      tpu.wait_indirect_dma semaphore(%arg13 : memref<!tpu.dma_semaphore, #tpu.memory_space<semaphore_mem>>) src(%dma_wait3A_572 : memref<2600000xf32, #tpu.memory_space<hbm>>) dst(%dma_wait3A_569 : memref<128xf32, #tpu.memory_space<vmem>>)
      %add3A_573 = arith.constant 10 : i32
      %add3A_574 = arith.addi %add3A_344, %add3A_573 : i32
      %mul3A_575 = arith.constant 128 : i32
      %mul3A_576 = arith.muli %add3A_574, %mul3A_575 : i32
      %add3A_577 = arith.constant 3328 : i32
      %add3A_578 = arith.addi %add3A_577, %mul3A_576 : i32
      %dma_wait3A_579 = tpu.memref_slice %arg11[%add3A_578] : memref<16640xf32, #tpu.memory_space<vmem>> -> memref<128xf32, #tpu.memory_space<vmem>>
      %dma_wait3A_580 = tpu.memref_slice %arg10[%mul3A_576] : memref<3328xi32, #tpu.memory_space<vmem>> -> memref<128xi32, #tpu.memory_space<vmem>>
      %dma_wait3A_581 = arith.constant 0 : i32
      %dma_wait3A_582 = tpu.memref_slice %arg3[%dma_wait3A_581] : memref<2600000xf32, #tpu.memory_space<hbm>> -> memref<2600000xf32, #tpu.memory_space<hbm>>
      tpu.wait_indirect_dma semaphore(%arg13 : memref<!tpu.dma_semaphore, #tpu.memory_space<semaphore_mem>>) src(%dma_wait3A_582 : memref<2600000xf32, #tpu.memory_space<hbm>>) dst(%dma_wait3A_579 : memref<128xf32, #tpu.memory_space<vmem>>)
      %add3A_583 = arith.constant 11 : i32
      %add3A_584 = arith.addi %add3A_344, %add3A_583 : i32
      %mul3A_585 = arith.constant 128 : i32
      %mul3A_586 = arith.muli %add3A_584, %mul3A_585 : i32
      %add3A_587 = arith.constant 3328 : i32
      %add3A_588 = arith.addi %add3A_587, %mul3A_586 : i32
      %dma_wait3A_589 = tpu.memref_slice %arg11[%add3A_588] : memref<16640xf32, #tpu.memory_space<vmem>> -> memref<128xf32, #tpu.memory_space<vmem>>
      %dma_wait3A_590 = tpu.memref_slice %arg10[%mul3A_586] : memref<3328xi32, #tpu.memory_space<vmem>> -> memref<128xi32, #tpu.memory_space<vmem>>
      %dma_wait3A_591 = arith.constant 0 : i32
      %dma_wait3A_592 = tpu.memref_slice %arg3[%dma_wait3A_591] : memref<2600000xf32, #tpu.memory_space<hbm>> -> memref<2600000xf32, #tpu.memory_space<hbm>>
      tpu.wait_indirect_dma semaphore(%arg13 : memref<!tpu.dma_semaphore, #tpu.memory_space<semaphore_mem>>) src(%dma_wait3A_592 : memref<2600000xf32, #tpu.memory_space<hbm>>) dst(%dma_wait3A_589 : memref<128xf32, #tpu.memory_space<vmem>>)
      %add3A_593 = arith.constant 12 : i32
      %add3A_594 = arith.addi %add3A_344, %add3A_593 : i32
      %mul3A_595 = arith.constant 128 : i32
      %mul3A_596 = arith.muli %add3A_594, %mul3A_595 : i32
      %add3A_597 = arith.constant 3328 : i32
      %add3A_598 = arith.addi %add3A_597, %mul3A_596 : i32
      %dma_wait3A_599 = tpu.memref_slice %arg11[%add3A_598] : memref<16640xf32, #tpu.memory_space<vmem>> -> memref<128xf32, #tpu.memory_space<vmem>>
      %dma_wait3A_600 = tpu.memref_slice %arg10[%mul3A_596] : memref<3328xi32, #tpu.memory_space<vmem>> -> memref<128xi32, #tpu.memory_space<vmem>>
      %dma_wait3A_601 = arith.constant 0 : i32
      %dma_wait3A_602 = tpu.memref_slice %arg3[%dma_wait3A_601] : memref<2600000xf32, #tpu.memory_space<hbm>> -> memref<2600000xf32, #tpu.memory_space<hbm>>
      tpu.wait_indirect_dma semaphore(%arg13 : memref<!tpu.dma_semaphore, #tpu.memory_space<semaphore_mem>>) src(%dma_wait3A_602 : memref<2600000xf32, #tpu.memory_space<hbm>>) dst(%dma_wait3A_599 : memref<128xf32, #tpu.memory_space<vmem>>)
    }
    %scan3A_286 = arith.constant 2 : i32
    %scan3A_287 = arith.constant 0 : i32
    %scan3A_288 = arith.constant 2 : i32
    %scan3A_289 = arith.addi %scan3A_287, %scan3A_288 : i32
    %scan3A_290 = arith.constant 1 : i32
    scf.for %scan3A_340 = %scan3A_287 to %scan3A_289 step %scan3A_290  : i32 {
      %mul3A_341 = arith.constant 13 : i32
      %mul3A_342 = arith.muli %scan3A_340, %mul3A_341 : i32
      %add3A_343 = arith.constant 0 : i32
      %add3A_344 = arith.addi %add3A_343, %mul3A_342 : i32
      %add3A_345 = arith.constant 0 : i32
      %add3A_346 = arith.addi %add3A_344, %add3A_345 : i32
      %mul3A_347 = arith.constant 128 : i32
      %mul3A_348 = arith.muli %add3A_346, %mul3A_347 : i32
      %add3A_349 = arith.constant 6656 : i32
      %add3A_350 = arith.addi %add3A_349, %mul3A_348 : i32
      %dma_start3A = tpu.memref_slice %arg11[%add3A_350] : memref<16640xf32, #tpu.memory_space<vmem>> -> memref<128xf32, #tpu.memory_space<vmem>>
      %dma_start3A_351 = tpu.memref_slice %arg10[%mul3A_348] : memref<3328xi32, #tpu.memory_space<vmem>> -> memref<128xi32, #tpu.memory_space<vmem>>
      %dma_start3A_352 = arith.constant 0 : i32
      %dma_start3A_353 = tpu.memref_slice %arg4[%dma_start3A_352] : memref<2600000xf32, #tpu.memory_space<hbm>> -> memref<2600000xf32, #tpu.memory_space<hbm>>
      tpu.enqueue_indirect_dma source(%dma_start3A_353 : memref<2600000xf32, #tpu.memory_space<hbm>>) target(%dma_start3A : memref<128xf32, #tpu.memory_space<vmem>>) offsets(%dma_start3A_351 : memref<128xi32, #tpu.memory_space<vmem>>) semaphore(%arg13 : memref<!tpu.dma_semaphore, #tpu.memory_space<semaphore_mem>>)
      %add3A_354 = arith.constant 1 : i32
      %add3A_355 = arith.addi %add3A_344, %add3A_354 : i32
      %mul3A_356 = arith.constant 128 : i32
      %mul3A_357 = arith.muli %add3A_355, %mul3A_356 : i32
      %add3A_358 = arith.constant 6656 : i32
      %add3A_359 = arith.addi %add3A_358, %mul3A_357 : i32
      %dma_start3A_360 = tpu.memref_slice %arg11[%add3A_359] : memref<16640xf32, #tpu.memory_space<vmem>> -> memref<128xf32, #tpu.memory_space<vmem>>
      %dma_start3A_361 = tpu.memref_slice %arg10[%mul3A_357] : memref<3328xi32, #tpu.memory_space<vmem>> -> memref<128xi32, #tpu.memory_space<vmem>>
      %dma_start3A_362 = arith.constant 0 : i32
      %dma_start3A_363 = tpu.memref_slice %arg4[%dma_start3A_362] : memref<2600000xf32, #tpu.memory_space<hbm>> -> memref<2600000xf32, #tpu.memory_space<hbm>>
      tpu.enqueue_indirect_dma source(%dma_start3A_363 : memref<2600000xf32, #tpu.memory_space<hbm>>) target(%dma_start3A_360 : memref<128xf32, #tpu.memory_space<vmem>>) offsets(%dma_start3A_361 : memref<128xi32, #tpu.memory_space<vmem>>) semaphore(%arg13 : memref<!tpu.dma_semaphore, #tpu.memory_space<semaphore_mem>>)
      %add3A_364 = arith.constant 2 : i32
      %add3A_365 = arith.addi %add3A_344, %add3A_364 : i32
      %mul3A_366 = arith.constant 128 : i32
      %mul3A_367 = arith.muli %add3A_365, %mul3A_366 : i32
      %add3A_368 = arith.constant 6656 : i32
      %add3A_369 = arith.addi %add3A_368, %mul3A_367 : i32
      %dma_start3A_370 = tpu.memref_slice %arg11[%add3A_369] : memref<16640xf32, #tpu.memory_space<vmem>> -> memref<128xf32, #tpu.memory_space<vmem>>
      %dma_start3A_371 = tpu.memref_slice %arg10[%mul3A_367] : memref<3328xi32, #tpu.memory_space<vmem>> -> memref<128xi32, #tpu.memory_space<vmem>>
      %dma_start3A_372 = arith.constant 0 : i32
      %dma_start3A_373 = tpu.memref_slice %arg4[%dma_start3A_372] : memref<2600000xf32, #tpu.memory_space<hbm>> -> memref<2600000xf32, #tpu.memory_space<hbm>>
      tpu.enqueue_indirect_dma source(%dma_start3A_373 : memref<2600000xf32, #tpu.memory_space<hbm>>) target(%dma_start3A_370 : memref<128xf32, #tpu.memory_space<vmem>>) offsets(%dma_start3A_371 : memref<128xi32, #tpu.memory_space<vmem>>) semaphore(%arg13 : memref<!tpu.dma_semaphore, #tpu.memory_space<semaphore_mem>>)
      %add3A_374 = arith.constant 3 : i32
      %add3A_375 = arith.addi %add3A_344, %add3A_374 : i32
      %mul3A_376 = arith.constant 128 : i32
      %mul3A_377 = arith.muli %add3A_375, %mul3A_376 : i32
      %add3A_378 = arith.constant 6656 : i32
      %add3A_379 = arith.addi %add3A_378, %mul3A_377 : i32
      %dma_start3A_380 = tpu.memref_slice %arg11[%add3A_379] : memref<16640xf32, #tpu.memory_space<vmem>> -> memref<128xf32, #tpu.memory_space<vmem>>
      %dma_start3A_381 = tpu.memref_slice %arg10[%mul3A_377] : memref<3328xi32, #tpu.memory_space<vmem>> -> memref<128xi32, #tpu.memory_space<vmem>>
      %dma_start3A_382 = arith.constant 0 : i32
      %dma_start3A_383 = tpu.memref_slice %arg4[%dma_start3A_382] : memref<2600000xf32, #tpu.memory_space<hbm>> -> memref<2600000xf32, #tpu.memory_space<hbm>>
      tpu.enqueue_indirect_dma source(%dma_start3A_383 : memref<2600000xf32, #tpu.memory_space<hbm>>) target(%dma_start3A_380 : memref<128xf32, #tpu.memory_space<vmem>>) offsets(%dma_start3A_381 : memref<128xi32, #tpu.memory_space<vmem>>) semaphore(%arg13 : memref<!tpu.dma_semaphore, #tpu.memory_space<semaphore_mem>>)
      %add3A_384 = arith.constant 4 : i32
      %add3A_385 = arith.addi %add3A_344, %add3A_384 : i32
      %mul3A_386 = arith.constant 128 : i32
      %mul3A_387 = arith.muli %add3A_385, %mul3A_386 : i32
      %add3A_388 = arith.constant 6656 : i32
      %add3A_389 = arith.addi %add3A_388, %mul3A_387 : i32
      %dma_start3A_390 = tpu.memref_slice %arg11[%add3A_389] : memref<16640xf32, #tpu.memory_space<vmem>> -> memref<128xf32, #tpu.memory_space<vmem>>
      %dma_start3A_391 = tpu.memref_slice %arg10[%mul3A_387] : memref<3328xi32, #tpu.memory_space<vmem>> -> memref<128xi32, #tpu.memory_space<vmem>>
      %dma_start3A_392 = arith.constant 0 : i32
      %dma_start3A_393 = tpu.memref_slice %arg4[%dma_start3A_392] : memref<2600000xf32, #tpu.memory_space<hbm>> -> memref<2600000xf32, #tpu.memory_space<hbm>>
      tpu.enqueue_indirect_dma source(%dma_start3A_393 : memref<2600000xf32, #tpu.memory_space<hbm>>) target(%dma_start3A_390 : memref<128xf32, #tpu.memory_space<vmem>>) offsets(%dma_start3A_391 : memref<128xi32, #tpu.memory_space<vmem>>) semaphore(%arg13 : memref<!tpu.dma_semaphore, #tpu.memory_space<semaphore_mem>>)
      %add3A_394 = arith.constant 5 : i32
      %add3A_395 = arith.addi %add3A_344, %add3A_394 : i32
      %mul3A_396 = arith.constant 128 : i32
      %mul3A_397 = arith.muli %add3A_395, %mul3A_396 : i32
      %add3A_398 = arith.constant 6656 : i32
      %add3A_399 = arith.addi %add3A_398, %mul3A_397 : i32
      %dma_start3A_400 = tpu.memref_slice %arg11[%add3A_399] : memref<16640xf32, #tpu.memory_space<vmem>> -> memref<128xf32, #tpu.memory_space<vmem>>
      %dma_start3A_401 = tpu.memref_slice %arg10[%mul3A_397] : memref<3328xi32, #tpu.memory_space<vmem>> -> memref<128xi32, #tpu.memory_space<vmem>>
      %dma_start3A_402 = arith.constant 0 : i32
      %dma_start3A_403 = tpu.memref_slice %arg4[%dma_start3A_402] : memref<2600000xf32, #tpu.memory_space<hbm>> -> memref<2600000xf32, #tpu.memory_space<hbm>>
      tpu.enqueue_indirect_dma source(%dma_start3A_403 : memref<2600000xf32, #tpu.memory_space<hbm>>) target(%dma_start3A_400 : memref<128xf32, #tpu.memory_space<vmem>>) offsets(%dma_start3A_401 : memref<128xi32, #tpu.memory_space<vmem>>) semaphore(%arg13 : memref<!tpu.dma_semaphore, #tpu.memory_space<semaphore_mem>>)
      %add3A_404 = arith.constant 6 : i32
      %add3A_405 = arith.addi %add3A_344, %add3A_404 : i32
      %mul3A_406 = arith.constant 128 : i32
      %mul3A_407 = arith.muli %add3A_405, %mul3A_406 : i32
      %add3A_408 = arith.constant 6656 : i32
      %add3A_409 = arith.addi %add3A_408, %mul3A_407 : i32
      %dma_start3A_410 = tpu.memref_slice %arg11[%add3A_409] : memref<16640xf32, #tpu.memory_space<vmem>> -> memref<128xf32, #tpu.memory_space<vmem>>
      %dma_start3A_411 = tpu.memref_slice %arg10[%mul3A_407] : memref<3328xi32, #tpu.memory_space<vmem>> -> memref<128xi32, #tpu.memory_space<vmem>>
      %dma_start3A_412 = arith.constant 0 : i32
      %dma_start3A_413 = tpu.memref_slice %arg4[%dma_start3A_412] : memref<2600000xf32, #tpu.memory_space<hbm>> -> memref<2600000xf32, #tpu.memory_space<hbm>>
      tpu.enqueue_indirect_dma source(%dma_start3A_413 : memref<2600000xf32, #tpu.memory_space<hbm>>) target(%dma_start3A_410 : memref<128xf32, #tpu.memory_space<vmem>>) offsets(%dma_start3A_411 : memref<128xi32, #tpu.memory_space<vmem>>) semaphore(%arg13 : memref<!tpu.dma_semaphore, #tpu.memory_space<semaphore_mem>>)
      %add3A_414 = arith.constant 7 : i32
      %add3A_415 = arith.addi %add3A_344, %add3A_414 : i32
      %mul3A_416 = arith.constant 128 : i32
      %mul3A_417 = arith.muli %add3A_415, %mul3A_416 : i32
      %add3A_418 = arith.constant 6656 : i32
      %add3A_419 = arith.addi %add3A_418, %mul3A_417 : i32
      %dma_start3A_420 = tpu.memref_slice %arg11[%add3A_419] : memref<16640xf32, #tpu.memory_space<vmem>> -> memref<128xf32, #tpu.memory_space<vmem>>
      %dma_start3A_421 = tpu.memref_slice %arg10[%mul3A_417] : memref<3328xi32, #tpu.memory_space<vmem>> -> memref<128xi32, #tpu.memory_space<vmem>>
      %dma_start3A_422 = arith.constant 0 : i32
      %dma_start3A_423 = tpu.memref_slice %arg4[%dma_start3A_422] : memref<2600000xf32, #tpu.memory_space<hbm>> -> memref<2600000xf32, #tpu.memory_space<hbm>>
      tpu.enqueue_indirect_dma source(%dma_start3A_423 : memref<2600000xf32, #tpu.memory_space<hbm>>) target(%dma_start3A_420 : memref<128xf32, #tpu.memory_space<vmem>>) offsets(%dma_start3A_421 : memref<128xi32, #tpu.memory_space<vmem>>) semaphore(%arg13 : memref<!tpu.dma_semaphore, #tpu.memory_space<semaphore_mem>>)
      %add3A_424 = arith.constant 8 : i32
      %add3A_425 = arith.addi %add3A_344, %add3A_424 : i32
      %mul3A_426 = arith.constant 128 : i32
      %mul3A_427 = arith.muli %add3A_425, %mul3A_426 : i32
      %add3A_428 = arith.constant 6656 : i32
      %add3A_429 = arith.addi %add3A_428, %mul3A_427 : i32
      %dma_start3A_430 = tpu.memref_slice %arg11[%add3A_429] : memref<16640xf32, #tpu.memory_space<vmem>> -> memref<128xf32, #tpu.memory_space<vmem>>
      %dma_start3A_431 = tpu.memref_slice %arg10[%mul3A_427] : memref<3328xi32, #tpu.memory_space<vmem>> -> memref<128xi32, #tpu.memory_space<vmem>>
      %dma_start3A_432 = arith.constant 0 : i32
      %dma_start3A_433 = tpu.memref_slice %arg4[%dma_start3A_432] : memref<2600000xf32, #tpu.memory_space<hbm>> -> memref<2600000xf32, #tpu.memory_space<hbm>>
      tpu.enqueue_indirect_dma source(%dma_start3A_433 : memref<2600000xf32, #tpu.memory_space<hbm>>) target(%dma_start3A_430 : memref<128xf32, #tpu.memory_space<vmem>>) offsets(%dma_start3A_431 : memref<128xi32, #tpu.memory_space<vmem>>) semaphore(%arg13 : memref<!tpu.dma_semaphore, #tpu.memory_space<semaphore_mem>>)
      %add3A_434 = arith.constant 9 : i32
      %add3A_435 = arith.addi %add3A_344, %add3A_434 : i32
      %mul3A_436 = arith.constant 128 : i32
      %mul3A_437 = arith.muli %add3A_435, %mul3A_436 : i32
      %add3A_438 = arith.constant 6656 : i32
      %add3A_439 = arith.addi %add3A_438, %mul3A_437 : i32
      %dma_start3A_440 = tpu.memref_slice %arg11[%add3A_439] : memref<16640xf32, #tpu.memory_space<vmem>> -> memref<128xf32, #tpu.memory_space<vmem>>
      %dma_start3A_441 = tpu.memref_slice %arg10[%mul3A_437] : memref<3328xi32, #tpu.memory_space<vmem>> -> memref<128xi32, #tpu.memory_space<vmem>>
      %dma_start3A_442 = arith.constant 0 : i32
      %dma_start3A_443 = tpu.memref_slice %arg4[%dma_start3A_442] : memref<2600000xf32, #tpu.memory_space<hbm>> -> memref<2600000xf32, #tpu.memory_space<hbm>>
      tpu.enqueue_indirect_dma source(%dma_start3A_443 : memref<2600000xf32, #tpu.memory_space<hbm>>) target(%dma_start3A_440 : memref<128xf32, #tpu.memory_space<vmem>>) offsets(%dma_start3A_441 : memref<128xi32, #tpu.memory_space<vmem>>) semaphore(%arg13 : memref<!tpu.dma_semaphore, #tpu.memory_space<semaphore_mem>>)
      %add3A_444 = arith.constant 10 : i32
      %add3A_445 = arith.addi %add3A_344, %add3A_444 : i32
      %mul3A_446 = arith.constant 128 : i32
      %mul3A_447 = arith.muli %add3A_445, %mul3A_446 : i32
      %add3A_448 = arith.constant 6656 : i32
      %add3A_449 = arith.addi %add3A_448, %mul3A_447 : i32
      %dma_start3A_450 = tpu.memref_slice %arg11[%add3A_449] : memref<16640xf32, #tpu.memory_space<vmem>> -> memref<128xf32, #tpu.memory_space<vmem>>
      %dma_start3A_451 = tpu.memref_slice %arg10[%mul3A_447] : memref<3328xi32, #tpu.memory_space<vmem>> -> memref<128xi32, #tpu.memory_space<vmem>>
      %dma_start3A_452 = arith.constant 0 : i32
      %dma_start3A_453 = tpu.memref_slice %arg4[%dma_start3A_452] : memref<2600000xf32, #tpu.memory_space<hbm>> -> memref<2600000xf32, #tpu.memory_space<hbm>>
      tpu.enqueue_indirect_dma source(%dma_start3A_453 : memref<2600000xf32, #tpu.memory_space<hbm>>) target(%dma_start3A_450 : memref<128xf32, #tpu.memory_space<vmem>>) offsets(%dma_start3A_451 : memref<128xi32, #tpu.memory_space<vmem>>) semaphore(%arg13 : memref<!tpu.dma_semaphore, #tpu.memory_space<semaphore_mem>>)
      %add3A_454 = arith.constant 11 : i32
      %add3A_455 = arith.addi %add3A_344, %add3A_454 : i32
      %mul3A_456 = arith.constant 128 : i32
      %mul3A_457 = arith.muli %add3A_455, %mul3A_456 : i32
      %add3A_458 = arith.constant 6656 : i32
      %add3A_459 = arith.addi %add3A_458, %mul3A_457 : i32
      %dma_start3A_460 = tpu.memref_slice %arg11[%add3A_459] : memref<16640xf32, #tpu.memory_space<vmem>> -> memref<128xf32, #tpu.memory_space<vmem>>
      %dma_start3A_461 = tpu.memref_slice %arg10[%mul3A_457] : memref<3328xi32, #tpu.memory_space<vmem>> -> memref<128xi32, #tpu.memory_space<vmem>>
      %dma_start3A_462 = arith.constant 0 : i32
      %dma_start3A_463 = tpu.memref_slice %arg4[%dma_start3A_462] : memref<2600000xf32, #tpu.memory_space<hbm>> -> memref<2600000xf32, #tpu.memory_space<hbm>>
      tpu.enqueue_indirect_dma source(%dma_start3A_463 : memref<2600000xf32, #tpu.memory_space<hbm>>) target(%dma_start3A_460 : memref<128xf32, #tpu.memory_space<vmem>>) offsets(%dma_start3A_461 : memref<128xi32, #tpu.memory_space<vmem>>) semaphore(%arg13 : memref<!tpu.dma_semaphore, #tpu.memory_space<semaphore_mem>>)
      %add3A_464 = arith.constant 12 : i32
      %add3A_465 = arith.addi %add3A_344, %add3A_464 : i32
      %mul3A_466 = arith.constant 128 : i32
      %mul3A_467 = arith.muli %add3A_465, %mul3A_466 : i32
      %add3A_468 = arith.constant 6656 : i32
      %add3A_469 = arith.addi %add3A_468, %mul3A_467 : i32
      %dma_start3A_470 = tpu.memref_slice %arg11[%add3A_469] : memref<16640xf32, #tpu.memory_space<vmem>> -> memref<128xf32, #tpu.memory_space<vmem>>
      %dma_start3A_471 = tpu.memref_slice %arg10[%mul3A_467] : memref<3328xi32, #tpu.memory_space<vmem>> -> memref<128xi32, #tpu.memory_space<vmem>>
      %dma_start3A_472 = arith.constant 0 : i32
      %dma_start3A_473 = tpu.memref_slice %arg4[%dma_start3A_472] : memref<2600000xf32, #tpu.memory_space<hbm>> -> memref<2600000xf32, #tpu.memory_space<hbm>>
      tpu.enqueue_indirect_dma source(%dma_start3A_473 : memref<2600000xf32, #tpu.memory_space<hbm>>) target(%dma_start3A_470 : memref<128xf32, #tpu.memory_space<vmem>>) offsets(%dma_start3A_471 : memref<128xi32, #tpu.memory_space<vmem>>) semaphore(%arg13 : memref<!tpu.dma_semaphore, #tpu.memory_space<semaphore_mem>>)
      %add3A_474 = arith.constant 0 : i32
      %add3A_475 = arith.addi %add3A_344, %add3A_474 : i32
      %mul3A_476 = arith.constant 128 : i32
      %mul3A_477 = arith.muli %add3A_475, %mul3A_476 : i32
      %add3A_478 = arith.constant 6656 : i32
      %add3A_479 = arith.addi %add3A_478, %mul3A_477 : i32
      %dma_wait3A = tpu.memref_slice %arg11[%add3A_479] : memref<16640xf32, #tpu.memory_space<vmem>> -> memref<128xf32, #tpu.memory_space<vmem>>
      %dma_wait3A_480 = tpu.memref_slice %arg10[%mul3A_477] : memref<3328xi32, #tpu.memory_space<vmem>> -> memref<128xi32, #tpu.memory_space<vmem>>
      %dma_wait3A_481 = arith.constant 0 : i32
      %dma_wait3A_482 = tpu.memref_slice %arg4[%dma_wait3A_481] : memref<2600000xf32, #tpu.memory_space<hbm>> -> memref<2600000xf32, #tpu.memory_space<hbm>>
      tpu.wait_indirect_dma semaphore(%arg13 : memref<!tpu.dma_semaphore, #tpu.memory_space<semaphore_mem>>) src(%dma_wait3A_482 : memref<2600000xf32, #tpu.memory_space<hbm>>) dst(%dma_wait3A : memref<128xf32, #tpu.memory_space<vmem>>)
      %add3A_483 = arith.constant 1 : i32
      %add3A_484 = arith.addi %add3A_344, %add3A_483 : i32
      %mul3A_485 = arith.constant 128 : i32
      %mul3A_486 = arith.muli %add3A_484, %mul3A_485 : i32
      %add3A_487 = arith.constant 6656 : i32
      %add3A_488 = arith.addi %add3A_487, %mul3A_486 : i32
      %dma_wait3A_489 = tpu.memref_slice %arg11[%add3A_488] : memref<16640xf32, #tpu.memory_space<vmem>> -> memref<128xf32, #tpu.memory_space<vmem>>
      %dma_wait3A_490 = tpu.memref_slice %arg10[%mul3A_486] : memref<3328xi32, #tpu.memory_space<vmem>> -> memref<128xi32, #tpu.memory_space<vmem>>
      %dma_wait3A_491 = arith.constant 0 : i32
      %dma_wait3A_492 = tpu.memref_slice %arg4[%dma_wait3A_491] : memref<2600000xf32, #tpu.memory_space<hbm>> -> memref<2600000xf32, #tpu.memory_space<hbm>>
      tpu.wait_indirect_dma semaphore(%arg13 : memref<!tpu.dma_semaphore, #tpu.memory_space<semaphore_mem>>) src(%dma_wait3A_492 : memref<2600000xf32, #tpu.memory_space<hbm>>) dst(%dma_wait3A_489 : memref<128xf32, #tpu.memory_space<vmem>>)
      %add3A_493 = arith.constant 2 : i32
      %add3A_494 = arith.addi %add3A_344, %add3A_493 : i32
      %mul3A_495 = arith.constant 128 : i32
      %mul3A_496 = arith.muli %add3A_494, %mul3A_495 : i32
      %add3A_497 = arith.constant 6656 : i32
      %add3A_498 = arith.addi %add3A_497, %mul3A_496 : i32
      %dma_wait3A_499 = tpu.memref_slice %arg11[%add3A_498] : memref<16640xf32, #tpu.memory_space<vmem>> -> memref<128xf32, #tpu.memory_space<vmem>>
      %dma_wait3A_500 = tpu.memref_slice %arg10[%mul3A_496] : memref<3328xi32, #tpu.memory_space<vmem>> -> memref<128xi32, #tpu.memory_space<vmem>>
      %dma_wait3A_501 = arith.constant 0 : i32
      %dma_wait3A_502 = tpu.memref_slice %arg4[%dma_wait3A_501] : memref<2600000xf32, #tpu.memory_space<hbm>> -> memref<2600000xf32, #tpu.memory_space<hbm>>
      tpu.wait_indirect_dma semaphore(%arg13 : memref<!tpu.dma_semaphore, #tpu.memory_space<semaphore_mem>>) src(%dma_wait3A_502 : memref<2600000xf32, #tpu.memory_space<hbm>>) dst(%dma_wait3A_499 : memref<128xf32, #tpu.memory_space<vmem>>)
      %add3A_503 = arith.constant 3 : i32
      %add3A_504 = arith.addi %add3A_344, %add3A_503 : i32
      %mul3A_505 = arith.constant 128 : i32
      %mul3A_506 = arith.muli %add3A_504, %mul3A_505 : i32
      %add3A_507 = arith.constant 6656 : i32
      %add3A_508 = arith.addi %add3A_507, %mul3A_506 : i32
      %dma_wait3A_509 = tpu.memref_slice %arg11[%add3A_508] : memref<16640xf32, #tpu.memory_space<vmem>> -> memref<128xf32, #tpu.memory_space<vmem>>
      %dma_wait3A_510 = tpu.memref_slice %arg10[%mul3A_506] : memref<3328xi32, #tpu.memory_space<vmem>> -> memref<128xi32, #tpu.memory_space<vmem>>
      %dma_wait3A_511 = arith.constant 0 : i32
      %dma_wait3A_512 = tpu.memref_slice %arg4[%dma_wait3A_511] : memref<2600000xf32, #tpu.memory_space<hbm>> -> memref<2600000xf32, #tpu.memory_space<hbm>>
      tpu.wait_indirect_dma semaphore(%arg13 : memref<!tpu.dma_semaphore, #tpu.memory_space<semaphore_mem>>) src(%dma_wait3A_512 : memref<2600000xf32, #tpu.memory_space<hbm>>) dst(%dma_wait3A_509 : memref<128xf32, #tpu.memory_space<vmem>>)
      %add3A_513 = arith.constant 4 : i32
      %add3A_514 = arith.addi %add3A_344, %add3A_513 : i32
      %mul3A_515 = arith.constant 128 : i32
      %mul3A_516 = arith.muli %add3A_514, %mul3A_515 : i32
      %add3A_517 = arith.constant 6656 : i32
      %add3A_518 = arith.addi %add3A_517, %mul3A_516 : i32
      %dma_wait3A_519 = tpu.memref_slice %arg11[%add3A_518] : memref<16640xf32, #tpu.memory_space<vmem>> -> memref<128xf32, #tpu.memory_space<vmem>>
      %dma_wait3A_520 = tpu.memref_slice %arg10[%mul3A_516] : memref<3328xi32, #tpu.memory_space<vmem>> -> memref<128xi32, #tpu.memory_space<vmem>>
      %dma_wait3A_521 = arith.constant 0 : i32
      %dma_wait3A_522 = tpu.memref_slice %arg4[%dma_wait3A_521] : memref<2600000xf32, #tpu.memory_space<hbm>> -> memref<2600000xf32, #tpu.memory_space<hbm>>
      tpu.wait_indirect_dma semaphore(%arg13 : memref<!tpu.dma_semaphore, #tpu.memory_space<semaphore_mem>>) src(%dma_wait3A_522 : memref<2600000xf32, #tpu.memory_space<hbm>>) dst(%dma_wait3A_519 : memref<128xf32, #tpu.memory_space<vmem>>)
      %add3A_523 = arith.constant 5 : i32
      %add3A_524 = arith.addi %add3A_344, %add3A_523 : i32
      %mul3A_525 = arith.constant 128 : i32
      %mul3A_526 = arith.muli %add3A_524, %mul3A_525 : i32
      %add3A_527 = arith.constant 6656 : i32
      %add3A_528 = arith.addi %add3A_527, %mul3A_526 : i32
      %dma_wait3A_529 = tpu.memref_slice %arg11[%add3A_528] : memref<16640xf32, #tpu.memory_space<vmem>> -> memref<128xf32, #tpu.memory_space<vmem>>
      %dma_wait3A_530 = tpu.memref_slice %arg10[%mul3A_526] : memref<3328xi32, #tpu.memory_space<vmem>> -> memref<128xi32, #tpu.memory_space<vmem>>
      %dma_wait3A_531 = arith.constant 0 : i32
      %dma_wait3A_532 = tpu.memref_slice %arg4[%dma_wait3A_531] : memref<2600000xf32, #tpu.memory_space<hbm>> -> memref<2600000xf32, #tpu.memory_space<hbm>>
      tpu.wait_indirect_dma semaphore(%arg13 : memref<!tpu.dma_semaphore, #tpu.memory_space<semaphore_mem>>) src(%dma_wait3A_532 : memref<2600000xf32, #tpu.memory_space<hbm>>) dst(%dma_wait3A_529 : memref<128xf32, #tpu.memory_space<vmem>>)
      %add3A_533 = arith.constant 6 : i32
      %add3A_534 = arith.addi %add3A_344, %add3A_533 : i32
      %mul3A_535 = arith.constant 128 : i32
      %mul3A_536 = arith.muli %add3A_534, %mul3A_535 : i32
      %add3A_537 = arith.constant 6656 : i32
      %add3A_538 = arith.addi %add3A_537, %mul3A_536 : i32
      %dma_wait3A_539 = tpu.memref_slice %arg11[%add3A_538] : memref<16640xf32, #tpu.memory_space<vmem>> -> memref<128xf32, #tpu.memory_space<vmem>>
      %dma_wait3A_540 = tpu.memref_slice %arg10[%mul3A_536] : memref<3328xi32, #tpu.memory_space<vmem>> -> memref<128xi32, #tpu.memory_space<vmem>>
      %dma_wait3A_541 = arith.constant 0 : i32
      %dma_wait3A_542 = tpu.memref_slice %arg4[%dma_wait3A_541] : memref<2600000xf32, #tpu.memory_space<hbm>> -> memref<2600000xf32, #tpu.memory_space<hbm>>
      tpu.wait_indirect_dma semaphore(%arg13 : memref<!tpu.dma_semaphore, #tpu.memory_space<semaphore_mem>>) src(%dma_wait3A_542 : memref<2600000xf32, #tpu.memory_space<hbm>>) dst(%dma_wait3A_539 : memref<128xf32, #tpu.memory_space<vmem>>)
      %add3A_543 = arith.constant 7 : i32
      %add3A_544 = arith.addi %add3A_344, %add3A_543 : i32
      %mul3A_545 = arith.constant 128 : i32
      %mul3A_546 = arith.muli %add3A_544, %mul3A_545 : i32
      %add3A_547 = arith.constant 6656 : i32
      %add3A_548 = arith.addi %add3A_547, %mul3A_546 : i32
      %dma_wait3A_549 = tpu.memref_slice %arg11[%add3A_548] : memref<16640xf32, #tpu.memory_space<vmem>> -> memref<128xf32, #tpu.memory_space<vmem>>
      %dma_wait3A_550 = tpu.memref_slice %arg10[%mul3A_546] : memref<3328xi32, #tpu.memory_space<vmem>> -> memref<128xi32, #tpu.memory_space<vmem>>
      %dma_wait3A_551 = arith.constant 0 : i32
      %dma_wait3A_552 = tpu.memref_slice %arg4[%dma_wait3A_551] : memref<2600000xf32, #tpu.memory_space<hbm>> -> memref<2600000xf32, #tpu.memory_space<hbm>>
      tpu.wait_indirect_dma semaphore(%arg13 : memref<!tpu.dma_semaphore, #tpu.memory_space<semaphore_mem>>) src(%dma_wait3A_552 : memref<2600000xf32, #tpu.memory_space<hbm>>) dst(%dma_wait3A_549 : memref<128xf32, #tpu.memory_space<vmem>>)
      %add3A_553 = arith.constant 8 : i32
      %add3A_554 = arith.addi %add3A_344, %add3A_553 : i32
      %mul3A_555 = arith.constant 128 : i32
      %mul3A_556 = arith.muli %add3A_554, %mul3A_555 : i32
      %add3A_557 = arith.constant 6656 : i32
      %add3A_558 = arith.addi %add3A_557, %mul3A_556 : i32
      %dma_wait3A_559 = tpu.memref_slice %arg11[%add3A_558] : memref<16640xf32, #tpu.memory_space<vmem>> -> memref<128xf32, #tpu.memory_space<vmem>>
      %dma_wait3A_560 = tpu.memref_slice %arg10[%mul3A_556] : memref<3328xi32, #tpu.memory_space<vmem>> -> memref<128xi32, #tpu.memory_space<vmem>>
      %dma_wait3A_561 = arith.constant 0 : i32
      %dma_wait3A_562 = tpu.memref_slice %arg4[%dma_wait3A_561] : memref<2600000xf32, #tpu.memory_space<hbm>> -> memref<2600000xf32, #tpu.memory_space<hbm>>
      tpu.wait_indirect_dma semaphore(%arg13 : memref<!tpu.dma_semaphore, #tpu.memory_space<semaphore_mem>>) src(%dma_wait3A_562 : memref<2600000xf32, #tpu.memory_space<hbm>>) dst(%dma_wait3A_559 : memref<128xf32, #tpu.memory_space<vmem>>)
      %add3A_563 = arith.constant 9 : i32
      %add3A_564 = arith.addi %add3A_344, %add3A_563 : i32
      %mul3A_565 = arith.constant 128 : i32
      %mul3A_566 = arith.muli %add3A_564, %mul3A_565 : i32
      %add3A_567 = arith.constant 6656 : i32
      %add3A_568 = arith.addi %add3A_567, %mul3A_566 : i32
      %dma_wait3A_569 = tpu.memref_slice %arg11[%add3A_568] : memref<16640xf32, #tpu.memory_space<vmem>> -> memref<128xf32, #tpu.memory_space<vmem>>
      %dma_wait3A_570 = tpu.memref_slice %arg10[%mul3A_566] : memref<3328xi32, #tpu.memory_space<vmem>> -> memref<128xi32, #tpu.memory_space<vmem>>
      %dma_wait3A_571 = arith.constant 0 : i32
      %dma_wait3A_572 = tpu.memref_slice %arg4[%dma_wait3A_571] : memref<2600000xf32, #tpu.memory_space<hbm>> -> memref<2600000xf32, #tpu.memory_space<hbm>>
      tpu.wait_indirect_dma semaphore(%arg13 : memref<!tpu.dma_semaphore, #tpu.memory_space<semaphore_mem>>) src(%dma_wait3A_572 : memref<2600000xf32, #tpu.memory_space<hbm>>) dst(%dma_wait3A_569 : memref<128xf32, #tpu.memory_space<vmem>>)
      %add3A_573 = arith.constant 10 : i32
      %add3A_574 = arith.addi %add3A_344, %add3A_573 : i32
      %mul3A_575 = arith.constant 128 : i32
      %mul3A_576 = arith.muli %add3A_574, %mul3A_575 : i32
      %add3A_577 = arith.constant 6656 : i32
      %add3A_578 = arith.addi %add3A_577, %mul3A_576 : i32
      %dma_wait3A_579 = tpu.memref_slice %arg11[%add3A_578] : memref<16640xf32, #tpu.memory_space<vmem>> -> memref<128xf32, #tpu.memory_space<vmem>>
      %dma_wait3A_580 = tpu.memref_slice %arg10[%mul3A_576] : memref<3328xi32, #tpu.memory_space<vmem>> -> memref<128xi32, #tpu.memory_space<vmem>>
      %dma_wait3A_581 = arith.constant 0 : i32
      %dma_wait3A_582 = tpu.memref_slice %arg4[%dma_wait3A_581] : memref<2600000xf32, #tpu.memory_space<hbm>> -> memref<2600000xf32, #tpu.memory_space<hbm>>
      tpu.wait_indirect_dma semaphore(%arg13 : memref<!tpu.dma_semaphore, #tpu.memory_space<semaphore_mem>>) src(%dma_wait3A_582 : memref<2600000xf32, #tpu.memory_space<hbm>>) dst(%dma_wait3A_579 : memref<128xf32, #tpu.memory_space<vmem>>)
      %add3A_583 = arith.constant 11 : i32
      %add3A_584 = arith.addi %add3A_344, %add3A_583 : i32
      %mul3A_585 = arith.constant 128 : i32
      %mul3A_586 = arith.muli %add3A_584, %mul3A_585 : i32
      %add3A_587 = arith.constant 6656 : i32
      %add3A_588 = arith.addi %add3A_587, %mul3A_586 : i32
      %dma_wait3A_589 = tpu.memref_slice %arg11[%add3A_588] : memref<16640xf32, #tpu.memory_space<vmem>> -> memref<128xf32, #tpu.memory_space<vmem>>
      %dma_wait3A_590 = tpu.memref_slice %arg10[%mul3A_586] : memref<3328xi32, #tpu.memory_space<vmem>> -> memref<128xi32, #tpu.memory_space<vmem>>
      %dma_wait3A_591 = arith.constant 0 : i32
      %dma_wait3A_592 = tpu.memref_slice %arg4[%dma_wait3A_591] : memref<2600000xf32, #tpu.memory_space<hbm>> -> memref<2600000xf32, #tpu.memory_space<hbm>>
      tpu.wait_indirect_dma semaphore(%arg13 : memref<!tpu.dma_semaphore, #tpu.memory_space<semaphore_mem>>) src(%dma_wait3A_592 : memref<2600000xf32, #tpu.memory_space<hbm>>) dst(%dma_wait3A_589 : memref<128xf32, #tpu.memory_space<vmem>>)
      %add3A_593 = arith.constant 12 : i32
      %add3A_594 = arith.addi %add3A_344, %add3A_593 : i32
      %mul3A_595 = arith.constant 128 : i32
      %mul3A_596 = arith.muli %add3A_594, %mul3A_595 : i32
      %add3A_597 = arith.constant 6656 : i32
      %add3A_598 = arith.addi %add3A_597, %mul3A_596 : i32
      %dma_wait3A_599 = tpu.memref_slice %arg11[%add3A_598] : memref<16640xf32, #tpu.memory_space<vmem>> -> memref<128xf32, #tpu.memory_space<vmem>>
      %dma_wait3A_600 = tpu.memref_slice %arg10[%mul3A_596] : memref<3328xi32, #tpu.memory_space<vmem>> -> memref<128xi32, #tpu.memory_space<vmem>>
      %dma_wait3A_601 = arith.constant 0 : i32
      %dma_wait3A_602 = tpu.memref_slice %arg4[%dma_wait3A_601] : memref<2600000xf32, #tpu.memory_space<hbm>> -> memref<2600000xf32, #tpu.memory_space<hbm>>
      tpu.wait_indirect_dma semaphore(%arg13 : memref<!tpu.dma_semaphore, #tpu.memory_space<semaphore_mem>>) src(%dma_wait3A_602 : memref<2600000xf32, #tpu.memory_space<hbm>>) dst(%dma_wait3A_599 : memref<128xf32, #tpu.memory_space<vmem>>)
    }
    %scan3A_291 = arith.constant 2 : i32
    %scan3A_292 = arith.constant 0 : i32
    %scan3A_293 = arith.constant 2 : i32
    %scan3A_294 = arith.addi %scan3A_292, %scan3A_293 : i32
    %scan3A_295 = arith.constant 1 : i32
    scf.for %scan3A_340 = %scan3A_292 to %scan3A_294 step %scan3A_295  : i32 {
      %mul3A_341 = arith.constant 13 : i32
      %mul3A_342 = arith.muli %scan3A_340, %mul3A_341 : i32
      %add3A_343 = arith.constant 0 : i32
      %add3A_344 = arith.addi %add3A_343, %mul3A_342 : i32
      %add3A_345 = arith.constant 0 : i32
      %add3A_346 = arith.addi %add3A_344, %add3A_345 : i32
      %mul3A_347 = arith.constant 128 : i32
      %mul3A_348 = arith.muli %add3A_346, %mul3A_347 : i32
      %add3A_349 = arith.constant 9984 : i32
      %add3A_350 = arith.addi %add3A_349, %mul3A_348 : i32
      %dma_start3A = tpu.memref_slice %arg11[%add3A_350] : memref<16640xf32, #tpu.memory_space<vmem>> -> memref<128xf32, #tpu.memory_space<vmem>>
      %dma_start3A_351 = tpu.memref_slice %arg10[%mul3A_348] : memref<3328xi32, #tpu.memory_space<vmem>> -> memref<128xi32, #tpu.memory_space<vmem>>
      %dma_start3A_352 = arith.constant 0 : i32
      %dma_start3A_353 = tpu.memref_slice %arg5[%dma_start3A_352] : memref<2600000xf32, #tpu.memory_space<hbm>> -> memref<2600000xf32, #tpu.memory_space<hbm>>
      tpu.enqueue_indirect_dma source(%dma_start3A_353 : memref<2600000xf32, #tpu.memory_space<hbm>>) target(%dma_start3A : memref<128xf32, #tpu.memory_space<vmem>>) offsets(%dma_start3A_351 : memref<128xi32, #tpu.memory_space<vmem>>) semaphore(%arg13 : memref<!tpu.dma_semaphore, #tpu.memory_space<semaphore_mem>>)
      %add3A_354 = arith.constant 1 : i32
      %add3A_355 = arith.addi %add3A_344, %add3A_354 : i32
      %mul3A_356 = arith.constant 128 : i32
      %mul3A_357 = arith.muli %add3A_355, %mul3A_356 : i32
      %add3A_358 = arith.constant 9984 : i32
      %add3A_359 = arith.addi %add3A_358, %mul3A_357 : i32
      %dma_start3A_360 = tpu.memref_slice %arg11[%add3A_359] : memref<16640xf32, #tpu.memory_space<vmem>> -> memref<128xf32, #tpu.memory_space<vmem>>
      %dma_start3A_361 = tpu.memref_slice %arg10[%mul3A_357] : memref<3328xi32, #tpu.memory_space<vmem>> -> memref<128xi32, #tpu.memory_space<vmem>>
      %dma_start3A_362 = arith.constant 0 : i32
      %dma_start3A_363 = tpu.memref_slice %arg5[%dma_start3A_362] : memref<2600000xf32, #tpu.memory_space<hbm>> -> memref<2600000xf32, #tpu.memory_space<hbm>>
      tpu.enqueue_indirect_dma source(%dma_start3A_363 : memref<2600000xf32, #tpu.memory_space<hbm>>) target(%dma_start3A_360 : memref<128xf32, #tpu.memory_space<vmem>>) offsets(%dma_start3A_361 : memref<128xi32, #tpu.memory_space<vmem>>) semaphore(%arg13 : memref<!tpu.dma_semaphore, #tpu.memory_space<semaphore_mem>>)
      %add3A_364 = arith.constant 2 : i32
      %add3A_365 = arith.addi %add3A_344, %add3A_364 : i32
      %mul3A_366 = arith.constant 128 : i32
      %mul3A_367 = arith.muli %add3A_365, %mul3A_366 : i32
      %add3A_368 = arith.constant 9984 : i32
      %add3A_369 = arith.addi %add3A_368, %mul3A_367 : i32
      %dma_start3A_370 = tpu.memref_slice %arg11[%add3A_369] : memref<16640xf32, #tpu.memory_space<vmem>> -> memref<128xf32, #tpu.memory_space<vmem>>
      %dma_start3A_371 = tpu.memref_slice %arg10[%mul3A_367] : memref<3328xi32, #tpu.memory_space<vmem>> -> memref<128xi32, #tpu.memory_space<vmem>>
      %dma_start3A_372 = arith.constant 0 : i32
      %dma_start3A_373 = tpu.memref_slice %arg5[%dma_start3A_372] : memref<2600000xf32, #tpu.memory_space<hbm>> -> memref<2600000xf32, #tpu.memory_space<hbm>>
      tpu.enqueue_indirect_dma source(%dma_start3A_373 : memref<2600000xf32, #tpu.memory_space<hbm>>) target(%dma_start3A_370 : memref<128xf32, #tpu.memory_space<vmem>>) offsets(%dma_start3A_371 : memref<128xi32, #tpu.memory_space<vmem>>) semaphore(%arg13 : memref<!tpu.dma_semaphore, #tpu.memory_space<semaphore_mem>>)
      %add3A_374 = arith.constant 3 : i32
      %add3A_375 = arith.addi %add3A_344, %add3A_374 : i32
      %mul3A_376 = arith.constant 128 : i32
      %mul3A_377 = arith.muli %add3A_375, %mul3A_376 : i32
      %add3A_378 = arith.constant 9984 : i32
      %add3A_379 = arith.addi %add3A_378, %mul3A_377 : i32
      %dma_start3A_380 = tpu.memref_slice %arg11[%add3A_379] : memref<16640xf32, #tpu.memory_space<vmem>> -> memref<128xf32, #tpu.memory_space<vmem>>
      %dma_start3A_381 = tpu.memref_slice %arg10[%mul3A_377] : memref<3328xi32, #tpu.memory_space<vmem>> -> memref<128xi32, #tpu.memory_space<vmem>>
      %dma_start3A_382 = arith.constant 0 : i32
      %dma_start3A_383 = tpu.memref_slice %arg5[%dma_start3A_382] : memref<2600000xf32, #tpu.memory_space<hbm>> -> memref<2600000xf32, #tpu.memory_space<hbm>>
      tpu.enqueue_indirect_dma source(%dma_start3A_383 : memref<2600000xf32, #tpu.memory_space<hbm>>) target(%dma_start3A_380 : memref<128xf32, #tpu.memory_space<vmem>>) offsets(%dma_start3A_381 : memref<128xi32, #tpu.memory_space<vmem>>) semaphore(%arg13 : memref<!tpu.dma_semaphore, #tpu.memory_space<semaphore_mem>>)
      %add3A_384 = arith.constant 4 : i32
      %add3A_385 = arith.addi %add3A_344, %add3A_384 : i32
      %mul3A_386 = arith.constant 128 : i32
      %mul3A_387 = arith.muli %add3A_385, %mul3A_386 : i32
      %add3A_388 = arith.constant 9984 : i32
      %add3A_389 = arith.addi %add3A_388, %mul3A_387 : i32
      %dma_start3A_390 = tpu.memref_slice %arg11[%add3A_389] : memref<16640xf32, #tpu.memory_space<vmem>> -> memref<128xf32, #tpu.memory_space<vmem>>
      %dma_start3A_391 = tpu.memref_slice %arg10[%mul3A_387] : memref<3328xi32, #tpu.memory_space<vmem>> -> memref<128xi32, #tpu.memory_space<vmem>>
      %dma_start3A_392 = arith.constant 0 : i32
      %dma_start3A_393 = tpu.memref_slice %arg5[%dma_start3A_392] : memref<2600000xf32, #tpu.memory_space<hbm>> -> memref<2600000xf32, #tpu.memory_space<hbm>>
      tpu.enqueue_indirect_dma source(%dma_start3A_393 : memref<2600000xf32, #tpu.memory_space<hbm>>) target(%dma_start3A_390 : memref<128xf32, #tpu.memory_space<vmem>>) offsets(%dma_start3A_391 : memref<128xi32, #tpu.memory_space<vmem>>) semaphore(%arg13 : memref<!tpu.dma_semaphore, #tpu.memory_space<semaphore_mem>>)
      %add3A_394 = arith.constant 5 : i32
      %add3A_395 = arith.addi %add3A_344, %add3A_394 : i32
      %mul3A_396 = arith.constant 128 : i32
      %mul3A_397 = arith.muli %add3A_395, %mul3A_396 : i32
      %add3A_398 = arith.constant 9984 : i32
      %add3A_399 = arith.addi %add3A_398, %mul3A_397 : i32
      %dma_start3A_400 = tpu.memref_slice %arg11[%add3A_399] : memref<16640xf32, #tpu.memory_space<vmem>> -> memref<128xf32, #tpu.memory_space<vmem>>
      %dma_start3A_401 = tpu.memref_slice %arg10[%mul3A_397] : memref<3328xi32, #tpu.memory_space<vmem>> -> memref<128xi32, #tpu.memory_space<vmem>>
      %dma_start3A_402 = arith.constant 0 : i32
      %dma_start3A_403 = tpu.memref_slice %arg5[%dma_start3A_402] : memref<2600000xf32, #tpu.memory_space<hbm>> -> memref<2600000xf32, #tpu.memory_space<hbm>>
      tpu.enqueue_indirect_dma source(%dma_start3A_403 : memref<2600000xf32, #tpu.memory_space<hbm>>) target(%dma_start3A_400 : memref<128xf32, #tpu.memory_space<vmem>>) offsets(%dma_start3A_401 : memref<128xi32, #tpu.memory_space<vmem>>) semaphore(%arg13 : memref<!tpu.dma_semaphore, #tpu.memory_space<semaphore_mem>>)
      %add3A_404 = arith.constant 6 : i32
      %add3A_405 = arith.addi %add3A_344, %add3A_404 : i32
      %mul3A_406 = arith.constant 128 : i32
      %mul3A_407 = arith.muli %add3A_405, %mul3A_406 : i32
      %add3A_408 = arith.constant 9984 : i32
      %add3A_409 = arith.addi %add3A_408, %mul3A_407 : i32
      %dma_start3A_410 = tpu.memref_slice %arg11[%add3A_409] : memref<16640xf32, #tpu.memory_space<vmem>> -> memref<128xf32, #tpu.memory_space<vmem>>
      %dma_start3A_411 = tpu.memref_slice %arg10[%mul3A_407] : memref<3328xi32, #tpu.memory_space<vmem>> -> memref<128xi32, #tpu.memory_space<vmem>>
      %dma_start3A_412 = arith.constant 0 : i32
      %dma_start3A_413 = tpu.memref_slice %arg5[%dma_start3A_412] : memref<2600000xf32, #tpu.memory_space<hbm>> -> memref<2600000xf32, #tpu.memory_space<hbm>>
      tpu.enqueue_indirect_dma source(%dma_start3A_413 : memref<2600000xf32, #tpu.memory_space<hbm>>) target(%dma_start3A_410 : memref<128xf32, #tpu.memory_space<vmem>>) offsets(%dma_start3A_411 : memref<128xi32, #tpu.memory_space<vmem>>) semaphore(%arg13 : memref<!tpu.dma_semaphore, #tpu.memory_space<semaphore_mem>>)
      %add3A_414 = arith.constant 7 : i32
      %add3A_415 = arith.addi %add3A_344, %add3A_414 : i32
      %mul3A_416 = arith.constant 128 : i32
      %mul3A_417 = arith.muli %add3A_415, %mul3A_416 : i32
      %add3A_418 = arith.constant 9984 : i32
      %add3A_419 = arith.addi %add3A_418, %mul3A_417 : i32
      %dma_start3A_420 = tpu.memref_slice %arg11[%add3A_419] : memref<16640xf32, #tpu.memory_space<vmem>> -> memref<128xf32, #tpu.memory_space<vmem>>
      %dma_start3A_421 = tpu.memref_slice %arg10[%mul3A_417] : memref<3328xi32, #tpu.memory_space<vmem>> -> memref<128xi32, #tpu.memory_space<vmem>>
      %dma_start3A_422 = arith.constant 0 : i32
      %dma_start3A_423 = tpu.memref_slice %arg5[%dma_start3A_422] : memref<2600000xf32, #tpu.memory_space<hbm>> -> memref<2600000xf32, #tpu.memory_space<hbm>>
      tpu.enqueue_indirect_dma source(%dma_start3A_423 : memref<2600000xf32, #tpu.memory_space<hbm>>) target(%dma_start3A_420 : memref<128xf32, #tpu.memory_space<vmem>>) offsets(%dma_start3A_421 : memref<128xi32, #tpu.memory_space<vmem>>) semaphore(%arg13 : memref<!tpu.dma_semaphore, #tpu.memory_space<semaphore_mem>>)
      %add3A_424 = arith.constant 8 : i32
      %add3A_425 = arith.addi %add3A_344, %add3A_424 : i32
      %mul3A_426 = arith.constant 128 : i32
      %mul3A_427 = arith.muli %add3A_425, %mul3A_426 : i32
      %add3A_428 = arith.constant 9984 : i32
      %add3A_429 = arith.addi %add3A_428, %mul3A_427 : i32
      %dma_start3A_430 = tpu.memref_slice %arg11[%add3A_429] : memref<16640xf32, #tpu.memory_space<vmem>> -> memref<128xf32, #tpu.memory_space<vmem>>
      %dma_start3A_431 = tpu.memref_slice %arg10[%mul3A_427] : memref<3328xi32, #tpu.memory_space<vmem>> -> memref<128xi32, #tpu.memory_space<vmem>>
      %dma_start3A_432 = arith.constant 0 : i32
      %dma_start3A_433 = tpu.memref_slice %arg5[%dma_start3A_432] : memref<2600000xf32, #tpu.memory_space<hbm>> -> memref<2600000xf32, #tpu.memory_space<hbm>>
      tpu.enqueue_indirect_dma source(%dma_start3A_433 : memref<2600000xf32, #tpu.memory_space<hbm>>) target(%dma_start3A_430 : memref<128xf32, #tpu.memory_space<vmem>>) offsets(%dma_start3A_431 : memref<128xi32, #tpu.memory_space<vmem>>) semaphore(%arg13 : memref<!tpu.dma_semaphore, #tpu.memory_space<semaphore_mem>>)
      %add3A_434 = arith.constant 9 : i32
      %add3A_435 = arith.addi %add3A_344, %add3A_434 : i32
      %mul3A_436 = arith.constant 128 : i32
      %mul3A_437 = arith.muli %add3A_435, %mul3A_436 : i32
      %add3A_438 = arith.constant 9984 : i32
      %add3A_439 = arith.addi %add3A_438, %mul3A_437 : i32
      %dma_start3A_440 = tpu.memref_slice %arg11[%add3A_439] : memref<16640xf32, #tpu.memory_space<vmem>> -> memref<128xf32, #tpu.memory_space<vmem>>
      %dma_start3A_441 = tpu.memref_slice %arg10[%mul3A_437] : memref<3328xi32, #tpu.memory_space<vmem>> -> memref<128xi32, #tpu.memory_space<vmem>>
      %dma_start3A_442 = arith.constant 0 : i32
      %dma_start3A_443 = tpu.memref_slice %arg5[%dma_start3A_442] : memref<2600000xf32, #tpu.memory_space<hbm>> -> memref<2600000xf32, #tpu.memory_space<hbm>>
      tpu.enqueue_indirect_dma source(%dma_start3A_443 : memref<2600000xf32, #tpu.memory_space<hbm>>) target(%dma_start3A_440 : memref<128xf32, #tpu.memory_space<vmem>>) offsets(%dma_start3A_441 : memref<128xi32, #tpu.memory_space<vmem>>) semaphore(%arg13 : memref<!tpu.dma_semaphore, #tpu.memory_space<semaphore_mem>>)
      %add3A_444 = arith.constant 10 : i32
      %add3A_445 = arith.addi %add3A_344, %add3A_444 : i32
      %mul3A_446 = arith.constant 128 : i32
      %mul3A_447 = arith.muli %add3A_445, %mul3A_446 : i32
      %add3A_448 = arith.constant 9984 : i32
      %add3A_449 = arith.addi %add3A_448, %mul3A_447 : i32
      %dma_start3A_450 = tpu.memref_slice %arg11[%add3A_449] : memref<16640xf32, #tpu.memory_space<vmem>> -> memref<128xf32, #tpu.memory_space<vmem>>
      %dma_start3A_451 = tpu.memref_slice %arg10[%mul3A_447] : memref<3328xi32, #tpu.memory_space<vmem>> -> memref<128xi32, #tpu.memory_space<vmem>>
      %dma_start3A_452 = arith.constant 0 : i32
      %dma_start3A_453 = tpu.memref_slice %arg5[%dma_start3A_452] : memref<2600000xf32, #tpu.memory_space<hbm>> -> memref<2600000xf32, #tpu.memory_space<hbm>>
      tpu.enqueue_indirect_dma source(%dma_start3A_453 : memref<2600000xf32, #tpu.memory_space<hbm>>) target(%dma_start3A_450 : memref<128xf32, #tpu.memory_space<vmem>>) offsets(%dma_start3A_451 : memref<128xi32, #tpu.memory_space<vmem>>) semaphore(%arg13 : memref<!tpu.dma_semaphore, #tpu.memory_space<semaphore_mem>>)
      %add3A_454 = arith.constant 11 : i32
      %add3A_455 = arith.addi %add3A_344, %add3A_454 : i32
      %mul3A_456 = arith.constant 128 : i32
      %mul3A_457 = arith.muli %add3A_455, %mul3A_456 : i32
      %add3A_458 = arith.constant 9984 : i32
      %add3A_459 = arith.addi %add3A_458, %mul3A_457 : i32
      %dma_start3A_460 = tpu.memref_slice %arg11[%add3A_459] : memref<16640xf32, #tpu.memory_space<vmem>> -> memref<128xf32, #tpu.memory_space<vmem>>
      %dma_start3A_461 = tpu.memref_slice %arg10[%mul3A_457] : memref<3328xi32, #tpu.memory_space<vmem>> -> memref<128xi32, #tpu.memory_space<vmem>>
      %dma_start3A_462 = arith.constant 0 : i32
      %dma_start3A_463 = tpu.memref_slice %arg5[%dma_start3A_462] : memref<2600000xf32, #tpu.memory_space<hbm>> -> memref<2600000xf32, #tpu.memory_space<hbm>>
      tpu.enqueue_indirect_dma source(%dma_start3A_463 : memref<2600000xf32, #tpu.memory_space<hbm>>) target(%dma_start3A_460 : memref<128xf32, #tpu.memory_space<vmem>>) offsets(%dma_start3A_461 : memref<128xi32, #tpu.memory_space<vmem>>) semaphore(%arg13 : memref<!tpu.dma_semaphore, #tpu.memory_space<semaphore_mem>>)
      %add3A_464 = arith.constant 12 : i32
      %add3A_465 = arith.addi %add3A_344, %add3A_464 : i32
      %mul3A_466 = arith.constant 128 : i32
      %mul3A_467 = arith.muli %add3A_465, %mul3A_466 : i32
      %add3A_468 = arith.constant 9984 : i32
      %add3A_469 = arith.addi %add3A_468, %mul3A_467 : i32
      %dma_start3A_470 = tpu.memref_slice %arg11[%add3A_469] : memref<16640xf32, #tpu.memory_space<vmem>> -> memref<128xf32, #tpu.memory_space<vmem>>
      %dma_start3A_471 = tpu.memref_slice %arg10[%mul3A_467] : memref<3328xi32, #tpu.memory_space<vmem>> -> memref<128xi32, #tpu.memory_space<vmem>>
      %dma_start3A_472 = arith.constant 0 : i32
      %dma_start3A_473 = tpu.memref_slice %arg5[%dma_start3A_472] : memref<2600000xf32, #tpu.memory_space<hbm>> -> memref<2600000xf32, #tpu.memory_space<hbm>>
      tpu.enqueue_indirect_dma source(%dma_start3A_473 : memref<2600000xf32, #tpu.memory_space<hbm>>) target(%dma_start3A_470 : memref<128xf32, #tpu.memory_space<vmem>>) offsets(%dma_start3A_471 : memref<128xi32, #tpu.memory_space<vmem>>) semaphore(%arg13 : memref<!tpu.dma_semaphore, #tpu.memory_space<semaphore_mem>>)
      %add3A_474 = arith.constant 0 : i32
      %add3A_475 = arith.addi %add3A_344, %add3A_474 : i32
      %mul3A_476 = arith.constant 128 : i32
      %mul3A_477 = arith.muli %add3A_475, %mul3A_476 : i32
      %add3A_478 = arith.constant 9984 : i32
      %add3A_479 = arith.addi %add3A_478, %mul3A_477 : i32
      %dma_wait3A = tpu.memref_slice %arg11[%add3A_479] : memref<16640xf32, #tpu.memory_space<vmem>> -> memref<128xf32, #tpu.memory_space<vmem>>
      %dma_wait3A_480 = tpu.memref_slice %arg10[%mul3A_477] : memref<3328xi32, #tpu.memory_space<vmem>> -> memref<128xi32, #tpu.memory_space<vmem>>
      %dma_wait3A_481 = arith.constant 0 : i32
      %dma_wait3A_482 = tpu.memref_slice %arg5[%dma_wait3A_481] : memref<2600000xf32, #tpu.memory_space<hbm>> -> memref<2600000xf32, #tpu.memory_space<hbm>>
      tpu.wait_indirect_dma semaphore(%arg13 : memref<!tpu.dma_semaphore, #tpu.memory_space<semaphore_mem>>) src(%dma_wait3A_482 : memref<2600000xf32, #tpu.memory_space<hbm>>) dst(%dma_wait3A : memref<128xf32, #tpu.memory_space<vmem>>)
      %add3A_483 = arith.constant 1 : i32
      %add3A_484 = arith.addi %add3A_344, %add3A_483 : i32
      %mul3A_485 = arith.constant 128 : i32
      %mul3A_486 = arith.muli %add3A_484, %mul3A_485 : i32
      %add3A_487 = arith.constant 9984 : i32
      %add3A_488 = arith.addi %add3A_487, %mul3A_486 : i32
      %dma_wait3A_489 = tpu.memref_slice %arg11[%add3A_488] : memref<16640xf32, #tpu.memory_space<vmem>> -> memref<128xf32, #tpu.memory_space<vmem>>
      %dma_wait3A_490 = tpu.memref_slice %arg10[%mul3A_486] : memref<3328xi32, #tpu.memory_space<vmem>> -> memref<128xi32, #tpu.memory_space<vmem>>
      %dma_wait3A_491 = arith.constant 0 : i32
      %dma_wait3A_492 = tpu.memref_slice %arg5[%dma_wait3A_491] : memref<2600000xf32, #tpu.memory_space<hbm>> -> memref<2600000xf32, #tpu.memory_space<hbm>>
      tpu.wait_indirect_dma semaphore(%arg13 : memref<!tpu.dma_semaphore, #tpu.memory_space<semaphore_mem>>) src(%dma_wait3A_492 : memref<2600000xf32, #tpu.memory_space<hbm>>) dst(%dma_wait3A_489 : memref<128xf32, #tpu.memory_space<vmem>>)
      %add3A_493 = arith.constant 2 : i32
      %add3A_494 = arith.addi %add3A_344, %add3A_493 : i32
      %mul3A_495 = arith.constant 128 : i32
      %mul3A_496 = arith.muli %add3A_494, %mul3A_495 : i32
      %add3A_497 = arith.constant 9984 : i32
      %add3A_498 = arith.addi %add3A_497, %mul3A_496 : i32
      %dma_wait3A_499 = tpu.memref_slice %arg11[%add3A_498] : memref<16640xf32, #tpu.memory_space<vmem>> -> memref<128xf32, #tpu.memory_space<vmem>>
      %dma_wait3A_500 = tpu.memref_slice %arg10[%mul3A_496] : memref<3328xi32, #tpu.memory_space<vmem>> -> memref<128xi32, #tpu.memory_space<vmem>>
      %dma_wait3A_501 = arith.constant 0 : i32
      %dma_wait3A_502 = tpu.memref_slice %arg5[%dma_wait3A_501] : memref<2600000xf32, #tpu.memory_space<hbm>> -> memref<2600000xf32, #tpu.memory_space<hbm>>
      tpu.wait_indirect_dma semaphore(%arg13 : memref<!tpu.dma_semaphore, #tpu.memory_space<semaphore_mem>>) src(%dma_wait3A_502 : memref<2600000xf32, #tpu.memory_space<hbm>>) dst(%dma_wait3A_499 : memref<128xf32, #tpu.memory_space<vmem>>)
      %add3A_503 = arith.constant 3 : i32
      %add3A_504 = arith.addi %add3A_344, %add3A_503 : i32
      %mul3A_505 = arith.constant 128 : i32
      %mul3A_506 = arith.muli %add3A_504, %mul3A_505 : i32
      %add3A_507 = arith.constant 9984 : i32
      %add3A_508 = arith.addi %add3A_507, %mul3A_506 : i32
      %dma_wait3A_509 = tpu.memref_slice %arg11[%add3A_508] : memref<16640xf32, #tpu.memory_space<vmem>> -> memref<128xf32, #tpu.memory_space<vmem>>
      %dma_wait3A_510 = tpu.memref_slice %arg10[%mul3A_506] : memref<3328xi32, #tpu.memory_space<vmem>> -> memref<128xi32, #tpu.memory_space<vmem>>
      %dma_wait3A_511 = arith.constant 0 : i32
      %dma_wait3A_512 = tpu.memref_slice %arg5[%dma_wait3A_511] : memref<2600000xf32, #tpu.memory_space<hbm>> -> memref<2600000xf32, #tpu.memory_space<hbm>>
      tpu.wait_indirect_dma semaphore(%arg13 : memref<!tpu.dma_semaphore, #tpu.memory_space<semaphore_mem>>) src(%dma_wait3A_512 : memref<2600000xf32, #tpu.memory_space<hbm>>) dst(%dma_wait3A_509 : memref<128xf32, #tpu.memory_space<vmem>>)
      %add3A_513 = arith.constant 4 : i32
      %add3A_514 = arith.addi %add3A_344, %add3A_513 : i32
      %mul3A_515 = arith.constant 128 : i32
      %mul3A_516 = arith.muli %add3A_514, %mul3A_515 : i32
      %add3A_517 = arith.constant 9984 : i32
      %add3A_518 = arith.addi %add3A_517, %mul3A_516 : i32
      %dma_wait3A_519 = tpu.memref_slice %arg11[%add3A_518] : memref<16640xf32, #tpu.memory_space<vmem>> -> memref<128xf32, #tpu.memory_space<vmem>>
      %dma_wait3A_520 = tpu.memref_slice %arg10[%mul3A_516] : memref<3328xi32, #tpu.memory_space<vmem>> -> memref<128xi32, #tpu.memory_space<vmem>>
      %dma_wait3A_521 = arith.constant 0 : i32
      %dma_wait3A_522 = tpu.memref_slice %arg5[%dma_wait3A_521] : memref<2600000xf32, #tpu.memory_space<hbm>> -> memref<2600000xf32, #tpu.memory_space<hbm>>
      tpu.wait_indirect_dma semaphore(%arg13 : memref<!tpu.dma_semaphore, #tpu.memory_space<semaphore_mem>>) src(%dma_wait3A_522 : memref<2600000xf32, #tpu.memory_space<hbm>>) dst(%dma_wait3A_519 : memref<128xf32, #tpu.memory_space<vmem>>)
      %add3A_523 = arith.constant 5 : i32
      %add3A_524 = arith.addi %add3A_344, %add3A_523 : i32
      %mul3A_525 = arith.constant 128 : i32
      %mul3A_526 = arith.muli %add3A_524, %mul3A_525 : i32
      %add3A_527 = arith.constant 9984 : i32
      %add3A_528 = arith.addi %add3A_527, %mul3A_526 : i32
      %dma_wait3A_529 = tpu.memref_slice %arg11[%add3A_528] : memref<16640xf32, #tpu.memory_space<vmem>> -> memref<128xf32, #tpu.memory_space<vmem>>
      %dma_wait3A_530 = tpu.memref_slice %arg10[%mul3A_526] : memref<3328xi32, #tpu.memory_space<vmem>> -> memref<128xi32, #tpu.memory_space<vmem>>
      %dma_wait3A_531 = arith.constant 0 : i32
      %dma_wait3A_532 = tpu.memref_slice %arg5[%dma_wait3A_531] : memref<2600000xf32, #tpu.memory_space<hbm>> -> memref<2600000xf32, #tpu.memory_space<hbm>>
      tpu.wait_indirect_dma semaphore(%arg13 : memref<!tpu.dma_semaphore, #tpu.memory_space<semaphore_mem>>) src(%dma_wait3A_532 : memref<2600000xf32, #tpu.memory_space<hbm>>) dst(%dma_wait3A_529 : memref<128xf32, #tpu.memory_space<vmem>>)
      %add3A_533 = arith.constant 6 : i32
      %add3A_534 = arith.addi %add3A_344, %add3A_533 : i32
      %mul3A_535 = arith.constant 128 : i32
      %mul3A_536 = arith.muli %add3A_534, %mul3A_535 : i32
      %add3A_537 = arith.constant 9984 : i32
      %add3A_538 = arith.addi %add3A_537, %mul3A_536 : i32
      %dma_wait3A_539 = tpu.memref_slice %arg11[%add3A_538] : memref<16640xf32, #tpu.memory_space<vmem>> -> memref<128xf32, #tpu.memory_space<vmem>>
      %dma_wait3A_540 = tpu.memref_slice %arg10[%mul3A_536] : memref<3328xi32, #tpu.memory_space<vmem>> -> memref<128xi32, #tpu.memory_space<vmem>>
      %dma_wait3A_541 = arith.constant 0 : i32
      %dma_wait3A_542 = tpu.memref_slice %arg5[%dma_wait3A_541] : memref<2600000xf32, #tpu.memory_space<hbm>> -> memref<2600000xf32, #tpu.memory_space<hbm>>
      tpu.wait_indirect_dma semaphore(%arg13 : memref<!tpu.dma_semaphore, #tpu.memory_space<semaphore_mem>>) src(%dma_wait3A_542 : memref<2600000xf32, #tpu.memory_space<hbm>>) dst(%dma_wait3A_539 : memref<128xf32, #tpu.memory_space<vmem>>)
      %add3A_543 = arith.constant 7 : i32
      %add3A_544 = arith.addi %add3A_344, %add3A_543 : i32
      %mul3A_545 = arith.constant 128 : i32
      %mul3A_546 = arith.muli %add3A_544, %mul3A_545 : i32
      %add3A_547 = arith.constant 9984 : i32
      %add3A_548 = arith.addi %add3A_547, %mul3A_546 : i32
      %dma_wait3A_549 = tpu.memref_slice %arg11[%add3A_548] : memref<16640xf32, #tpu.memory_space<vmem>> -> memref<128xf32, #tpu.memory_space<vmem>>
      %dma_wait3A_550 = tpu.memref_slice %arg10[%mul3A_546] : memref<3328xi32, #tpu.memory_space<vmem>> -> memref<128xi32, #tpu.memory_space<vmem>>
      %dma_wait3A_551 = arith.constant 0 : i32
      %dma_wait3A_552 = tpu.memref_slice %arg5[%dma_wait3A_551] : memref<2600000xf32, #tpu.memory_space<hbm>> -> memref<2600000xf32, #tpu.memory_space<hbm>>
      tpu.wait_indirect_dma semaphore(%arg13 : memref<!tpu.dma_semaphore, #tpu.memory_space<semaphore_mem>>) src(%dma_wait3A_552 : memref<2600000xf32, #tpu.memory_space<hbm>>) dst(%dma_wait3A_549 : memref<128xf32, #tpu.memory_space<vmem>>)
      %add3A_553 = arith.constant 8 : i32
      %add3A_554 = arith.addi %add3A_344, %add3A_553 : i32
      %mul3A_555 = arith.constant 128 : i32
      %mul3A_556 = arith.muli %add3A_554, %mul3A_555 : i32
      %add3A_557 = arith.constant 9984 : i32
      %add3A_558 = arith.addi %add3A_557, %mul3A_556 : i32
      %dma_wait3A_559 = tpu.memref_slice %arg11[%add3A_558] : memref<16640xf32, #tpu.memory_space<vmem>> -> memref<128xf32, #tpu.memory_space<vmem>>
      %dma_wait3A_560 = tpu.memref_slice %arg10[%mul3A_556] : memref<3328xi32, #tpu.memory_space<vmem>> -> memref<128xi32, #tpu.memory_space<vmem>>
      %dma_wait3A_561 = arith.constant 0 : i32
      %dma_wait3A_562 = tpu.memref_slice %arg5[%dma_wait3A_561] : memref<2600000xf32, #tpu.memory_space<hbm>> -> memref<2600000xf32, #tpu.memory_space<hbm>>
      tpu.wait_indirect_dma semaphore(%arg13 : memref<!tpu.dma_semaphore, #tpu.memory_space<semaphore_mem>>) src(%dma_wait3A_562 : memref<2600000xf32, #tpu.memory_space<hbm>>) dst(%dma_wait3A_559 : memref<128xf32, #tpu.memory_space<vmem>>)
      %add3A_563 = arith.constant 9 : i32
      %add3A_564 = arith.addi %add3A_344, %add3A_563 : i32
      %mul3A_565 = arith.constant 128 : i32
      %mul3A_566 = arith.muli %add3A_564, %mul3A_565 : i32
      %add3A_567 = arith.constant 9984 : i32
      %add3A_568 = arith.addi %add3A_567, %mul3A_566 : i32
      %dma_wait3A_569 = tpu.memref_slice %arg11[%add3A_568] : memref<16640xf32, #tpu.memory_space<vmem>> -> memref<128xf32, #tpu.memory_space<vmem>>
      %dma_wait3A_570 = tpu.memref_slice %arg10[%mul3A_566] : memref<3328xi32, #tpu.memory_space<vmem>> -> memref<128xi32, #tpu.memory_space<vmem>>
      %dma_wait3A_571 = arith.constant 0 : i32
      %dma_wait3A_572 = tpu.memref_slice %arg5[%dma_wait3A_571] : memref<2600000xf32, #tpu.memory_space<hbm>> -> memref<2600000xf32, #tpu.memory_space<hbm>>
      tpu.wait_indirect_dma semaphore(%arg13 : memref<!tpu.dma_semaphore, #tpu.memory_space<semaphore_mem>>) src(%dma_wait3A_572 : memref<2600000xf32, #tpu.memory_space<hbm>>) dst(%dma_wait3A_569 : memref<128xf32, #tpu.memory_space<vmem>>)
      %add3A_573 = arith.constant 10 : i32
      %add3A_574 = arith.addi %add3A_344, %add3A_573 : i32
      %mul3A_575 = arith.constant 128 : i32
      %mul3A_576 = arith.muli %add3A_574, %mul3A_575 : i32
      %add3A_577 = arith.constant 9984 : i32
      %add3A_578 = arith.addi %add3A_577, %mul3A_576 : i32
      %dma_wait3A_579 = tpu.memref_slice %arg11[%add3A_578] : memref<16640xf32, #tpu.memory_space<vmem>> -> memref<128xf32, #tpu.memory_space<vmem>>
      %dma_wait3A_580 = tpu.memref_slice %arg10[%mul3A_576] : memref<3328xi32, #tpu.memory_space<vmem>> -> memref<128xi32, #tpu.memory_space<vmem>>
      %dma_wait3A_581 = arith.constant 0 : i32
      %dma_wait3A_582 = tpu.memref_slice %arg5[%dma_wait3A_581] : memref<2600000xf32, #tpu.memory_space<hbm>> -> memref<2600000xf32, #tpu.memory_space<hbm>>
      tpu.wait_indirect_dma semaphore(%arg13 : memref<!tpu.dma_semaphore, #tpu.memory_space<semaphore_mem>>) src(%dma_wait3A_582 : memref<2600000xf32, #tpu.memory_space<hbm>>) dst(%dma_wait3A_579 : memref<128xf32, #tpu.memory_space<vmem>>)
      %add3A_583 = arith.constant 11 : i32
      %add3A_584 = arith.addi %add3A_344, %add3A_583 : i32
      %mul3A_585 = arith.constant 128 : i32
      %mul3A_586 = arith.muli %add3A_584, %mul3A_585 : i32
      %add3A_587 = arith.constant 9984 : i32
      %add3A_588 = arith.addi %add3A_587, %mul3A_586 : i32
      %dma_wait3A_589 = tpu.memref_slice %arg11[%add3A_588] : memref<16640xf32, #tpu.memory_space<vmem>> -> memref<128xf32, #tpu.memory_space<vmem>>
      %dma_wait3A_590 = tpu.memref_slice %arg10[%mul3A_586] : memref<3328xi32, #tpu.memory_space<vmem>> -> memref<128xi32, #tpu.memory_space<vmem>>
      %dma_wait3A_591 = arith.constant 0 : i32
      %dma_wait3A_592 = tpu.memref_slice %arg5[%dma_wait3A_591] : memref<2600000xf32, #tpu.memory_space<hbm>> -> memref<2600000xf32, #tpu.memory_space<hbm>>
      tpu.wait_indirect_dma semaphore(%arg13 : memref<!tpu.dma_semaphore, #tpu.memory_space<semaphore_mem>>) src(%dma_wait3A_592 : memref<2600000xf32, #tpu.memory_space<hbm>>) dst(%dma_wait3A_589 : memref<128xf32, #tpu.memory_space<vmem>>)
      %add3A_593 = arith.constant 12 : i32
      %add3A_594 = arith.addi %add3A_344, %add3A_593 : i32
      %mul3A_595 = arith.constant 128 : i32
      %mul3A_596 = arith.muli %add3A_594, %mul3A_595 : i32
      %add3A_597 = arith.constant 9984 : i32
      %add3A_598 = arith.addi %add3A_597, %mul3A_596 : i32
      %dma_wait3A_599 = tpu.memref_slice %arg11[%add3A_598] : memref<16640xf32, #tpu.memory_space<vmem>> -> memref<128xf32, #tpu.memory_space<vmem>>
      %dma_wait3A_600 = tpu.memref_slice %arg10[%mul3A_596] : memref<3328xi32, #tpu.memory_space<vmem>> -> memref<128xi32, #tpu.memory_space<vmem>>
      %dma_wait3A_601 = arith.constant 0 : i32
      %dma_wait3A_602 = tpu.memref_slice %arg5[%dma_wait3A_601] : memref<2600000xf32, #tpu.memory_space<hbm>> -> memref<2600000xf32, #tpu.memory_space<hbm>>
      tpu.wait_indirect_dma semaphore(%arg13 : memref<!tpu.dma_semaphore, #tpu.memory_space<semaphore_mem>>) src(%dma_wait3A_602 : memref<2600000xf32, #tpu.memory_space<hbm>>) dst(%dma_wait3A_599 : memref<128xf32, #tpu.memory_space<vmem>>)
    }
    %scan3A_296 = arith.constant 2 : i32
    %scan3A_297 = arith.constant 0 : i32
    %scan3A_298 = arith.constant 2 : i32
    %scan3A_299 = arith.addi %scan3A_297, %scan3A_298 : i32
    %scan3A_300 = arith.constant 1 : i32
    scf.for %scan3A_340 = %scan3A_297 to %scan3A_299 step %scan3A_300  : i32 {
      %mul3A_341 = arith.constant 13 : i32
      %mul3A_342 = arith.muli %scan3A_340, %mul3A_341 : i32
      %add3A_343 = arith.constant 0 : i32
      %add3A_344 = arith.addi %add3A_343, %mul3A_342 : i32
      %add3A_345 = arith.constant 0 : i32
      %add3A_346 = arith.addi %add3A_344, %add3A_345 : i32
      %mul3A_347 = arith.constant 128 : i32
      %mul3A_348 = arith.muli %add3A_346, %mul3A_347 : i32
      %add3A_349 = arith.constant 13312 : i32
      %add3A_350 = arith.addi %add3A_349, %mul3A_348 : i32
      %dma_start3A = tpu.memref_slice %arg11[%add3A_350] : memref<16640xf32, #tpu.memory_space<vmem>> -> memref<128xf32, #tpu.memory_space<vmem>>
      %dma_start3A_351 = tpu.memref_slice %arg10[%mul3A_348] : memref<3328xi32, #tpu.memory_space<vmem>> -> memref<128xi32, #tpu.memory_space<vmem>>
      %dma_start3A_352 = arith.constant 0 : i32
      %dma_start3A_353 = tpu.memref_slice %arg6[%dma_start3A_352] : memref<2600000xf32, #tpu.memory_space<hbm>> -> memref<2600000xf32, #tpu.memory_space<hbm>>
      tpu.enqueue_indirect_dma source(%dma_start3A_353 : memref<2600000xf32, #tpu.memory_space<hbm>>) target(%dma_start3A : memref<128xf32, #tpu.memory_space<vmem>>) offsets(%dma_start3A_351 : memref<128xi32, #tpu.memory_space<vmem>>) semaphore(%arg13 : memref<!tpu.dma_semaphore, #tpu.memory_space<semaphore_mem>>)
      %add3A_354 = arith.constant 1 : i32
      %add3A_355 = arith.addi %add3A_344, %add3A_354 : i32
      %mul3A_356 = arith.constant 128 : i32
      %mul3A_357 = arith.muli %add3A_355, %mul3A_356 : i32
      %add3A_358 = arith.constant 13312 : i32
      %add3A_359 = arith.addi %add3A_358, %mul3A_357 : i32
      %dma_start3A_360 = tpu.memref_slice %arg11[%add3A_359] : memref<16640xf32, #tpu.memory_space<vmem>> -> memref<128xf32, #tpu.memory_space<vmem>>
      %dma_start3A_361 = tpu.memref_slice %arg10[%mul3A_357] : memref<3328xi32, #tpu.memory_space<vmem>> -> memref<128xi32, #tpu.memory_space<vmem>>
      %dma_start3A_362 = arith.constant 0 : i32
      %dma_start3A_363 = tpu.memref_slice %arg6[%dma_start3A_362] : memref<2600000xf32, #tpu.memory_space<hbm>> -> memref<2600000xf32, #tpu.memory_space<hbm>>
      tpu.enqueue_indirect_dma source(%dma_start3A_363 : memref<2600000xf32, #tpu.memory_space<hbm>>) target(%dma_start3A_360 : memref<128xf32, #tpu.memory_space<vmem>>) offsets(%dma_start3A_361 : memref<128xi32, #tpu.memory_space<vmem>>) semaphore(%arg13 : memref<!tpu.dma_semaphore, #tpu.memory_space<semaphore_mem>>)
      %add3A_364 = arith.constant 2 : i32
      %add3A_365 = arith.addi %add3A_344, %add3A_364 : i32
      %mul3A_366 = arith.constant 128 : i32
      %mul3A_367 = arith.muli %add3A_365, %mul3A_366 : i32
      %add3A_368 = arith.constant 13312 : i32
      %add3A_369 = arith.addi %add3A_368, %mul3A_367 : i32
      %dma_start3A_370 = tpu.memref_slice %arg11[%add3A_369] : memref<16640xf32, #tpu.memory_space<vmem>> -> memref<128xf32, #tpu.memory_space<vmem>>
      %dma_start3A_371 = tpu.memref_slice %arg10[%mul3A_367] : memref<3328xi32, #tpu.memory_space<vmem>> -> memref<128xi32, #tpu.memory_space<vmem>>
      %dma_start3A_372 = arith.constant 0 : i32
      %dma_start3A_373 = tpu.memref_slice %arg6[%dma_start3A_372] : memref<2600000xf32, #tpu.memory_space<hbm>> -> memref<2600000xf32, #tpu.memory_space<hbm>>
      tpu.enqueue_indirect_dma source(%dma_start3A_373 : memref<2600000xf32, #tpu.memory_space<hbm>>) target(%dma_start3A_370 : memref<128xf32, #tpu.memory_space<vmem>>) offsets(%dma_start3A_371 : memref<128xi32, #tpu.memory_space<vmem>>) semaphore(%arg13 : memref<!tpu.dma_semaphore, #tpu.memory_space<semaphore_mem>>)
      %add3A_374 = arith.constant 3 : i32
      %add3A_375 = arith.addi %add3A_344, %add3A_374 : i32
      %mul3A_376 = arith.constant 128 : i32
      %mul3A_377 = arith.muli %add3A_375, %mul3A_376 : i32
      %add3A_378 = arith.constant 13312 : i32
      %add3A_379 = arith.addi %add3A_378, %mul3A_377 : i32
      %dma_start3A_380 = tpu.memref_slice %arg11[%add3A_379] : memref<16640xf32, #tpu.memory_space<vmem>> -> memref<128xf32, #tpu.memory_space<vmem>>
      %dma_start3A_381 = tpu.memref_slice %arg10[%mul3A_377] : memref<3328xi32, #tpu.memory_space<vmem>> -> memref<128xi32, #tpu.memory_space<vmem>>
      %dma_start3A_382 = arith.constant 0 : i32
      %dma_start3A_383 = tpu.memref_slice %arg6[%dma_start3A_382] : memref<2600000xf32, #tpu.memory_space<hbm>> -> memref<2600000xf32, #tpu.memory_space<hbm>>
      tpu.enqueue_indirect_dma source(%dma_start3A_383 : memref<2600000xf32, #tpu.memory_space<hbm>>) target(%dma_start3A_380 : memref<128xf32, #tpu.memory_space<vmem>>) offsets(%dma_start3A_381 : memref<128xi32, #tpu.memory_space<vmem>>) semaphore(%arg13 : memref<!tpu.dma_semaphore, #tpu.memory_space<semaphore_mem>>)
      %add3A_384 = arith.constant 4 : i32
      %add3A_385 = arith.addi %add3A_344, %add3A_384 : i32
      %mul3A_386 = arith.constant 128 : i32
      %mul3A_387 = arith.muli %add3A_385, %mul3A_386 : i32
      %add3A_388 = arith.constant 13312 : i32
      %add3A_389 = arith.addi %add3A_388, %mul3A_387 : i32
      %dma_start3A_390 = tpu.memref_slice %arg11[%add3A_389] : memref<16640xf32, #tpu.memory_space<vmem>> -> memref<128xf32, #tpu.memory_space<vmem>>
      %dma_start3A_391 = tpu.memref_slice %arg10[%mul3A_387] : memref<3328xi32, #tpu.memory_space<vmem>> -> memref<128xi32, #tpu.memory_space<vmem>>
      %dma_start3A_392 = arith.constant 0 : i32
      %dma_start3A_393 = tpu.memref_slice %arg6[%dma_start3A_392] : memref<2600000xf32, #tpu.memory_space<hbm>> -> memref<2600000xf32, #tpu.memory_space<hbm>>
      tpu.enqueue_indirect_dma source(%dma_start3A_393 : memref<2600000xf32, #tpu.memory_space<hbm>>) target(%dma_start3A_390 : memref<128xf32, #tpu.memory_space<vmem>>) offsets(%dma_start3A_391 : memref<128xi32, #tpu.memory_space<vmem>>) semaphore(%arg13 : memref<!tpu.dma_semaphore, #tpu.memory_space<semaphore_mem>>)
      %add3A_394 = arith.constant 5 : i32
      %add3A_395 = arith.addi %add3A_344, %add3A_394 : i32
      %mul3A_396 = arith.constant 128 : i32
      %mul3A_397 = arith.muli %add3A_395, %mul3A_396 : i32
      %add3A_398 = arith.constant 13312 : i32
      %add3A_399 = arith.addi %add3A_398, %mul3A_397 : i32
      %dma_start3A_400 = tpu.memref_slice %arg11[%add3A_399] : memref<16640xf32, #tpu.memory_space<vmem>> -> memref<128xf32, #tpu.memory_space<vmem>>
      %dma_start3A_401 = tpu.memref_slice %arg10[%mul3A_397] : memref<3328xi32, #tpu.memory_space<vmem>> -> memref<128xi32, #tpu.memory_space<vmem>>
      %dma_start3A_402 = arith.constant 0 : i32
      %dma_start3A_403 = tpu.memref_slice %arg6[%dma_start3A_402] : memref<2600000xf32, #tpu.memory_space<hbm>> -> memref<2600000xf32, #tpu.memory_space<hbm>>
      tpu.enqueue_indirect_dma source(%dma_start3A_403 : memref<2600000xf32, #tpu.memory_space<hbm>>) target(%dma_start3A_400 : memref<128xf32, #tpu.memory_space<vmem>>) offsets(%dma_start3A_401 : memref<128xi32, #tpu.memory_space<vmem>>) semaphore(%arg13 : memref<!tpu.dma_semaphore, #tpu.memory_space<semaphore_mem>>)
      %add3A_404 = arith.constant 6 : i32
      %add3A_405 = arith.addi %add3A_344, %add3A_404 : i32
      %mul3A_406 = arith.constant 128 : i32
      %mul3A_407 = arith.muli %add3A_405, %mul3A_406 : i32
      %add3A_408 = arith.constant 13312 : i32
      %add3A_409 = arith.addi %add3A_408, %mul3A_407 : i32
      %dma_start3A_410 = tpu.memref_slice %arg11[%add3A_409] : memref<16640xf32, #tpu.memory_space<vmem>> -> memref<128xf32, #tpu.memory_space<vmem>>
      %dma_start3A_411 = tpu.memref_slice %arg10[%mul3A_407] : memref<3328xi32, #tpu.memory_space<vmem>> -> memref<128xi32, #tpu.memory_space<vmem>>
      %dma_start3A_412 = arith.constant 0 : i32
      %dma_start3A_413 = tpu.memref_slice %arg6[%dma_start3A_412] : memref<2600000xf32, #tpu.memory_space<hbm>> -> memref<2600000xf32, #tpu.memory_space<hbm>>
      tpu.enqueue_indirect_dma source(%dma_start3A_413 : memref<2600000xf32, #tpu.memory_space<hbm>>) target(%dma_start3A_410 : memref<128xf32, #tpu.memory_space<vmem>>) offsets(%dma_start3A_411 : memref<128xi32, #tpu.memory_space<vmem>>) semaphore(%arg13 : memref<!tpu.dma_semaphore, #tpu.memory_space<semaphore_mem>>)
      %add3A_414 = arith.constant 7 : i32
      %add3A_415 = arith.addi %add3A_344, %add3A_414 : i32
      %mul3A_416 = arith.constant 128 : i32
      %mul3A_417 = arith.muli %add3A_415, %mul3A_416 : i32
      %add3A_418 = arith.constant 13312 : i32
      %add3A_419 = arith.addi %add3A_418, %mul3A_417 : i32
      %dma_start3A_420 = tpu.memref_slice %arg11[%add3A_419] : memref<16640xf32, #tpu.memory_space<vmem>> -> memref<128xf32, #tpu.memory_space<vmem>>
      %dma_start3A_421 = tpu.memref_slice %arg10[%mul3A_417] : memref<3328xi32, #tpu.memory_space<vmem>> -> memref<128xi32, #tpu.memory_space<vmem>>
      %dma_start3A_422 = arith.constant 0 : i32
      %dma_start3A_423 = tpu.memref_slice %arg6[%dma_start3A_422] : memref<2600000xf32, #tpu.memory_space<hbm>> -> memref<2600000xf32, #tpu.memory_space<hbm>>
      tpu.enqueue_indirect_dma source(%dma_start3A_423 : memref<2600000xf32, #tpu.memory_space<hbm>>) target(%dma_start3A_420 : memref<128xf32, #tpu.memory_space<vmem>>) offsets(%dma_start3A_421 : memref<128xi32, #tpu.memory_space<vmem>>) semaphore(%arg13 : memref<!tpu.dma_semaphore, #tpu.memory_space<semaphore_mem>>)
      %add3A_424 = arith.constant 8 : i32
      %add3A_425 = arith.addi %add3A_344, %add3A_424 : i32
      %mul3A_426 = arith.constant 128 : i32
      %mul3A_427 = arith.muli %add3A_425, %mul3A_426 : i32
      %add3A_428 = arith.constant 13312 : i32
      %add3A_429 = arith.addi %add3A_428, %mul3A_427 : i32
      %dma_start3A_430 = tpu.memref_slice %arg11[%add3A_429] : memref<16640xf32, #tpu.memory_space<vmem>> -> memref<128xf32, #tpu.memory_space<vmem>>
      %dma_start3A_431 = tpu.memref_slice %arg10[%mul3A_427] : memref<3328xi32, #tpu.memory_space<vmem>> -> memref<128xi32, #tpu.memory_space<vmem>>
      %dma_start3A_432 = arith.constant 0 : i32
      %dma_start3A_433 = tpu.memref_slice %arg6[%dma_start3A_432] : memref<2600000xf32, #tpu.memory_space<hbm>> -> memref<2600000xf32, #tpu.memory_space<hbm>>
      tpu.enqueue_indirect_dma source(%dma_start3A_433 : memref<2600000xf32, #tpu.memory_space<hbm>>) target(%dma_start3A_430 : memref<128xf32, #tpu.memory_space<vmem>>) offsets(%dma_start3A_431 : memref<128xi32, #tpu.memory_space<vmem>>) semaphore(%arg13 : memref<!tpu.dma_semaphore, #tpu.memory_space<semaphore_mem>>)
      %add3A_434 = arith.constant 9 : i32
      %add3A_435 = arith.addi %add3A_344, %add3A_434 : i32
      %mul3A_436 = arith.constant 128 : i32
      %mul3A_437 = arith.muli %add3A_435, %mul3A_436 : i32
      %add3A_438 = arith.constant 13312 : i32
      %add3A_439 = arith.addi %add3A_438, %mul3A_437 : i32
      %dma_start3A_440 = tpu.memref_slice %arg11[%add3A_439] : memref<16640xf32, #tpu.memory_space<vmem>> -> memref<128xf32, #tpu.memory_space<vmem>>
      %dma_start3A_441 = tpu.memref_slice %arg10[%mul3A_437] : memref<3328xi32, #tpu.memory_space<vmem>> -> memref<128xi32, #tpu.memory_space<vmem>>
      %dma_start3A_442 = arith.constant 0 : i32
      %dma_start3A_443 = tpu.memref_slice %arg6[%dma_start3A_442] : memref<2600000xf32, #tpu.memory_space<hbm>> -> memref<2600000xf32, #tpu.memory_space<hbm>>
      tpu.enqueue_indirect_dma source(%dma_start3A_443 : memref<2600000xf32, #tpu.memory_space<hbm>>) target(%dma_start3A_440 : memref<128xf32, #tpu.memory_space<vmem>>) offsets(%dma_start3A_441 : memref<128xi32, #tpu.memory_space<vmem>>) semaphore(%arg13 : memref<!tpu.dma_semaphore, #tpu.memory_space<semaphore_mem>>)
      %add3A_444 = arith.constant 10 : i32
      %add3A_445 = arith.addi %add3A_344, %add3A_444 : i32
      %mul3A_446 = arith.constant 128 : i32
      %mul3A_447 = arith.muli %add3A_445, %mul3A_446 : i32
      %add3A_448 = arith.constant 13312 : i32
      %add3A_449 = arith.addi %add3A_448, %mul3A_447 : i32
      %dma_start3A_450 = tpu.memref_slice %arg11[%add3A_449] : memref<16640xf32, #tpu.memory_space<vmem>> -> memref<128xf32, #tpu.memory_space<vmem>>
      %dma_start3A_451 = tpu.memref_slice %arg10[%mul3A_447] : memref<3328xi32, #tpu.memory_space<vmem>> -> memref<128xi32, #tpu.memory_space<vmem>>
      %dma_start3A_452 = arith.constant 0 : i32
      %dma_start3A_453 = tpu.memref_slice %arg6[%dma_start3A_452] : memref<2600000xf32, #tpu.memory_space<hbm>> -> memref<2600000xf32, #tpu.memory_space<hbm>>
      tpu.enqueue_indirect_dma source(%dma_start3A_453 : memref<2600000xf32, #tpu.memory_space<hbm>>) target(%dma_start3A_450 : memref<128xf32, #tpu.memory_space<vmem>>) offsets(%dma_start3A_451 : memref<128xi32, #tpu.memory_space<vmem>>) semaphore(%arg13 : memref<!tpu.dma_semaphore, #tpu.memory_space<semaphore_mem>>)
      %add3A_454 = arith.constant 11 : i32
      %add3A_455 = arith.addi %add3A_344, %add3A_454 : i32
      %mul3A_456 = arith.constant 128 : i32
      %mul3A_457 = arith.muli %add3A_455, %mul3A_456 : i32
      %add3A_458 = arith.constant 13312 : i32
      %add3A_459 = arith.addi %add3A_458, %mul3A_457 : i32
      %dma_start3A_460 = tpu.memref_slice %arg11[%add3A_459] : memref<16640xf32, #tpu.memory_space<vmem>> -> memref<128xf32, #tpu.memory_space<vmem>>
      %dma_start3A_461 = tpu.memref_slice %arg10[%mul3A_457] : memref<3328xi32, #tpu.memory_space<vmem>> -> memref<128xi32, #tpu.memory_space<vmem>>
      %dma_start3A_462 = arith.constant 0 : i32
      %dma_start3A_463 = tpu.memref_slice %arg6[%dma_start3A_462] : memref<2600000xf32, #tpu.memory_space<hbm>> -> memref<2600000xf32, #tpu.memory_space<hbm>>
      tpu.enqueue_indirect_dma source(%dma_start3A_463 : memref<2600000xf32, #tpu.memory_space<hbm>>) target(%dma_start3A_460 : memref<128xf32, #tpu.memory_space<vmem>>) offsets(%dma_start3A_461 : memref<128xi32, #tpu.memory_space<vmem>>) semaphore(%arg13 : memref<!tpu.dma_semaphore, #tpu.memory_space<semaphore_mem>>)
      %add3A_464 = arith.constant 12 : i32
      %add3A_465 = arith.addi %add3A_344, %add3A_464 : i32
      %mul3A_466 = arith.constant 128 : i32
      %mul3A_467 = arith.muli %add3A_465, %mul3A_466 : i32
      %add3A_468 = arith.constant 13312 : i32
      %add3A_469 = arith.addi %add3A_468, %mul3A_467 : i32
      %dma_start3A_470 = tpu.memref_slice %arg11[%add3A_469] : memref<16640xf32, #tpu.memory_space<vmem>> -> memref<128xf32, #tpu.memory_space<vmem>>
      %dma_start3A_471 = tpu.memref_slice %arg10[%mul3A_467] : memref<3328xi32, #tpu.memory_space<vmem>> -> memref<128xi32, #tpu.memory_space<vmem>>
      %dma_start3A_472 = arith.constant 0 : i32
      %dma_start3A_473 = tpu.memref_slice %arg6[%dma_start3A_472] : memref<2600000xf32, #tpu.memory_space<hbm>> -> memref<2600000xf32, #tpu.memory_space<hbm>>
      tpu.enqueue_indirect_dma source(%dma_start3A_473 : memref<2600000xf32, #tpu.memory_space<hbm>>) target(%dma_start3A_470 : memref<128xf32, #tpu.memory_space<vmem>>) offsets(%dma_start3A_471 : memref<128xi32, #tpu.memory_space<vmem>>) semaphore(%arg13 : memref<!tpu.dma_semaphore, #tpu.memory_space<semaphore_mem>>)
      %add3A_474 = arith.constant 0 : i32
      %add3A_475 = arith.addi %add3A_344, %add3A_474 : i32
      %mul3A_476 = arith.constant 128 : i32
      %mul3A_477 = arith.muli %add3A_475, %mul3A_476 : i32
      %add3A_478 = arith.constant 13312 : i32
      %add3A_479 = arith.addi %add3A_478, %mul3A_477 : i32
      %dma_wait3A = tpu.memref_slice %arg11[%add3A_479] : memref<16640xf32, #tpu.memory_space<vmem>> -> memref<128xf32, #tpu.memory_space<vmem>>
      %dma_wait3A_480 = tpu.memref_slice %arg10[%mul3A_477] : memref<3328xi32, #tpu.memory_space<vmem>> -> memref<128xi32, #tpu.memory_space<vmem>>
      %dma_wait3A_481 = arith.constant 0 : i32
      %dma_wait3A_482 = tpu.memref_slice %arg6[%dma_wait3A_481] : memref<2600000xf32, #tpu.memory_space<hbm>> -> memref<2600000xf32, #tpu.memory_space<hbm>>
      tpu.wait_indirect_dma semaphore(%arg13 : memref<!tpu.dma_semaphore, #tpu.memory_space<semaphore_mem>>) src(%dma_wait3A_482 : memref<2600000xf32, #tpu.memory_space<hbm>>) dst(%dma_wait3A : memref<128xf32, #tpu.memory_space<vmem>>)
      %add3A_483 = arith.constant 1 : i32
      %add3A_484 = arith.addi %add3A_344, %add3A_483 : i32
      %mul3A_485 = arith.constant 128 : i32
      %mul3A_486 = arith.muli %add3A_484, %mul3A_485 : i32
      %add3A_487 = arith.constant 13312 : i32
      %add3A_488 = arith.addi %add3A_487, %mul3A_486 : i32
      %dma_wait3A_489 = tpu.memref_slice %arg11[%add3A_488] : memref<16640xf32, #tpu.memory_space<vmem>> -> memref<128xf32, #tpu.memory_space<vmem>>
      %dma_wait3A_490 = tpu.memref_slice %arg10[%mul3A_486] : memref<3328xi32, #tpu.memory_space<vmem>> -> memref<128xi32, #tpu.memory_space<vmem>>
      %dma_wait3A_491 = arith.constant 0 : i32
      %dma_wait3A_492 = tpu.memref_slice %arg6[%dma_wait3A_491] : memref<2600000xf32, #tpu.memory_space<hbm>> -> memref<2600000xf32, #tpu.memory_space<hbm>>
      tpu.wait_indirect_dma semaphore(%arg13 : memref<!tpu.dma_semaphore, #tpu.memory_space<semaphore_mem>>) src(%dma_wait3A_492 : memref<2600000xf32, #tpu.memory_space<hbm>>) dst(%dma_wait3A_489 : memref<128xf32, #tpu.memory_space<vmem>>)
      %add3A_493 = arith.constant 2 : i32
      %add3A_494 = arith.addi %add3A_344, %add3A_493 : i32
      %mul3A_495 = arith.constant 128 : i32
      %mul3A_496 = arith.muli %add3A_494, %mul3A_495 : i32
      %add3A_497 = arith.constant 13312 : i32
      %add3A_498 = arith.addi %add3A_497, %mul3A_496 : i32
      %dma_wait3A_499 = tpu.memref_slice %arg11[%add3A_498] : memref<16640xf32, #tpu.memory_space<vmem>> -> memref<128xf32, #tpu.memory_space<vmem>>
      %dma_wait3A_500 = tpu.memref_slice %arg10[%mul3A_496] : memref<3328xi32, #tpu.memory_space<vmem>> -> memref<128xi32, #tpu.memory_space<vmem>>
      %dma_wait3A_501 = arith.constant 0 : i32
      %dma_wait3A_502 = tpu.memref_slice %arg6[%dma_wait3A_501] : memref<2600000xf32, #tpu.memory_space<hbm>> -> memref<2600000xf32, #tpu.memory_space<hbm>>
      tpu.wait_indirect_dma semaphore(%arg13 : memref<!tpu.dma_semaphore, #tpu.memory_space<semaphore_mem>>) src(%dma_wait3A_502 : memref<2600000xf32, #tpu.memory_space<hbm>>) dst(%dma_wait3A_499 : memref<128xf32, #tpu.memory_space<vmem>>)
      %add3A_503 = arith.constant 3 : i32
      %add3A_504 = arith.addi %add3A_344, %add3A_503 : i32
      %mul3A_505 = arith.constant 128 : i32
      %mul3A_506 = arith.muli %add3A_504, %mul3A_505 : i32
      %add3A_507 = arith.constant 13312 : i32
      %add3A_508 = arith.addi %add3A_507, %mul3A_506 : i32
      %dma_wait3A_509 = tpu.memref_slice %arg11[%add3A_508] : memref<16640xf32, #tpu.memory_space<vmem>> -> memref<128xf32, #tpu.memory_space<vmem>>
      %dma_wait3A_510 = tpu.memref_slice %arg10[%mul3A_506] : memref<3328xi32, #tpu.memory_space<vmem>> -> memref<128xi32, #tpu.memory_space<vmem>>
      %dma_wait3A_511 = arith.constant 0 : i32
      %dma_wait3A_512 = tpu.memref_slice %arg6[%dma_wait3A_511] : memref<2600000xf32, #tpu.memory_space<hbm>> -> memref<2600000xf32, #tpu.memory_space<hbm>>
      tpu.wait_indirect_dma semaphore(%arg13 : memref<!tpu.dma_semaphore, #tpu.memory_space<semaphore_mem>>) src(%dma_wait3A_512 : memref<2600000xf32, #tpu.memory_space<hbm>>) dst(%dma_wait3A_509 : memref<128xf32, #tpu.memory_space<vmem>>)
      %add3A_513 = arith.constant 4 : i32
      %add3A_514 = arith.addi %add3A_344, %add3A_513 : i32
      %mul3A_515 = arith.constant 128 : i32
      %mul3A_516 = arith.muli %add3A_514, %mul3A_515 : i32
      %add3A_517 = arith.constant 13312 : i32
      %add3A_518 = arith.addi %add3A_517, %mul3A_516 : i32
      %dma_wait3A_519 = tpu.memref_slice %arg11[%add3A_518] : memref<16640xf32, #tpu.memory_space<vmem>> -> memref<128xf32, #tpu.memory_space<vmem>>
      %dma_wait3A_520 = tpu.memref_slice %arg10[%mul3A_516] : memref<3328xi32, #tpu.memory_space<vmem>> -> memref<128xi32, #tpu.memory_space<vmem>>
      %dma_wait3A_521 = arith.constant 0 : i32
      %dma_wait3A_522 = tpu.memref_slice %arg6[%dma_wait3A_521] : memref<2600000xf32, #tpu.memory_space<hbm>> -> memref<2600000xf32, #tpu.memory_space<hbm>>
      tpu.wait_indirect_dma semaphore(%arg13 : memref<!tpu.dma_semaphore, #tpu.memory_space<semaphore_mem>>) src(%dma_wait3A_522 : memref<2600000xf32, #tpu.memory_space<hbm>>) dst(%dma_wait3A_519 : memref<128xf32, #tpu.memory_space<vmem>>)
      %add3A_523 = arith.constant 5 : i32
      %add3A_524 = arith.addi %add3A_344, %add3A_523 : i32
      %mul3A_525 = arith.constant 128 : i32
      %mul3A_526 = arith.muli %add3A_524, %mul3A_525 : i32
      %add3A_527 = arith.constant 13312 : i32
      %add3A_528 = arith.addi %add3A_527, %mul3A_526 : i32
      %dma_wait3A_529 = tpu.memref_slice %arg11[%add3A_528] : memref<16640xf32, #tpu.memory_space<vmem>> -> memref<128xf32, #tpu.memory_space<vmem>>
      %dma_wait3A_530 = tpu.memref_slice %arg10[%mul3A_526] : memref<3328xi32, #tpu.memory_space<vmem>> -> memref<128xi32, #tpu.memory_space<vmem>>
      %dma_wait3A_531 = arith.constant 0 : i32
      %dma_wait3A_532 = tpu.memref_slice %arg6[%dma_wait3A_531] : memref<2600000xf32, #tpu.memory_space<hbm>> -> memref<2600000xf32, #tpu.memory_space<hbm>>
      tpu.wait_indirect_dma semaphore(%arg13 : memref<!tpu.dma_semaphore, #tpu.memory_space<semaphore_mem>>) src(%dma_wait3A_532 : memref<2600000xf32, #tpu.memory_space<hbm>>) dst(%dma_wait3A_529 : memref<128xf32, #tpu.memory_space<vmem>>)
      %add3A_533 = arith.constant 6 : i32
      %add3A_534 = arith.addi %add3A_344, %add3A_533 : i32
      %mul3A_535 = arith.constant 128 : i32
      %mul3A_536 = arith.muli %add3A_534, %mul3A_535 : i32
      %add3A_537 = arith.constant 13312 : i32
      %add3A_538 = arith.addi %add3A_537, %mul3A_536 : i32
      %dma_wait3A_539 = tpu.memref_slice %arg11[%add3A_538] : memref<16640xf32, #tpu.memory_space<vmem>> -> memref<128xf32, #tpu.memory_space<vmem>>
      %dma_wait3A_540 = tpu.memref_slice %arg10[%mul3A_536] : memref<3328xi32, #tpu.memory_space<vmem>> -> memref<128xi32, #tpu.memory_space<vmem>>
      %dma_wait3A_541 = arith.constant 0 : i32
      %dma_wait3A_542 = tpu.memref_slice %arg6[%dma_wait3A_541] : memref<2600000xf32, #tpu.memory_space<hbm>> -> memref<2600000xf32, #tpu.memory_space<hbm>>
      tpu.wait_indirect_dma semaphore(%arg13 : memref<!tpu.dma_semaphore, #tpu.memory_space<semaphore_mem>>) src(%dma_wait3A_542 : memref<2600000xf32, #tpu.memory_space<hbm>>) dst(%dma_wait3A_539 : memref<128xf32, #tpu.memory_space<vmem>>)
      %add3A_543 = arith.constant 7 : i32
      %add3A_544 = arith.addi %add3A_344, %add3A_543 : i32
      %mul3A_545 = arith.constant 128 : i32
      %mul3A_546 = arith.muli %add3A_544, %mul3A_545 : i32
      %add3A_547 = arith.constant 13312 : i32
      %add3A_548 = arith.addi %add3A_547, %mul3A_546 : i32
      %dma_wait3A_549 = tpu.memref_slice %arg11[%add3A_548] : memref<16640xf32, #tpu.memory_space<vmem>> -> memref<128xf32, #tpu.memory_space<vmem>>
      %dma_wait3A_550 = tpu.memref_slice %arg10[%mul3A_546] : memref<3328xi32, #tpu.memory_space<vmem>> -> memref<128xi32, #tpu.memory_space<vmem>>
      %dma_wait3A_551 = arith.constant 0 : i32
      %dma_wait3A_552 = tpu.memref_slice %arg6[%dma_wait3A_551] : memref<2600000xf32, #tpu.memory_space<hbm>> -> memref<2600000xf32, #tpu.memory_space<hbm>>
      tpu.wait_indirect_dma semaphore(%arg13 : memref<!tpu.dma_semaphore, #tpu.memory_space<semaphore_mem>>) src(%dma_wait3A_552 : memref<2600000xf32, #tpu.memory_space<hbm>>) dst(%dma_wait3A_549 : memref<128xf32, #tpu.memory_space<vmem>>)
      %add3A_553 = arith.constant 8 : i32
      %add3A_554 = arith.addi %add3A_344, %add3A_553 : i32
      %mul3A_555 = arith.constant 128 : i32
      %mul3A_556 = arith.muli %add3A_554, %mul3A_555 : i32
      %add3A_557 = arith.constant 13312 : i32
      %add3A_558 = arith.addi %add3A_557, %mul3A_556 : i32
      %dma_wait3A_559 = tpu.memref_slice %arg11[%add3A_558] : memref<16640xf32, #tpu.memory_space<vmem>> -> memref<128xf32, #tpu.memory_space<vmem>>
      %dma_wait3A_560 = tpu.memref_slice %arg10[%mul3A_556] : memref<3328xi32, #tpu.memory_space<vmem>> -> memref<128xi32, #tpu.memory_space<vmem>>
      %dma_wait3A_561 = arith.constant 0 : i32
      %dma_wait3A_562 = tpu.memref_slice %arg6[%dma_wait3A_561] : memref<2600000xf32, #tpu.memory_space<hbm>> -> memref<2600000xf32, #tpu.memory_space<hbm>>
      tpu.wait_indirect_dma semaphore(%arg13 : memref<!tpu.dma_semaphore, #tpu.memory_space<semaphore_mem>>) src(%dma_wait3A_562 : memref<2600000xf32, #tpu.memory_space<hbm>>) dst(%dma_wait3A_559 : memref<128xf32, #tpu.memory_space<vmem>>)
      %add3A_563 = arith.constant 9 : i32
      %add3A_564 = arith.addi %add3A_344, %add3A_563 : i32
      %mul3A_565 = arith.constant 128 : i32
      %mul3A_566 = arith.muli %add3A_564, %mul3A_565 : i32
      %add3A_567 = arith.constant 13312 : i32
      %add3A_568 = arith.addi %add3A_567, %mul3A_566 : i32
      %dma_wait3A_569 = tpu.memref_slice %arg11[%add3A_568] : memref<16640xf32, #tpu.memory_space<vmem>> -> memref<128xf32, #tpu.memory_space<vmem>>
      %dma_wait3A_570 = tpu.memref_slice %arg10[%mul3A_566] : memref<3328xi32, #tpu.memory_space<vmem>> -> memref<128xi32, #tpu.memory_space<vmem>>
      %dma_wait3A_571 = arith.constant 0 : i32
      %dma_wait3A_572 = tpu.memref_slice %arg6[%dma_wait3A_571] : memref<2600000xf32, #tpu.memory_space<hbm>> -> memref<2600000xf32, #tpu.memory_space<hbm>>
      tpu.wait_indirect_dma semaphore(%arg13 : memref<!tpu.dma_semaphore, #tpu.memory_space<semaphore_mem>>) src(%dma_wait3A_572 : memref<2600000xf32, #tpu.memory_space<hbm>>) dst(%dma_wait3A_569 : memref<128xf32, #tpu.memory_space<vmem>>)
      %add3A_573 = arith.constant 10 : i32
      %add3A_574 = arith.addi %add3A_344, %add3A_573 : i32
      %mul3A_575 = arith.constant 128 : i32
      %mul3A_576 = arith.muli %add3A_574, %mul3A_575 : i32
      %add3A_577 = arith.constant 13312 : i32
      %add3A_578 = arith.addi %add3A_577, %mul3A_576 : i32
      %dma_wait3A_579 = tpu.memref_slice %arg11[%add3A_578] : memref<16640xf32, #tpu.memory_space<vmem>> -> memref<128xf32, #tpu.memory_space<vmem>>
      %dma_wait3A_580 = tpu.memref_slice %arg10[%mul3A_576] : memref<3328xi32, #tpu.memory_space<vmem>> -> memref<128xi32, #tpu.memory_space<vmem>>
      %dma_wait3A_581 = arith.constant 0 : i32
      %dma_wait3A_582 = tpu.memref_slice %arg6[%dma_wait3A_581] : memref<2600000xf32, #tpu.memory_space<hbm>> -> memref<2600000xf32, #tpu.memory_space<hbm>>
      tpu.wait_indirect_dma semaphore(%arg13 : memref<!tpu.dma_semaphore, #tpu.memory_space<semaphore_mem>>) src(%dma_wait3A_582 : memref<2600000xf32, #tpu.memory_space<hbm>>) dst(%dma_wait3A_579 : memref<128xf32, #tpu.memory_space<vmem>>)
      %add3A_583 = arith.constant 11 : i32
      %add3A_584 = arith.addi %add3A_344, %add3A_583 : i32
      %mul3A_585 = arith.constant 128 : i32
      %mul3A_586 = arith.muli %add3A_584, %mul3A_585 : i32
      %add3A_587 = arith.constant 13312 : i32
      %add3A_588 = arith.addi %add3A_587, %mul3A_586 : i32
      %dma_wait3A_589 = tpu.memref_slice %arg11[%add3A_588] : memref<16640xf32, #tpu.memory_space<vmem>> -> memref<128xf32, #tpu.memory_space<vmem>>
      %dma_wait3A_590 = tpu.memref_slice %arg10[%mul3A_586] : memref<3328xi32, #tpu.memory_space<vmem>> -> memref<128xi32, #tpu.memory_space<vmem>>
      %dma_wait3A_591 = arith.constant 0 : i32
      %dma_wait3A_592 = tpu.memref_slice %arg6[%dma_wait3A_591] : memref<2600000xf32, #tpu.memory_space<hbm>> -> memref<2600000xf32, #tpu.memory_space<hbm>>
      tpu.wait_indirect_dma semaphore(%arg13 : memref<!tpu.dma_semaphore, #tpu.memory_space<semaphore_mem>>) src(%dma_wait3A_592 : memref<2600000xf32, #tpu.memory_space<hbm>>) dst(%dma_wait3A_589 : memref<128xf32, #tpu.memory_space<vmem>>)
      %add3A_593 = arith.constant 12 : i32
      %add3A_594 = arith.addi %add3A_344, %add3A_593 : i32
      %mul3A_595 = arith.constant 128 : i32
      %mul3A_596 = arith.muli %add3A_594, %mul3A_595 : i32
      %add3A_597 = arith.constant 13312 : i32
      %add3A_598 = arith.addi %add3A_597, %mul3A_596 : i32
      %dma_wait3A_599 = tpu.memref_slice %arg11[%add3A_598] : memref<16640xf32, #tpu.memory_space<vmem>> -> memref<128xf32, #tpu.memory_space<vmem>>
      %dma_wait3A_600 = tpu.memref_slice %arg10[%mul3A_596] : memref<3328xi32, #tpu.memory_space<vmem>> -> memref<128xi32, #tpu.memory_space<vmem>>
      %dma_wait3A_601 = arith.constant 0 : i32
      %dma_wait3A_602 = tpu.memref_slice %arg6[%dma_wait3A_601] : memref<2600000xf32, #tpu.memory_space<hbm>> -> memref<2600000xf32, #tpu.memory_space<hbm>>
      tpu.wait_indirect_dma semaphore(%arg13 : memref<!tpu.dma_semaphore, #tpu.memory_space<semaphore_mem>>) src(%dma_wait3A_602 : memref<2600000xf32, #tpu.memory_space<hbm>>) dst(%dma_wait3A_599 : memref<128xf32, #tpu.memory_space<vmem>>)
    }
    %scan3A_301 = arith.constant 2 : i32
    %iota3A_302 = tpu.iota {dimensions = array<i32: 0>} : vector<16xi32>
    %mul3A_303 = arith.constant 5 : i32
    %mul3A_304 = vector.broadcast %mul3A_303 : i32 to vector<16xi32>
    %mul3A_305 = arith.muli %iota3A_302, %mul3A_304 : vector<16xi32>
    %add3A_306 = arith.constant 0 : i32
    %add3A_307 = vector.broadcast %add3A_306 : i32 to vector<16xi32>
    %add3A_308 = arith.addi %mul3A_305, %add3A_307 : vector<16xi32>
    %mul3A_309 = arith.constant 5 : i32
    %mul3A_310 = vector.broadcast %mul3A_309 : i32 to vector<16xi32>
    %mul3A_311 = arith.muli %iota3A_302, %mul3A_310 : vector<16xi32>
    %add3A_312 = arith.constant 1 : i32
    %add3A_313 = vector.broadcast %add3A_312 : i32 to vector<16xi32>
    %add3A_314 = arith.addi %mul3A_311, %add3A_313 : vector<16xi32>
    %mul3A_315 = arith.constant 5 : i32
    %mul3A_316 = vector.broadcast %mul3A_315 : i32 to vector<16xi32>
    %mul3A_317 = arith.muli %iota3A_302, %mul3A_316 : vector<16xi32>
    %add3A_318 = arith.constant 2 : i32
    %add3A_319 = vector.broadcast %add3A_318 : i32 to vector<16xi32>
    %add3A_320 = arith.addi %mul3A_317, %add3A_319 : vector<16xi32>
    %mul3A_321 = arith.constant 5 : i32
    %mul3A_322 = vector.broadcast %mul3A_321 : i32 to vector<16xi32>
    %mul3A_323 = arith.muli %iota3A_302, %mul3A_322 : vector<16xi32>
    %add3A_324 = arith.constant 3 : i32
    %add3A_325 = vector.broadcast %add3A_324 : i32 to vector<16xi32>
    %add3A_326 = arith.addi %mul3A_323, %add3A_325 : vector<16xi32>
    %mul3A_327 = arith.constant 5 : i32
    %mul3A_328 = vector.broadcast %mul3A_327 : i32 to vector<16xi32>
    %mul3A_329 = arith.muli %iota3A_302, %mul3A_328 : vector<16xi32>
    %add3A_330 = arith.constant 4 : i32
    %add3A_331 = vector.broadcast %add3A_330 : i32 to vector<16xi32>
    %add3A_332 = arith.addi %mul3A_329, %add3A_331 : vector<16xi32>
    %scan3A_333 = arith.constant 0 : i32
    %scan3A_334 = arith.constant 208 : i32
    %scan3A_335 = arith.addi %scan3A_333, %scan3A_334 : i32
    %scan3A_336 = arith.constant 1 : i32
    scf.for %scan3A_340 = %scan3A_333 to %scan3A_335 step %scan3A_336  : i32 {
      %mul3A_341 = arith.constant 1 : i32
      %mul3A_342 = arith.muli %scan3A_340, %mul3A_341 : i32
      %add3A_343 = arith.constant 0 : i32
      %add3A_344 = arith.addi %add3A_343, %mul3A_342 : i32
      %mul3A_345 = arith.constant 16 : i32
      %mul3A_346 = arith.muli %add3A_344, %mul3A_345 : i32
      %add3A_347 = arith.constant 0 : i32
      %add3A_348 = arith.addi %add3A_347, %mul3A_346 : i32
      %get3A = arith.index_cast %add3A_348 : i32 to index
      %get3A_349 = tpu.vector_load %arg11[%get3A] {strides = array<i32>} : memref<16640xf32, #tpu.memory_space<vmem>>, vector<16xf32>,
      %mul3A_350 = arith.constant 80 : i32
      %mul3A_351 = arith.muli %add3A_344, %mul3A_350 : i32
      %add3A_352 = vector.broadcast %mul3A_351 : i32 to vector<16xi32>
      %add3A_353 = arith.addi %add3A_308, %add3A_352 : vector<16xi32>
      tpu.vector_store_idx %arg12[%add3A_353], %get3A_349 : memref<16640xf32, #tpu.memory_space<vmem>>[vector<16xi32>], vector<16xf32>,
      %mul3A_354 = arith.constant 16 : i32
      %mul3A_355 = arith.muli %add3A_344, %mul3A_354 : i32
      %add3A_356 = arith.constant 3328 : i32
      %add3A_357 = arith.addi %add3A_356, %mul3A_355 : i32
      %get3A_358 = arith.index_cast %add3A_357 : i32 to index
      %get3A_359 = tpu.vector_load %arg11[%get3A_358] {strides = array<i32>} : memref<16640xf32, #tpu.memory_space<vmem>>, vector<16xf32>,
      %mul3A_360 = arith.constant 80 : i32
      %mul3A_361 = arith.muli %add3A_344, %mul3A_360 : i32
      %add3A_362 = vector.broadcast %mul3A_361 : i32 to vector<16xi32>
      %add3A_363 = arith.addi %add3A_314, %add3A_362 : vector<16xi32>
      tpu.vector_store_idx %arg12[%add3A_363], %get3A_359 : memref<16640xf32, #tpu.memory_space<vmem>>[vector<16xi32>], vector<16xf32>,
      %mul3A_364 = arith.constant 16 : i32
      %mul3A_365 = arith.muli %add3A_344, %mul3A_364 : i32
      %add3A_366 = arith.constant 6656 : i32
      %add3A_367 = arith.addi %add3A_366, %mul3A_365 : i32
      %get3A_368 = arith.index_cast %add3A_367 : i32 to index
      %get3A_369 = tpu.vector_load %arg11[%get3A_368] {strides = array<i32>} : memref<16640xf32, #tpu.memory_space<vmem>>, vector<16xf32>,
      %mul3A_370 = arith.constant 80 : i32
      %mul3A_371 = arith.muli %add3A_344, %mul3A_370 : i32
      %add3A_372 = vector.broadcast %mul3A_371 : i32 to vector<16xi32>
      %add3A_373 = arith.addi %add3A_320, %add3A_372 : vector<16xi32>
      tpu.vector_store_idx %arg12[%add3A_373], %get3A_369 : memref<16640xf32, #tpu.memory_space<vmem>>[vector<16xi32>], vector<16xf32>,
      %mul3A_374 = arith.constant 16 : i32
      %mul3A_375 = arith.muli %add3A_344, %mul3A_374 : i32
      %add3A_376 = arith.constant 9984 : i32
      %add3A_377 = arith.addi %add3A_376, %mul3A_375 : i32
      %get3A_378 = arith.index_cast %add3A_377 : i32 to index
      %get3A_379 = tpu.vector_load %arg11[%get3A_378] {strides = array<i32>} : memref<16640xf32, #tpu.memory_space<vmem>>, vector<16xf32>,
      %mul3A_380 = arith.constant 80 : i32
      %mul3A_381 = arith.muli %add3A_344, %mul3A_380 : i32
      %add3A_382 = vector.broadcast %mul3A_381 : i32 to vector<16xi32>
      %add3A_383 = arith.addi %add3A_326, %add3A_382 : vector<16xi32>
      tpu.vector_store_idx %arg12[%add3A_383], %get3A_379 : memref<16640xf32, #tpu.memory_space<vmem>>[vector<16xi32>], vector<16xf32>,
      %mul3A_384 = arith.constant 16 : i32
      %mul3A_385 = arith.muli %add3A_344, %mul3A_384 : i32
      %add3A_386 = arith.constant 13312 : i32
      %add3A_387 = arith.addi %add3A_386, %mul3A_385 : i32
      %get3A_388 = arith.index_cast %add3A_387 : i32 to index
      %get3A_389 = tpu.vector_load %arg11[%get3A_388] {strides = array<i32>} : memref<16640xf32, #tpu.memory_space<vmem>>, vector<16xf32>,
      %mul3A_390 = arith.constant 80 : i32
      %mul3A_391 = arith.muli %add3A_344, %mul3A_390 : i32
      %add3A_392 = vector.broadcast %mul3A_391 : i32 to vector<16xi32>
      %add3A_393 = arith.addi %add3A_332, %add3A_392 : vector<16xi32>
      tpu.vector_store_idx %arg12[%add3A_393], %get3A_389 : memref<16640xf32, #tpu.memory_space<vmem>>[vector<16xi32>], vector<16xf32>,
    }
    %scan3A_337 = arith.constant 208 : i32
    %mul3A_338 = arith.constant 5 : i32
    %mul3A_339 = arith.muli %mul3A_2, %mul3A_338 : i32
    "tpu.region"() ({
      %run_scoped3A = tpu.sem_alloc : memref<!tpu.dma_semaphore, #tpu.memory_space<semaphore_mem>>
      %dma_start3A = tpu.memref_slice %arg8[%mul3A_339] : memref<532480xf32, #tpu.memory_space<hbm>> -> memref<16640xf32, #tpu.memory_space<hbm>>
      %dma_start3A_340 = tpu.memref_slice %arg8[%mul3A_339] : memref<532480xf32, #tpu.memory_space<hbm>> -> memref<16640xf32, #tpu.memory_space<hbm>>
      tpu.enqueue_dma source(%arg12 : memref<16640xf32, #tpu.memory_space<vmem>>) target(%dma_start3A_340 : memref<16640xf32, #tpu.memory_space<hbm>>) target_semaphore(%run_scoped3A : memref<!tpu.dma_semaphore, #tpu.memory_space<semaphore_mem>>)
      %dma_wait3A = tpu.memref_slice %arg8[%mul3A_339] : memref<532480xf32, #tpu.memory_space<hbm>> -> memref<16640xf32, #tpu.memory_space<hbm>>
      %dma_wait3A_341 = tpu.memref_slice %arg8[%mul3A_339] : memref<532480xf32, #tpu.memory_space<hbm>> -> memref<16640xf32, #tpu.memory_space<hbm>>
      tpu.wait_dma2 semaphore(%run_scoped3A : memref<!tpu.dma_semaphore, #tpu.memory_space<semaphore_mem>>) src(%arg12 : memref<16640xf32, #tpu.memory_space<vmem>>) dst(%dma_wait3A_341 : memref<16640xf32, #tpu.memory_space<hbm>>)
      tpu.yield
    }) : () -> ()
    return
  }
}

module attributes {stable_mosaic.version = 14 : i64} {
  func.func @_tc_body(%arg0: i32, %arg1: memref<1024x130xf32, #tpu.memory_space<vmem>>, %arg2: memref<1024x13xf32, #tpu.memory_space<vmem>>, %arg3: memref<13x13xf32, #tpu.memory_space<vmem>>, %arg4: memref<1x13xf32, #tpu.memory_space<vmem>>, %arg5: memref<1024x143xf32, #tpu.memory_space<vmem>>) attributes {dimension_semantics = [#tpu.dimension_semantics<arbitrary>], iteration_bounds = array<i64: 4>, scalar_prefetch = 0 : i64, scratch_operands = 0 : i64, tpu.core_type = #tpu.core_type<tc>, window_params = [{transform_indices = @transform_0, window_bounds = array<i64: 1024, 130>}, {transform_indices = @transform_1, window_bounds = array<i64: 1024, 13>}, {pipeline_mode = #tpu.pipeline_mode<synchronous>, transform_indices = @transform_2, window_bounds = array<i64: 13, 13>}, {pipeline_mode = #tpu.pipeline_mode<synchronous>, transform_indices = @transform_3, window_bounds = array<i64: 1, 13>}, {transform_indices = @transform_4, window_bounds = array<i64: 1024, 143>}]} {
    %get3A = arith.constant 0 : index
    %get3A_0 = arith.constant 0 : index
    %get3A_1 = vector.load %arg2[%get3A, %get3A_0] : memref<1024x13xf32, #tpu.memory_space<vmem>>, vector<1024x13xf32>
    %get3A_2 = arith.constant 0 : index
    %get3A_3 = arith.constant 0 : index
    %get3A_4 = vector.load %arg3[%get3A_2, %get3A_3] : memref<13x13xf32, #tpu.memory_space<vmem>>, vector<13x13xf32>
    %dot_general3A = arith.constant dense<0.000000e+00> : vector<1024x13xf32>
    %dot_general3A_5 = tpu.matmul %get3A_1, %get3A_4, %dot_general3A {dimension_numbers = #tpu.dot_dimension_numbers<[1], [1], [0], [0], [0, 0, 1, 0], [], []>, transpose_lhs_hint = false} : vector<1024x13xf32>, vector<13x13xf32>, vector<1024x13xf32> -> vector<1024x13xf32>
    %get3A_6 = arith.constant 0 : index
    %get3A_7 = arith.constant 0 : index
    %get3A_8 = vector.load %arg4[%get3A_6, %get3A_7] : memref<1x13xf32, #tpu.memory_space<vmem>>, vector<1x13xf32>
    %add3A = vector.broadcast %get3A_8 : vector<1x13xf32> to vector<1024x13xf32>
    %add3A_9 = arith.addf %dot_general3A_5, %add3A : vector<1024x13xf32>
    %get3A_10 = arith.constant 0 : index
    %get3A_11 = arith.constant 0 : index
    %get3A_12 = vector.load %arg1[%get3A_10, %get3A_11] : memref<1024x130xf32, #tpu.memory_space<vmem>>, vector<1024x130xf32>
    %concatenate3A = tpu.concatenate %get3A_12, %add3A_9 in 1 : vector<1024x130xf32>, vector<1024x13xf32> -> vector<1024x143xf32>
    %swap3A = arith.constant 0 : index
    %swap3A_13 = arith.constant 0 : index
    %swap3A_14 = vector.load %arg5[%swap3A, %swap3A_13] : memref<1024x143xf32, #tpu.memory_space<vmem>>, vector<1024x143xf32>
    tpu.vector_store %arg5[%swap3A, %swap3A_13], %concatenate3A {strides = array<i32>} : memref<1024x143xf32, #tpu.memory_space<vmem>>, vector<1024x143xf32>,
    return
  }
  func.func @transform_0(%arg0: i32) -> (i32, i32) {
    %c0_i32 = arith.constant 0 : i32
    %c0_i32_0 = arith.constant 0 : i32
    return %arg0, %c0_i32 : i32, i32
  }
  func.func @transform_1(%arg0: i32) -> (i32, i32) {
    %c0_i32 = arith.constant 0 : i32
    %c0_i32_0 = arith.constant 0 : i32
    return %arg0, %c0_i32 : i32, i32
  }
  func.func @transform_2(%arg0: i32) -> (i32, i32) {
    %c0_i32 = arith.constant 0 : i32
    %c0_i32_0 = arith.constant 0 : i32
    %c0_i32_1 = arith.constant 0 : i32
    return %c0_i32, %c0_i32_0 : i32, i32
  }
  func.func @transform_3(%arg0: i32) -> (i32, i32) {
    %c0_i32 = arith.constant 0 : i32
    %c0_i32_0 = arith.constant 0 : i32
    %c0_i32_1 = arith.constant 0 : i32
    return %c0_i32, %c0_i32_0 : i32, i32
  }
  func.func @transform_4(%arg0: i32) -> (i32, i32) {
    %c0_i32 = arith.constant 0 : i32
    %c0_i32_0 = arith.constant 0 : i32
    return %arg0, %c0_i32 : i32, i32
  }
}

</mosaic_0001>

<sc_bundles>
// kernel: kernel.4.cloned.1.call-start
scs
__scs_entry_jumppad:
0x0: {  	(pc) =	sbr.rel $0x88, $3  }
0x1: {  	(tag) =	ssettag $0x0;
	lr =	simm.s32 $0x1  }
0x2: {  	[smem:$0x3F9C] =	sst lr;
	_ =	strace $0xD0000000  }
0x3: {  	_ = 	snop  }
0x4: {  	_ = 	snop  }
0x5: {  	_ = 	snop  }
0x6: {  	_ = 	snop  }
0x7: {  	_ = 	snop  }
__scs_overlays_trampoline_lowered:
0x8: {  	[smem:$0x3FAB] =	sst s0  }
0x9: {  	[smem:$0x3FAC] =	sst s1  }
0xa: {  	[smem:$0x3FAD] =	sst s2  }
0xb: {  	[smem:$0x3FAE] =	sst s3  }
0xc: {  	[smem:$0x3FAF] =	sst s4  }
0xd: {  	[smem:$0x3FB0] =	sst s5  }
0xe: {  	[smem:$0x3FB1] =	sst s6  }
0xf: {  	[smem:$0x3FB2] =	sst s7  }
0x10: {  	[smem:$0x3FB3] =	sst s8  }
0x11: {  	[smem:$0x3FB4] =	sst s9;
	s0 =	simm.s32 @!p0 $0x0  }
0x12: {  	s1 =	sld [smem:$0x3F9A];
	s0 =	simm.s32 @p0 $0x1  }
0x13: {  	[smem:$0x3FB5] =	sst s0;
	s0 =	simm.s32 @!p1 $0x0  }
0x14: {  	s2 =	sld [smem:$0x3F99];
	s0 =	simm.s32 @p1 $0x1  }
0x15: {  	[smem:$0x3FB6] =	sst s0;
	s0 =	simm.s32 @!p2 $0x0  }
0x16: {  	s3 =	sld [smem:$0x3FDB];
	s0 =	simm.s32 @p2 $0x1  }
0x17: {  	s4 =	simm.s32 $0x1BF5;
	[smem:$0x3FB8] =	sst s0  }
0x18: {  	s0 =	sld [smem:$0x3F9B];
	_ =	swait.ge [sflag:s4], $0x0  }
0x19: {  	s7 =	sld [smem:$0x3F9C]  }
0x1a: {  	s8 =	sadd.s32 $0xFFFFE003, lr  }
0x1b: {  	s9 =	sadd.s32 $0xFFFFFEF7, lr;
	s5 =	simm.s32 $0xFFFFFFFF;
	p2 =	slt.u32 s8, $0xFFFFF086  }
0x1c: {  	p1 =	slt.u32 s9, $0xF7A;
	s5 =	simm.s32 @!p2 $0x0  }
0x1d: {  	s5 =	simm.s32 @p1 $0x1;
	p0 =	seq.s32 s7, s2  }
0x1e: {  	s7 =	smul.u32 @!p0 $0xF7A, s2;
	p2 =	seq.s32 @!p0 s5, $0x0  }
0x1f: {  	s9 =	smul.u32 $0xF7A, s1;
	s8 =	simm.s32 @!p0 $0x1BF5;
	p2 =	por !p2, p0  }
0x20: {  	[sflag:s8] =	ssyncset.s32 @!p0 $0xFFFFF086;
	s6 =	sadd.s32 @!p0 s3, s7;
	s7 =	simm.s32 @!p0 $0x108  }
0x21: {  	s3 =	sadd.s32 s3, s9;
	s6 =	sadd.s32 @!p0 $0x88, s6;
	s7 =	simm.s32 @p2 $0x1082  }
0x22: {  	[simem:s7], [sflag:s8] =	dma.local @!p0 [hbm:s6], $0xF7A  }
0x23: {  	s9 =	sor.u32 $0xD0000000, s2;
	s6 =	simm.s32 $0x108;
	_ =	swait.ge @!p0 [sflag:s8], $0x0  }
0x24: {  	s3 =	sadd.s32 $0x88, s3;
	s6 =	simm.s32 @!p1 $0x1082;
	[sflag:s4] =	ssyncset.s32 $0xFFFFF086  }
0x25: {  	[simem:s6], [sflag:s4] =	dma.local [hbm:s3], $0xF7A  }
0x26: {  	[smem:$0x3F9C] =	sst s1;
	(tag) =	ssettag s2;
	_ =	strace s9  }
0x27: {  	s1 =	sld [smem:$0x3FAC]  }
0x28: {  	s2 =	sld [smem:$0x3FAD]  }
0x29: {  	s4 =	sld [smem:$0x3FAF]  }
0x2a: {  	p0 =	seq.s32 s5, $0x0;
	s5 =	sld [smem:$0x3FB0]  }
0x2b: {  	s6 =	sld [smem:$0x3FB1]  }
0x2c: {  	s7 =	sld [smem:$0x3FB2]  }
0x2d: {  	s3 =	simm.s32 $0x108;
	s8 =	sld [smem:$0x3FB3]  }
0x2e: {  	s3 =	simm.s32 @!p0 $0x1082;
	s9 =	sld [smem:$0x3FB4]  }
0x2f: {  	lr =	sadd.s32 s0, s3;
	s0 =	sld [smem:$0x3FAB]  }
0x30: {  	s3 =	sld [smem:$0x3FAE]  }
0x31: {  	[smem:$0x3FB7] =	sst s10  }
0x32: {  	s10 =	sld [smem:$0x3FB5];
	_ =	sdelay $0x3  }
0x33: {  	p0 =	seq.s32 s10, $0x1;
	s10 =	sld [smem:$0x3FB7];
	_ =	sdelay $0x3  }
0x34: {  	[smem:$0x3FB7] =	sst s10  }
0x35: {  	s10 =	sld [smem:$0x3FB6];
	_ =	sdelay $0x3  }
0x36: {  	p1 =	seq.s32 s10, $0x1;
	s10 =	sld [smem:$0x3FB7];
	_ =	sdelay $0x3  }
0x37: {  	[smem:$0x3FB7] =	sst s10  }
0x38: {  	s10 =	sld [smem:$0x3FB8]  }
0x39: {  	_ = 	snop;
	(pc) =	sbr.ind lr, $3  }
0x3a: {  	_ = 	snop  }
0x3b: {  	_ = 	snop  }
0x3c: {  	p2 =	seq.s32 s10, $0x1;
	s10 =	sld [smem:$0x3FB7]  }
0x3d: {  	_ =	shalt  }
0x3e: {  	_ =	shalt  }
0x3f: {  	_ =	shalt  }
0x40: {  	_ =	shalt  }
0x41: {  	_ =	shalt  }
0x42: {  	_ =	shalt  }
0x43: {  	_ =	shalt  }
0x44: {  	_ =	shalt  }
0x45: {  	_ =	shalt  }
0x46: {  	_ =	shalt  }
0x47: {  	_ =	shalt  }
0x48: {  	_ =	shalt  }
0x49: {  	_ =	shalt  }
0x4a: {  	_ =	shalt  }
0x4b: {  	_ =	shalt  }
0x4c: {  	_ =	shalt  }
0x4d: {  	_ =	shalt  }
0x4e: {  	_ =	shalt  }
0x4f: {  	_ =	shalt  }
0x50: {  	_ =	shalt  }
0x51: {  	_ =	shalt  }
0x52: {  	_ =	shalt  }
0x53: {  	_ =	shalt  }
0x54: {  	_ =	shalt  }
0x55: {  	_ =	shalt  }
0x56: {  	_ =	shalt  }
0x57: {  	_ =	shalt  }
0x58: {  	_ =	shalt  }
0x59: {  	_ =	shalt  }
0x5a: {  	_ =	shalt  }
0x5b: {  	_ =	shalt  }
0x5c: {  	_ =	shalt  }
0x5d: {  	_ =	shalt  }
0x5e: {  	_ =	shalt  }
0x5f: {  	_ =	shalt  }
0x60: {  	_ =	shalt  }
0x61: {  	_ =	shalt  }
0x62: {  	_ =	shalt  }
0x63: {  	_ =	shalt  }
0x64: {  	_ =	shalt  }
0x65: {  	_ =	shalt  }
0x66: {  	_ =	shalt  }
0x67: {  	_ =	shalt  }
0x68: {  	_ =	shalt  }
0x69: {  	_ =	shalt  }
0x6a: {  	_ =	shalt  }
0x6b: {  	_ =	shalt  }
0x6c: {  	_ =	shalt  }
0x6d: {  	_ =	shalt  }
0x6e: {  	_ =	shalt  }
0x6f: {  	_ =	shalt  }
0x70: {  	_ =	shalt  }
0x71: {  	_ =	shalt  }
0x72: {  	_ =	shalt  }
0x73: {  	_ =	shalt  }
0x74: {  	_ =	shalt  }
0x75: {  	_ =	shalt  }
0x76: {  	_ =	shalt  }
0x77: {  	_ =	shalt  }
0x78: {  	_ =	shalt  }
0x79: {  	_ =	shalt  }
0x7a: {  	_ =	shalt  }
0x7b: {  	_ =	shalt  }
0x7c: {  	_ =	shalt  }
0x7d: {  	_ =	shalt  }
0x7e: {  	_ =	shalt  }
0x7f: {  	_ =	shalt  }
0x80: {  	_ =	shalt  }
0x81: {  	_ =	shalt  }
0x82: {  	_ =	shalt  }
0x83: {  	_ =	shalt  }
0x84: {  	_ =	shalt  }
0x85: {  	_ =	shalt  }
0x86: {  	_ =	shalt  }
0x87: {  	_ =	shalt  }
.Lfunc_end0:
.L_simem_size_0:
called_computation_lowered:
.L_overlay_start_0:
0x88: {  	s2 =	sld [smem:$0x3FD9]  }
0x89: {  	s3 =	sld [smem:$0x3FFE];
	_ =	sdelay $0x1  }
0x8a: {  	s1 =	srdreg.scid  }
0x8b: {  	s0 =	sand.u32 $0x1, s1  }
0x8c: {  	s17 =	sshll.u32 s0, $0xA;
	s2 =	sadd.s32 s3, s2  }
0x8d: {  	s2 =	sadd.s32 s2, s17  }
0x8e: {  	[smem:$0x3FC3] =	sst s2  }
0x8f: {  	_ = 	snop  }
0x90: {  	s2 =	sld [smem:$0x3FC9]  }
0x91: {  	s18 =	sld [smem:$0x3FD0];
	(tm) =	ssettm $0x1  }
0x92: {  	s4 =	sld [smem:$0x3FFB];
	_ =	sdelay $0x3  }
0x93: {  	_ =	strace s4  }
0x94: {  	s4 =	sld [smem:$0x3FFC];
	_ =	sdelay $0x3  }
0x95: {  	_ =	strace s4  }
0x96: {  	s4 =	sld [smem:$0x3FFD];
	_ =	sdelay $0x3  }
0x97: {  	_ =	strace s4  }
0x98: {  	_ =	strace $0x8FFFFFFF  }
0x99: {  	s19 =	sld [smem:$0x3FDB];
	_ =	sdelay $0x1  }
0x9a: {  	s5 =	simm.s32 $_scs_section_size  }
0x9b: {  	s6 =	simm.s32 $_size__tile_overlayer_lowered;
	s7 =	simm.s32 $_tile_overlayer_lowered  }
0x9c: {  	s22 =	simm.s32 $0x1BFF;
	s21 =	sshll.u32 s7, $0x1;
	s4 =	sadd.s32 s5, s19  }
0x9d: {  	s8 =	simm.s32 $0x0;
	s20 =	sshll.u32 s6, $0x1;
	s6 =	sadd.s32 s21, s4  }
0x9e: {  	[timem:s8], [sflag:s22] =	dma.local [hbm:s6], s20  }
0x9f: {  	_ =	swait.ge [sflag:s22], s20  }
0xa0: {  	s5 =	ssub.s32 $0x0, s20;
	[sflag:s22] =	ssyncset.done $0x0  }
0xa1: {  	[sflag:s22] =	ssyncadd.s32 s5;
	_ =	sdelay $0x1  }
0xa2: {  	s23 =	simm.s32 $0x1B8B  }
0xa3: {  	_ =	swait.ge [sflag:s23], $0x1  }
0xa4: {  	[sflag:s23] =	ssyncset.done $0x0  }
0xa5: {  	s25 =	simm.s32 $0x1B8E;
	s24 =	sld [smem:$0x3FFE];
	[sflag:s23] =	ssyncadd.s32 $0xFFFFFFFF  }
0xa6: {  	s26 =	simm.s32 $execute0_lowered;
	[smem:$0x3FD2] =	sst s25  }
0xa7: {  	s6 =	sshll.u32 s26, $0x1;
	_ =	strace $0x80000046;
	[dreg:$0x1] =	wrdreg $0xFFFFFFFF  }
0xa8: {  	s28 =	simm.s32 $_size_execute0_lowered;
	s4 =	sadd.s32 s4, s6;
	[dreg:$0x0] =	wrdreg $0x0  }
0xa9: {  	s6 =	sshll.u32 s28, $0x1;
	[dreg:$0x2] =	wrdreg s4  }
0xaa: {  	[dreg:$0x3] =	wrdreg s6  }
0xab: {  	[dreg:$0x4] =	wrdreg $0xC0  }
0xac: {  	_ =	task [dreg:s8], $0x5FFFF  }
0xad: {  	[dreg:$0x1] =	wrdreg $0xFFFFFFFF  }
0xae: {  	[dreg:$0x0] =	wrdreg $0x60  }
0xaf: {  	[dreg:$0x2] =	wrdreg s24  }
0xb0: {  	[dreg:$0x3] =	wrdreg s2  }
0xb1: {  	[dreg:$0x4] =	wrdreg s18  }
0xb2: {  	[dreg:$0x5] =	wrdreg $0x9  }
0xb3: {  	_ =	task.clear_ibuf [dreg:s8], $0x6FFFF;
	_ =	strace $0x90000046  }
0xb4: {  	s29 =	simm.s32 $0x9;
	_ =	strace $0x80000048  }
0xb5: {  	_ =	swait.ge [sflag:s29], $0x1  }
0xb6: {  	[sflag:s29] =	ssyncadd.s32 $0xFFFFFFFF  }
0xb7: {  	_ =	strace $0x90000048  }
0xb8: {  	_ =	sfence  }
0xb9: {  	s30 =	sld [smem:$0x0];
	_ =	sdelay $0x2  }
0xba: {  	s31 =	sshll.u32 s1, $0xD;
	s1 =	sshrl.u32 s1, $0x2  }
0xbb: {  	s3 =	sand.u32 $0x4000, s31;
	s1 =	sadd.s32 s1, s30  }
0xbc: {  	s0 =	sor.u32 s3, s0;
	s1 =	sshll.u32 s1, $0x11  }
0xbd: {  	s0 =	sor.u32 s1, s0  }
0xbe: {  	s0 =	sadd.s32 $0x8F2B, s0  }
0xbf: {  	[sflag:s0] =	ssyncadd.remote.s32 $0x1  }
0xc0: {  	_ =	sfence.sel $0xFFFF  }
0xc1: {  	[dreg:$0x0] =	wrdreg $0xFFFFFFFF;
	(pc) =	sbr.abs _section_cstart, $3  }
0xc2: {  	[dreg:$0x1] =	wrdreg $0xFFFFFFFF  }
0xc3: {  	_ =	task.clear_ibuf [dreg:s8], $0x2FFFF;
	_ =	strace $0x9FFFFFFF  }
0xc4: {  	(tm) =	ssettm $0x7FFFFFFF  }
0xc5: {  	_ =	shalt  }
tec
execute0_lowered:
.L_overlay_start_1:
0x0: {  	(tag) =	ssettag $0x1  }
0x1: {  	v0 =	vimm.s32 $0x281;
	vm14 =	vcmask $0x300  }
0x2: {  	vm13 =	vcmask $0x704;
	vm12 =	vcmask $0xB08;
	v21 =	vlaneseq.u32  }
0x3: {  	vm11 =	vcmask $0xF0C;
	vm10 =	vcmask $0x1310;
	vm9 =	vcmask $0x1714  }
0x4: {  	vm8 =	vcmask $0x1B18;
	v3 =	vimm.s32 $0x7A120;
	vm7 =	vcmask $0x1F1C  }
0x5: {  	vm5 =	vcmask $0x2320;
	v4 =	vimm.s32 $0x582;
	vm0 =	vcmask $0x2724  }
0x6: {  	vm1 =	vcmask $0x2B28;
	vm2 =	vcmask $0x2F2C;
	vm3 =	vcmask $0x3330  }
0x7: {  	vm6 =	vcmask $0x3734;
	vm4 =	vcmask $0x3B38;
	v7 =	vimm.s32 $0x10C8E0  }
0x8: {  	v8 =	vimm.s32 $0x83;
	v9 =	vimm.s32 $0x186A0;
	v10 =	vimm.s32 $0x384  }
0x9: {  	v11 =	vimm.s32 $0x13D620;
	v13 =	vimm.s32 $0x685;
	v14 =	vimm.s32 $0x186  }
0xa: {  	v19 =	vimm.s32 $0x493E0;
	v20 =	vimm.s32 $0x487;
	v22 =	vimm.s32 $0xDBBA0  }
0xb: {  	v0 =	vsel vm14, $0x800, v0;
	v3 =	vsel vm14, $0x186A00, v3;
	v4 =	vsel vm14, $0xB01, v4  }
0xc: {  	v7 =	vsel vm14, $0x2191C0, v7;
	v8 =	vsel vm14, $0x602, v8;
	v9 =	vsel vm14, $0x124F80, v9  }
0xd: {  	v10 =	vsel vm14, $0x903, v10;
	v11 =	vsel vm14, $0x249F00, v11;
	v13 =	vsel vm14, $0xC04, v13  }
0xe: {  	v14 =	vsel vm14, $0x705, v14;
	v19 =	vsel vm14, $0x155CC0, v19;
	v20 =	vsel vm14, $0xA06, v20  }
0xf: {  	v22 =	vsel vm14, $0x1E8480, v22;
	v0 =	vsel vm13, $0x880, v0;
	v3 =	vsel vm13, $0x19F0A0, v3  }
0x10: {  	v4 =	vsel vm13, $0xB81, v4;
	v7 =	vsel vm13, $0x231860, v7;
	v8 =	vsel vm13, $0x682, v8  }
0x11: {  	v9 =	vsel vm13, $0x13D620, v9;
	v10 =	vsel vm13, $0x983, v10;
	v13 =	vsel vm13, $0xC84, v13  }
0x12: {  	v14 =	vsel vm13, $0x785, v14;
	v19 =	vsel vm13, $0x16E360, v19;
	v20 =	vsel vm13, $0xA86, v20  }
0x13: {  	v22 =	vsel vm13, $0x200B20, v22;
	v1 =	vsel vm12, $0x900, v0;
	v0 =	vmul.u32 $0x80, v21  }
0x14: {  	v3 =	vsel vm12, $0x1B7740, v3;
	v4 =	vsel vm12, $0xC01, v4;
	v7 =	vsel vm12, $0x249F00, v7  }
0x15: {  	v8 =	vsel vm12, $0x702, v8;
	v9 =	vsel vm12, $0x155CC0, v9;
	v10 =	vsel vm12, $0xA03, v10  }
0x16: {  	v13 =	vsel vm12, $0x5, v13;
	v18 =	vsel vm12, $0x805, v14;
	v19 =	vsel vm12, $0x186A00, v19  }
0x17: {  	v20 =	vsel vm12, $0xB06, v20;
	v22 =	vsel vm12, $0x2191C0, v22;
	v2 =	vsel vm11, $0x980, v1  }
0x18: {  	v1 =	vmul.u32 $0x186A0, v21;
	v3 =	vsel vm11, $0x1CFDE0, v3;
	v4 =	vsel vm11, $0xC81, v4  }
0x19: {  	v7 =	vsel vm11, $0x2625A0, v7;
	v8 =	vsel vm11, $0x782, v8;
	v9 =	vsel vm11, $0x16E360, v9  }
0x1a: {  	v10 =	vsel vm11, $0xA83, v10;
	v13 =	vsel vm11, $0x85, v13;
	v18 =	vsel vm11, $0x885, v18  }
0x1b: {  	v19 =	vsel vm11, $0x19F0A0, v19;
	v20 =	vsel vm11, $0xB86, v20;
	v22 =	vsel vm11, $0x231860, v22  }
0x1c: {  	v21 =	vmul.u32 $0x5, v21;
	v2 =	vsel vm10, $0xA00, v2;
	v3 =	vsel vm10, $0x1E8480, v3  }
0x1d: {  	v4 =	vsel vm10, $0x2, v4;
	v7 =	vsel vm10, $0x0, v7;
	v8 =	vsel vm10, $0x802, v8  }
0x1e: {  	v9 =	vsel vm10, $0x186A00, v9;
	v10 =	vsel vm10, $0xB03, v10;
	v13 =	vsel vm10, $0x105, v13  }
0x1f: {  	v18 =	vsel vm10, $0x905, v18;
	v19 =	vsel vm10, $0x1B7740, v19;
	v20 =	vsel vm10, $0xC06, v20  }
0x20: {  	v22 =	vsel vm10, $0x249F00, v22;
	v25 =	vadd.s32 $0x507, v0;
	v2 =	vsel vm9, $0xA80, v2  }
0x21: {  	v3 =	vsel vm9, $0x200B20, v3;
	v4 =	vsel vm9, $0x82, v4;
	v7 =	vsel vm9, $0x186A0, v7  }
0x22: {  	v8 =	vsel vm9, $0x882, v8;
	v9 =	vsel vm9, $0x19F0A0, v9;
	v10 =	vsel vm9, $0xB83, v10  }
0x23: {  	v13 =	vsel vm9, $0x185, v13;
	v14 =	vadd.s32 $0xC3500, v1;
	v18 =	vsel vm9, $0x985, v18  }
0x24: {  	v19 =	vsel vm9, $0x1CFDE0, v19;
	v20 =	vsel vm9, $0xC86, v20;
	v22 =	vsel vm9, $0x2625A0, v22  }
0x25: {  	v26 =	vadd.s32 $0xF4240, v1;
	v27 =	vadd.s32 $0x1, v21;
	v28 =	vadd.s32 $0x2, v21  }
0x26: {  	v29 =	vadd.s32 $0x3, v21;
	v30 =	vadd.s32 $0x4, v21;
	v2 =	vsel vm8, $0xB00, v2  }
0x27: {  	v3 =	vsel vm8, $0x2191C0, v3;
	v4 =	vsel vm8, $0x102, v4;
	v7 =	vsel vm8, $0x30D40, v7  }
0x28: {  	v8 =	vsel vm8, $0x902, v8;
	v9 =	vsel vm8, $0x1B7740, v9;
	v10 =	vsel vm8, $0xC03, v10  }
0x29: {  	v13 =	vsel vm8, $0x205, v13;
	v18 =	vsel vm8, $0xA05, v18;
	v19 =	vsel vm8, $0x1E8480, v19  }
0x2a: {  	v20 =	vsel vm8, $0x7, v20;
	v22 =	vsel vm8, $0x0, v22;
	v2 =	vsel vm7, $0xB80, v2  }
0x2b: {  	v3 =	vsel vm7, $0x231860, v3;
	v4 =	vsel vm7, $0x182, v4;
	v7 =	vsel vm7, $0x493E0, v7  }
0x2c: {  	v8 =	vsel vm7, $0x982, v8;
	v9 =	vsel vm7, $0x1CFDE0, v9;
	v13 =	vsel vm7, $0x285, v13  }
0x2d: {  	v18 =	vsel vm7, $0xA85, v18;
	v19 =	vsel vm7, $0x200B20, v19;
	v20 =	vsel vm7, $0x87, v20  }
0x2e: {  	v22 =	vsel vm7, $0x186A0, v22;
	v2 =	vsel vm5, $0xC00, v2;
	v3 =	vsel vm5, $0x249F00, v3  }
0x2f: {  	v4 =	vsel vm5, $0x202, v4;
	v7 =	vsel vm5, $0x61A80, v7;
	v8 =	vsel vm5, $0xA02, v8  }
0x30: {  	v9 =	vsel vm5, $0x1E8480, v9;
	v13 =	vsel vm5, $0x305, v13;
	v18 =	vsel vm5, $0xB05, v18  }
0x31: {  	v19 =	vsel vm5, $0x2191C0, v19;
	v20 =	vsel vm5, $0x107, v20;
	v22 =	vsel vm5, $0x30D40, v22  }
0x32: {  	v2 =	vsel vm0, $0xC80, v2;
	v3 =	vsel vm0, $0x2625A0, v3;
	v4 =	vsel vm0, $0x282, v4  }
0x33: {  	v7 =	vsel vm0, $0x7A120, v7;
	v8 =	vsel vm0, $0xA82, v8;
	v9 =	vsel vm0, $0x200B20, v9  }
0x34: {  	v13 =	vsel vm0, $0x385, v13;
	v18 =	vsel vm0, $0xB85, v18;
	v19 =	vsel vm0, $0x231860, v19  }
0x35: {  	v20 =	vsel vm0, $0x187, v20;
	v22 =	vsel vm0, $0x493E0, v22;
	v2 =	vsel vm1, $0x1, v2  }
0x36: {  	v3 =	vsel vm1, $0x0, v3;
	v4 =	vsel vm1, $0x302, v4;
	v7 =	vsel vm1, $0x927C0, v7  }
0x37: {  	v8 =	vsel vm1, $0xB02, v8;
	v9 =	vsel vm1, $0x2191C0, v9;
	v13 =	vsel vm1, $0x405, v13  }
0x38: {  	v18 =	vsel vm1, $0xC05, v18;
	v19 =	vsel vm1, $0x249F00, v19;
	v20 =	vsel vm1, $0x207, v20  }
0x39: {  	v22 =	vsel vm1, $0x61A80, v22;
	v2 =	vsel vm2, $0x81, v2;
	v3 =	vsel vm2, $0x186A0, v3  }
0x3a: {  	v5 =	vsel vm2, $0x382, v4;
	v4 =	vadd.s32 $0x301, v0;
	v7 =	vsel vm2, $0xAAE60, v7  }
0x3b: {  	v8 =	vsel vm2, $0xB82, v8;
	v9 =	vsel vm2, $0x231860, v9;
	v15 =	vsel vm2, $0x485, v13  }
0x3c: {  	v13 =	vadd.s32 $0x404, v0;
	v18 =	vsel vm2, $0xC85, v18;
	v19 =	vsel vm2, $0x2625A0, v19  }
0x3d: {  	v23 =	vsel vm2, $0x287, v20;
	v22 =	vsel vm2, $0x7A120, v22;
	v20 =	vadd.s32 $0x206, v0  }
0x3e: {  	v2 =	vsel vm3, $0x101, v2;
	v3 =	vsel vm3, $0x30D40, v3;
	v6 =	vsel vm3, $0x402, v5  }
0x3f: {  	v5 =	vadd.s32 $0x927C0, v1;
	v7 =	vsel vm3, $0xC3500, v7;
	v8 =	vsel vm3, $0xC02, v8  }
0x40: {  	v15 =	vsel vm3, $0x505, v15;
	v18 =	vsel vm3, $0x6, v18;
	v19 =	vsel vm3, $0x0, v19  }
0x41: {  	v23 =	vsel vm3, $0x307, v23;
	v22 =	vsel vm3, $0x927C0, v22;
	v2 =	vsel vm6, $0x181, v2  }
0x42: {  	v16 =	vsel vm6, $0xC82, v8;
	v8 =	vsel vm3, $0x249F00, v9;
	v9 =	vimm.s32 $0xAAE60  }
0x43: {  	v3 =	vsel vm6, $0x493E0, v3;
	v6 =	vsel vm6, $0x482, v6;
	v9 =	vsel vm14, $0x1B7740, v9  }
0x44: {  	v7 =	vsel vm6, $0xDBBA0, v7;
	v15 =	vsel vm6, $0x585, v15;
	v9 =	vsel vm13, $0x1CFDE0, v9  }
0x45: {  	v18 =	vsel vm6, $0x86, v18;
	v19 =	vsel vm6, $0x186A0, v19;
	v9 =	vsel vm12, $0x1E8480, v9  }
0x46: {  	v23 =	vsel vm6, $0x387, v23;
	v24 =	vsel vm6, $0xAAE60, v22;
	v9 =	vsel vm11, $0x200B20, v9  }
0x47: {  	v22 =	vadd.s32 $0x61A80, v1;
	v2 =	vsel vm4, $0x201, v2;
	v9 =	vsel vm10, $0x2191C0, v9  }
0x48: {  	v3 =	vsel vm4, $0x61A80, v3;
	v17 =	vsel vm6, $0x2625A0, v8;
	v9 =	vsel vm9, $0x231860, v9  }
0x49: {  	s0 =	rddreg [dreg:$0x0];
	v8 =	vsel vm7, $0xC83, v10;
	v10 =	vsel vm13, $0x2625A0, v11;
	v9 =	vsel vm8, $0x249F00, v9  }
0x4a: {  	s2 =	rddreg [dreg:$0x1];
	v11 =	vsel vm5, $0x4, v8;
	v12 =	vsel vm7, $0x2625A0, v9;
	v9 =	vsel vm12, $0x0, v10  }
0x4b: {  	s7 =	rddreg [dreg:$0x2];
	v6 =	vsel vm4, $0x502, v6;
	v10 =	vsel vm0, $0x84, v11;
	v11 =	vsel vm11, $0x186A0, v9  }
0x4c: {  	s1 =	simm.s32 $0x0;
	s4 =	srdreg.scid;
	s5 =	stileid.u32;
	v7 =	vsel vm4, $0xF4240, v7;
	v15 =	vsel vm4, $0x605, v15;
	v11 =	vsel vm10, $0x30D40, v11  }
0x4d: {  	s16 =	simm.s32 $0x80;
	s24 =	simm.s32 $0x5E00;
	[smem:$0x7FF] =	sst s1;
	v16 =	vsel vm4, $0x3, v16;
	v18 =	vsel vm4, $0x106, v18;
	v11 =	vsel vm9, $0x493E0, v11  }
0x4e: {  	s3 =	sadd.s32 $0x126000, s0;
	s8 =	sand.u32 $0x1, s4;
	s6 =	sshll.u32 s5, $0x1;
	v19 =	vsel vm4, $0x30D40, v19;
	v23 =	vsel vm4, $0x407, v23;
	v11 =	vsel vm8, $0x61A80, v11  }
0x4f: {  	s26 =	sadd.s32 $0xC00, s0;
	_ =	strace $0x80000047;
	[dreg:$0x9] =	wrdreg s3;
	v24 =	vsel vm4, $0xC3500, v24;
	v8 =	vadd.s32 $0x103, v0;
	v11 =	vsel vm7, $0x7A120, v11  }
0x50: {  	s5 =	sadd.s32 $0x50200, s0;
	[dreg:$0xa] =	wrdreg s26;
	s9 =	sor.u32 s8, s6;
	v17 =	vsel vm4, $0x0, v17;
	v12 =	vsel vm5, $0x0, v12;
	v11 =	vsel vm5, $0x927C0, v11  }
0x51: {  	s6 =	sadd.s32 $0x175600, s0;
	s10 =	ssub.s32 $0x2, s8;
	s28 =	sshll.u32 s9, $0x7;
	v9 =	vadd.s32 $0x30D40, v1;
	v12 =	vsel vm0, $0x186A0, v12;
	v11 =	vsel vm0, $0xAAE60, v11  }
0x52: {  	s8 =	sadd.s32 $0x9F800, s0;
	s29 =	smul.u32 $0x820, s9;
	s12 =	sadd.s32 s2, s28;
	v10 =	vsel vm1, $0x104, v10;
	v12 =	vsel vm1, $0x30D40, v12;
	v11 =	vsel vm1, $0xC3500, v11  }
0x53: {  	s11 =	sshrl.u32 s10, $0x1;
	[dreg:$0x4] =	wrdreg s12;
	s31 =	sadd.s32 $0x3000, s12;
	v10 =	vsel vm2, $0x184, v10;
	v12 =	vsel vm2, $0x493E0, v12;
	v11 =	vsel vm2, $0xDBBA0, v11  }
0x54: {  	s30 =	ssub.s32 s10, s11;
	s2 =	sadd.s32 s7, s29;
	[dreg:$0x5] =	wrdreg s31;
	v10 =	vsel vm3, $0x204, v10;
	v12 =	vsel vm3, $0x61A80, v12;
	v11 =	vsel vm3, $0xF4240, v11  }
0x55: {  	s9 =	simm.s32 $0x0;
	s0 =	smax.u32 s30, $0x1;
	[dreg:$0x6] =	wrdreg s2;
	v10 =	vsel vm6, $0x284, v10;
	v12 =	vsel vm6, $0x7A120, v12;
	v11 =	vsel vm6, $0x10C8E0, v11  }
0x56: {  	s7 =	simm.s32 $0x2;
	[dreg:$0x7] =	wrdreg s0;
	s0 =	simm.s32 $0x1;
	v10 =	vsel vm4, $0x304, v10;
	v12 =	vsel vm4, $0x927C0, v12;
	v11 =	vsel vm4, $0x124F80, v11  }
.LBB2_1:
0x57: {  	[dreg:$0x8] =	wrdreg s9  }
0x58: {  	s2 =	rddreg [dreg:$0x4];
	s13 =	simm.s32 $0x400;
	s19 =	simm.s32 $0x8000  }
0x59: {  	[tilespmem:s1], [sflag:$0x2] =	stream.strided.gather [hbm4b:s2+s13], $0xC00, s19, s13, $0x38;
	[tilespmem:$0x9F00] =	vst v63  }
0x5a: {  	v31 =	vor.u32 s1, v0;
	s26 =	rddreg [dreg:$0x5];
	s28 =	simm.s32 $0xC00  }
0x5b: {  	[tilespmem:s28], [sflag:$0x2] =	stream.linear.gather [hbm4b:s26+s1], $0x100, $0x38;
	[tilespmem:$0x9F00] =	vst v63  }
0x5c: {  	_ =	swait.ge [sflag:s7], $0xD00  }
0x5d: {  	[sflag:s7] =	ssyncset.done $0x0  }
0x5e: {  	[sflag:s7] =	ssyncadd.s32 $0xFFFFF300  }
0x5f: {  	v31 =	vld.idx.msk [tilespmem:v31+s1+$0x0], $0xffff;
	_ =	sdelay $0x1  }
0x60: {  	v32 =	vor.u32 s1, v2;
	_ =	sdelay $0x2  }
0x61: {  	s29 =	simm.s32 $0x1060;
	v31 =	vadd.s32 v1, v31  }
0x62: {  	[tilespmem:s29+$0xFFFFFFA0] =	vst v31  }
0x63: {  	v31 =	vld.idx.msk [tilespmem:v32+s1+$0x0], $0xffff;
	_ =	sdelay $0x1  }
0x64: {  	v53 =	vor.u32 s1, v4;
	_ =	sdelay $0x2  }
0x65: {  	v31 =	vadd.s32 v3, v31  }
0x66: {  	[tilespmem:s29+$0xFFFFFFB0] =	vst v31  }
0x67: {  	v31 =	vld.idx.msk [tilespmem:v53+s1+$0x0], $0xffff;
	_ =	sdelay $0x1  }
0x68: {  	v54 =	vor.u32 s1, v6;
	_ =	sdelay $0x2  }
0x69: {  	v31 =	vadd.s32 v5, v31  }
0x6a: {  	[tilespmem:s29+$0xFFFFFFC0] =	vst v31  }
0x6b: {  	v31 =	vld.idx.msk [tilespmem:v54+s1+$0x0], $0xffff;
	_ =	sdelay $0x1  }
0x6c: {  	v55 =	vor.u32 s1, v16;
	_ =	sdelay $0x2  }
0x6d: {  	v31 =	vadd.s32 v7, v31  }
0x6e: {  	[tilespmem:s29+$0xFFFFFFD0] =	vst v31  }
0x6f: {  	v31 =	vld.idx.msk [tilespmem:v55+s1+$0x0], $0xffff;
	_ =	sdelay $0x1  }
0x70: {  	v56 =	vor.u32 s1, v8;
	_ =	sdelay $0x2  }
0x71: {  	v31 =	vadd.s32 v17, v31  }
0x72: {  	[tilespmem:s29+$0xFFFFFFE0] =	vst v31  }
0x73: {  	v31 =	vld.idx.msk [tilespmem:v56+s1+$0x0], $0xffff;
	_ =	sdelay $0x1  }
0x74: {  	v57 =	vor.u32 s1, v10;
	_ =	sdelay $0x2  }
0x75: {  	v31 =	vadd.s32 v9, v31  }
0x76: {  	[tilespmem:s29+$0xFFFFFFF0] =	vst v31  }
0x77: {  	v31 =	vld.idx.msk [tilespmem:v57+s1+$0x0], $0xffff;
	_ =	sdelay $0x1  }
0x78: {  	v58 =	vor.u32 s1, v13;
	_ =	sdelay $0x2  }
0x79: {  	v31 =	vadd.s32 v12, v31  }
0x7a: {  	[tilespmem:s29+$0x0] =	vst v31  }
0x7b: {  	v31 =	vld.idx.msk [tilespmem:v58+s1+$0x0], $0xffff;
	_ =	sdelay $0x1  }
0x7c: {  	v59 =	vor.u32 s1, v15;
	_ =	sdelay $0x2  }
0x7d: {  	v31 =	vadd.s32 v14, v31  }
0x7e: {  	[tilespmem:s29+$0x10] =	vst v31  }
0x7f: {  	v31 =	vld.idx.msk [tilespmem:v59+s1+$0x0], $0xffff;
	_ =	sdelay $0x1  }
0x80: {  	v60 =	vor.u32 s1, v18;
	_ =	sdelay $0x2  }
0x81: {  	s30 =	sand.u32 $0xFF0, s1;
	v31 =	vadd.s32 v11, v31  }
0x82: {  	[tilespmem:s30+$0x1080] =	vst v31  }
0x83: {  	v31 =	vld.idx.msk [tilespmem:v60+s1+$0x0], $0xffff;
	_ =	sdelay $0x1  }
0x84: {  	v61 =	vor.u32 s1, v20;
	_ =	sdelay $0x2  }
0x85: {  	v31 =	vadd.s32 v19, v31  }
0x86: {  	[tilespmem:s29+$0x30] =	vst v31  }
0x87: {  	v31 =	vld.idx.msk [tilespmem:v61+s1+$0x0], $0xffff;
	_ =	sdelay $0x1  }
0x88: {  	v62 =	vor.u32 s1, v23;
	_ =	sdelay $0x2  }
0x89: {  	v31 =	vadd.s32 v22, v31  }
0x8a: {  	[tilespmem:s29+$0x40] =	vst v31  }
0x8b: {  	v31 =	vld.idx.msk [tilespmem:v62+s1+$0x0], $0xffff;
	_ =	sdelay $0x1  }
0x8c: {  	v63 =	vor.u32 s1, v25;
	_ =	sdelay $0x2  }
0x8d: {  	v31 =	vadd.s32 v24, v31  }
0x8e: {  	[tilespmem:s29+$0x50] =	vst v31  }
0x8f: {  	v32 =	vld.idx.msk [tilespmem:v63+s1+$0x0], $0xffff;
	_ =	sdelay $0x1  }
0x90: {  	s31 =	simm.s32 $0x8  }
0x91: {  	v31 =	vor.u32 s31, v0;
	_ =	sdelay $0x1  }
0x92: {  	s13 =	simm.s32 $0x10;
	s2 =	simm.s32 $0x0;
	v32 =	vadd.s32 v26, v32  }
.LBB2_2:
0x93: {  	s2 =	sadd.s32 $0xD0, s2  }
0x94: {  	[tilespmem:s29+$0x60] =	vst v32;
	s29 =	sadd.s32 $0xD0, s29;
	s19 =	smov.u32 s13;
	s23 =	sadd.s32 $0x8, s13  }
0x95: {  	p0 =	sne.s32 s13, $0x78;
	v31 =	vld.idx.msk [tilespmem:v31+s1+$0x0], $0xffff;
	_ =	sdelay $0x2  }
0x96: {  	v32 =	vor.u32 s31, v2;
	_ =	sdelay $0x2  }
0x97: {  	v31 =	vadd.s32 v1, v31  }
0x98: {  	[tilespmem:s29+$0xFFFFFFA0] =	vst v31  }
0x99: {  	v31 =	vld.idx.msk [tilespmem:v32+s1+$0x0], $0xffff;
	_ =	sdelay $0x2  }
0x9a: {  	v32 =	vor.u32 s31, v4;
	_ =	sdelay $0x2  }
0x9b: {  	v31 =	vadd.s32 v3, v31  }
0x9c: {  	[tilespmem:s29+$0xFFFFFFB0] =	vst v31  }
0x9d: {  	v31 =	vld.idx.msk [tilespmem:v32+s1+$0x0], $0xffff;
	_ =	sdelay $0x2  }
0x9e: {  	v32 =	vor.u32 s31, v6;
	_ =	sdelay $0x2  }
0x9f: {  	v31 =	vadd.s32 v5, v31  }
0xa0: {  	[tilespmem:s29+$0xFFFFFFC0] =	vst v31  }
0xa1: {  	v31 =	vld.idx.msk [tilespmem:v32+s1+$0x0], $0xffff;
	_ =	sdelay $0x2  }
0xa2: {  	v32 =	vor.u32 s31, v16;
	_ =	sdelay $0x2  }
0xa3: {  	v31 =	vadd.s32 v7, v31  }
0xa4: {  	[tilespmem:s29+$0xFFFFFFD0] =	vst v31  }
0xa5: {  	v31 =	vld.idx.msk [tilespmem:v32+s1+$0x0], $0xffff;
	_ =	sdelay $0x2  }
0xa6: {  	v32 =	vor.u32 s31, v8;
	_ =	sdelay $0x2  }
0xa7: {  	v31 =	vadd.s32 v17, v31  }
0xa8: {  	[tilespmem:s29+$0xFFFFFFE0] =	vst v31  }
0xa9: {  	v31 =	vld.idx.msk [tilespmem:v32+s1+$0x0], $0xffff;
	_ =	sdelay $0x2  }
0xaa: {  	v32 =	vor.u32 s31, v10;
	_ =	sdelay $0x2  }
0xab: {  	v31 =	vadd.s32 v9, v31  }
0xac: {  	[tilespmem:s29+$0xFFFFFFF0] =	vst v31  }
0xad: {  	v31 =	vld.idx.msk [tilespmem:v32+s1+$0x0], $0xffff;
	_ =	sdelay $0x2  }
0xae: {  	v32 =	vor.u32 s31, v13;
	_ =	sdelay $0x2  }
0xaf: {  	v31 =	vadd.s32 v12, v31  }
0xb0: {  	[tilespmem:s29+$0x0] =	vst v31  }
0xb1: {  	v31 =	vld.idx.msk [tilespmem:v32+s1+$0x0], $0xffff;
	_ =	sdelay $0x2  }
0xb2: {  	v32 =	vor.u32 s31, v15;
	_ =	sdelay $0x2  }
0xb3: {  	v31 =	vadd.s32 v14, v31  }
0xb4: {  	[tilespmem:s29+$0x10] =	vst v31  }
0xb5: {  	v31 =	vld.idx.msk [tilespmem:v32+s1+$0x0], $0xffff;
	_ =	sdelay $0x2  }
0xb6: {  	v32 =	vor.u32 s31, v18;
	_ =	sdelay $0x2  }
0xb7: {  	s13 =	sand.u32 $0xFF0, s2;
	v31 =	vadd.s32 v11, v31  }
0xb8: {  	[tilespmem:s13+$0x1080] =	vst v31  }
0xb9: {  	v31 =	vld.idx.msk [tilespmem:v32+s1+$0x0], $0xffff;
	_ =	sdelay $0x2  }
0xba: {  	v32 =	vor.u32 s31, v20;
	_ =	sdelay $0x2  }
0xbb: {  	v31 =	vadd.s32 v19, v31  }
0xbc: {  	[tilespmem:s29+$0x30] =	vst v31  }
0xbd: {  	v31 =	vld.idx.msk [tilespmem:v32+s1+$0x0], $0xffff;
	_ =	sdelay $0x2  }
0xbe: {  	v32 =	vor.u32 s31, v23;
	_ =	sdelay $0x2  }
0xbf: {  	v31 =	vadd.s32 v22, v31  }
0xc0: {  	[tilespmem:s29+$0x40] =	vst v31  }
0xc1: {  	v31 =	vld.idx.msk [tilespmem:v32+s1+$0x0], $0xffff;
	_ =	sdelay $0x2  }
0xc2: {  	v32 =	vor.u32 s31, v25;
	s31 =	smov.u32 s19;
	_ =	sdelay $0x2  }
0xc3: {  	v31 =	vadd.s32 v24, v31  }
0xc4: {  	[tilespmem:s29+$0x50] =	vst v31  }
0xc5: {  	v32 =	vld.idx.msk [tilespmem:v32+s1+$0x0], $0xffff;
	_ =	sdelay $0x1  }
.Ltmp0:
0xc6: {  	(pc) =	sbr.rel @p0 .LBB2_2-.Ltmp0, $2  }
0xc7: {  	v31 =	vor.u32 s31, v0;
	_ =	sdelay $0x2  }
0xc8: {  	s13 =	smov.u32 s23;
	v32 =	vadd.s32 v26, v32  }
0xc9: {  	_ =	sdelay $0x2  }
0xca: {  	[tilespmem:s29+$0x60] =	vst v32  }
0xcb: {  	v31 =	vld.idx.msk [tilespmem:v31+s1+$0x0], $0xffff;
	_ =	sdelay $0x1  }
0xcc: {  	v52 =	vor.u32 s31, v2;
	_ =	sdelay $0x2  }
0xcd: {  	s13 =	sadd.s32 $0xD0, s29;
	v31 =	vadd.s32 v1, v31  }
0xce: {  	[tilespmem:s13+$0xFFFFFFA0] =	vst v31  }
0xcf: {  	v31 =	vld.idx.msk [tilespmem:v52+s1+$0x0], $0xffff;
	_ =	sdelay $0x1  }
0xd0: {  	v53 =	vor.u32 s31, v4;
	_ =	sdelay $0x2  }
0xd1: {  	v31 =	vadd.s32 v3, v31  }
0xd2: {  	[tilespmem:s13+$0xFFFFFFB0] =	vst v31  }
0xd3: {  	v31 =	vld.idx.msk [tilespmem:v53+s1+$0x0], $0xffff;
	_ =	sdelay $0x1  }
0xd4: {  	v54 =	vor.u32 s31, v6;
	_ =	sdelay $0x2  }
0xd5: {  	v31 =	vadd.s32 v5, v31  }
0xd6: {  	[tilespmem:s13+$0xFFFFFFC0] =	vst v31  }
0xd7: {  	v31 =	vld.idx.msk [tilespmem:v54+s1+$0x0], $0xffff;
	_ =	sdelay $0x1  }
0xd8: {  	v55 =	vor.u32 s31, v16;
	_ =	sdelay $0x2  }
0xd9: {  	v31 =	vadd.s32 v7, v31  }
0xda: {  	[tilespmem:s13+$0xFFFFFFD0] =	vst v31  }
0xdb: {  	v31 =	vld.idx.msk [tilespmem:v55+s1+$0x0], $0xffff;
	_ =	sdelay $0x1  }
0xdc: {  	v56 =	vor.u32 s31, v8;
	_ =	sdelay $0x2  }
0xdd: {  	v31 =	vadd.s32 v17, v31  }
0xde: {  	[tilespmem:s13+$0xFFFFFFE0] =	vst v31  }
0xdf: {  	v31 =	vld.idx.msk [tilespmem:v56+s1+$0x0], $0xffff;
	_ =	sdelay $0x1  }
0xe0: {  	v57 =	vor.u32 s31, v10;
	_ =	sdelay $0x2  }
0xe1: {  	v31 =	vadd.s32 v9, v31  }
0xe2: {  	[tilespmem:s13+$0xFFFFFFF0] =	vst v31  }
0xe3: {  	v31 =	vld.idx.msk [tilespmem:v57+s1+$0x0], $0xffff;
	_ =	sdelay $0x1  }
0xe4: {  	v58 =	vor.u32 s31, v13;
	_ =	sdelay $0x2  }
0xe5: {  	v31 =	vadd.s32 v12, v31  }
0xe6: {  	[tilespmem:s13+$0x0] =	vst v31  }
0xe7: {  	v31 =	vld.idx.msk [tilespmem:v58+s1+$0x0], $0xffff;
	_ =	sdelay $0x1  }
0xe8: {  	v59 =	vor.u32 s31, v15;
	_ =	sdelay $0x2  }
0xe9: {  	v31 =	vadd.s32 v14, v31  }
0xea: {  	[tilespmem:s13+$0x10] =	vst v31  }
0xeb: {  	v31 =	vld.idx.msk [tilespmem:v59+s1+$0x0], $0xffff;
	_ =	sdelay $0x1  }
0xec: {  	v60 =	vor.u32 s31, v18;
	_ =	sdelay $0x1  }
0xed: {  	s2 =	sadd.s32 $0xD0, s2  }
0xee: {  	s2 =	sand.u32 $0xFF0, s2;
	v31 =	vadd.s32 v11, v31  }
0xef: {  	[tilespmem:s2+$0x1080] =	vst v31  }
0xf0: {  	v31 =	vld.idx.msk [tilespmem:v60+s1+$0x0], $0xffff;
	_ =	sdelay $0x1  }
0xf1: {  	v61 =	vor.u32 s31, v20;
	_ =	sdelay $0x2  }
0xf2: {  	v31 =	vadd.s32 v19, v31  }
0xf3: {  	[tilespmem:s13+$0x30] =	vst v31  }
0xf4: {  	v31 =	vld.idx.msk [tilespmem:v61+s1+$0x0], $0xffff;
	_ =	sdelay $0x1  }
0xf5: {  	v62 =	vor.u32 s31, v23;
	_ =	sdelay $0x2  }
0xf6: {  	v31 =	vadd.s32 v22, v31  }
0xf7: {  	[tilespmem:s13+$0x40] =	vst v31  }
0xf8: {  	v31 =	vld.idx.msk [tilespmem:v62+s1+$0x0], $0xffff;
	_ =	sdelay $0x1  }
0xf9: {  	v63 =	vor.u32 s31, v25;
	_ =	sdelay $0x2  }
0xfa: {  	v31 =	vadd.s32 v24, v31  }
0xfb: {  	[tilespmem:s13+$0x50] =	vst v31  }
0xfc: {  	v31 =	vld.idx.msk [tilespmem:v63+s1+$0x0], $0xffff;
	_ =	sdelay $0x4  }
0xfd: {  	v31 =	vadd.s32 v26, v31  }
0xfe: {  	s29 =	simm.s32 $0x1D00;
	s17 =	simm.s32 $0x1000;
	s4 =	rddreg [dreg:$0x9];
	[tilespmem:s13+$0x60] =	vst v31  }
0xff: {  	[tilespmem:s29], [sflag:$0x1] =	stream.indirect.gather [hbm4b:s4+s16], $0x1, s17, s16, $0xb8;
	[tilespmem:$0x9F00] =	vst v63  }
0x100: {  	s18 =	simm.s32 $0x1080;
	s19 =	simm.s32 $0x1D80  }
0x101: {  	[tilespmem:s19], [sflag:$0x1] =	stream.indirect.gather [hbm4b:s4+s16], $0x1, s18, s16, $0xb8;
	[tilespmem:$0x9F00] =	vst v63  }
0x102: {  	s20 =	simm.s32 $0x1100;
	s23 =	simm.s32 $0x1E00  }
0x103: {  	[tilespmem:s23], [sflag:$0x1] =	stream.indirect.gather [hbm4b:s4+s16], $0x1, s20, s16, $0xb8;
	[tilespmem:$0x9F00] =	vst v63  }
0x104: {  	s21 =	simm.s32 $0x1180;
	s22 =	simm.s32 $0x1E80  }
0x105: {  	[tilespmem:s22], [sflag:$0x1] =	stream.indirect.gather [hbm4b:s4+s16], $0x1, s21, s16, $0xb8;
	[tilespmem:$0x9F00] =	vst v63  }
0x106: {  	s28 =	simm.s32 $0x1F00;
	s23 =	simm.s32 $0x1200  }
0x107: {  	[tilespmem:s28], [sflag:$0x1] =	stream.indirect.gather [hbm4b:s4+s16], $0x1, s23, s16, $0xb8;
	[tilespmem:$0x9F00] =	vst v63  }
0x108: {  	s25 =	simm.s32 $0x1280;
	s12 =	simm.s32 $0x1F80  }
0x109: {  	[tilespmem:s12], [sflag:$0x1] =	stream.indirect.gather [hbm4b:s4+s16], $0x1, s25, s16, $0xb8;
	[tilespmem:$0x9F00] =	vst v63  }
0x10a: {  	s26 =	simm.s32 $0x1300;
	s21 =	simm.s32 $0x2000  }
0x10b: {  	[tilespmem:s21], [sflag:$0x1] =	stream.indirect.gather [hbm4b:s4+s16], $0x1, s26, s16, $0xb8;
	[tilespmem:$0x9F00] =	vst v63  }
0x10c: {  	s30 =	simm.s32 $0x2080;
	s28 =	simm.s32 $0x1380  }
0x10d: {  	[tilespmem:s30], [sflag:$0x1] =	stream.indirect.gather [hbm4b:s4+s16], $0x1, s28, s16, $0xb8;
	[tilespmem:$0x9F00] =	vst v63  }
0x10e: {  	s25 =	simm.s32 $0x2100;
	s30 =	simm.s32 $0x1400  }
0x10f: {  	[tilespmem:s25], [sflag:$0x1] =	stream.indirect.gather [hbm4b:s4+s16], $0x1, s30, s16, $0xb8;
	[tilespmem:$0x9F00] =	vst v63  }
0x110: {  	s31 =	simm.s32 $0x1480;
	s14 =	simm.s32 $0x2180  }
0x111: {  	[tilespmem:s14], [sflag:$0x1] =	stream.indirect.gather [hbm4b:s4+s16], $0x1, s31, s16, $0xb8;
	[tilespmem:$0x9F00] =	vst v63  }
0x112: {  	s3 =	simm.s32 $0x1500;
	s9 =	simm.s32 $0x2200  }
0x113: {  	[tilespmem:s9], [sflag:$0x1] =	stream.indirect.gather [hbm4b:s4+s16], $0x1, s3, s16, $0xb8;
	[tilespmem:$0x9F00] =	vst v63  }
0x114: {  	s7 =	simm.s32 $0x1580;
	s10 =	simm.s32 $0x2280  }
0x115: {  	[tilespmem:s10], [sflag:$0x1] =	stream.indirect.gather [hbm4b:s4+s16], $0x1, s7, s16, $0xb8;
	[tilespmem:$0x9F00] =	vst v63  }
0x116: {  	s11 =	simm.s32 $0x2300;
	s9 =	simm.s32 $0x1600  }
0x117: {  	[tilespmem:s11], [sflag:$0x1] =	stream.indirect.gather [hbm4b:s4+s16], $0x1, s9, s16, $0xb8;
	[tilespmem:$0x9F00] =	vst v63  }
0x118: {  	_ =	swait.ge [sflag:s0], $0x80  }
0x119: {  	[sflag:s0] =	ssyncset.done $0x0  }
0x11a: {  	[sflag:s0] =	ssyncadd.s32 $0xFFFFFF80  }
0x11b: {  	_ =	swait.ge [sflag:s0], $0x80  }
0x11c: {  	[sflag:s0] =	ssyncset.done $0x0  }
0x11d: {  	[sflag:s0] =	ssyncadd.s32 $0xFFFFFF80  }
0x11e: {  	_ =	swait.ge [sflag:s0], $0x80  }
0x11f: {  	[sflag:s0] =	ssyncset.done $0x0  }
0x120: {  	[sflag:s0] =	ssyncadd.s32 $0xFFFFFF80  }
0x121: {  	_ =	swait.ge [sflag:s0], $0x80  }
0x122: {  	[sflag:s0] =	ssyncset.done $0x0  }
0x123: {  	[sflag:s0] =	ssyncadd.s32 $0xFFFFFF80  }
0x124: {  	_ =	swait.ge [sflag:s0], $0x80  }
0x125: {  	[sflag:s0] =	ssyncset.done $0x0  }
0x126: {  	[sflag:s0] =	ssyncadd.s32 $0xFFFFFF80  }
0x127: {  	_ =	swait.ge [sflag:s0], $0x80  }
0x128: {  	[sflag:s0] =	ssyncset.done $0x0  }
0x129: {  	[sflag:s0] =	ssyncadd.s32 $0xFFFFFF80  }
0x12a: {  	_ =	swait.ge [sflag:s0], $0x80  }
0x12b: {  	[sflag:s0] =	ssyncset.done $0x0  }
0x12c: {  	[sflag:s0] =	ssyncadd.s32 $0xFFFFFF80  }
0x12d: {  	_ =	swait.ge [sflag:s0], $0x80  }
0x12e: {  	[sflag:s0] =	ssyncset.done $0x0  }
0x12f: {  	[sflag:s0] =	ssyncadd.s32 $0xFFFFFF80  }
0x130: {  	_ =	swait.ge [sflag:s0], $0x80  }
0x131: {  	[sflag:s0] =	ssyncset.done $0x0  }
0x132: {  	[sflag:s0] =	ssyncadd.s32 $0xFFFFFF80  }
0x133: {  	_ =	swait.ge [sflag:s0], $0x80  }
0x134: {  	[sflag:s0] =	ssyncset.done $0x0  }
0x135: {  	[sflag:s0] =	ssyncadd.s32 $0xFFFFFF80  }
0x136: {  	_ =	swait.ge [sflag:s0], $0x80  }
0x137: {  	[sflag:s0] =	ssyncset.done $0x0  }
0x138: {  	[sflag:s0] =	ssyncadd.s32 $0xFFFFFF80  }
0x139: {  	_ =	swait.ge [sflag:s0], $0x80  }
0x13a: {  	[sflag:s0] =	ssyncset.done $0x0  }
0x13b: {  	[sflag:s0] =	ssyncadd.s32 $0xFFFFFF80  }
0x13c: {  	_ =	swait.ge [sflag:s0], $0x80  }
0x13d: {  	[sflag:s0] =	ssyncset.done $0x0  }
0x13e: {  	s10 =	simm.s32 $0x1680;
	s7 =	simm.s32 $0x2380;
	[sflag:s0] =	ssyncadd.s32 $0xFFFFFF80  }
0x13f: {  	[tilespmem:s7], [sflag:$0x1] =	stream.indirect.gather [hbm4b:s4+s16], $0x1, s10, s16, $0xb8;
	[tilespmem:$0x9F00] =	vst v63  }
0x140: {  	s17 =	simm.s32 $0x2400;
	s11 =	simm.s32 $0x1700  }
0x141: {  	[tilespmem:s17], [sflag:$0x1] =	stream.indirect.gather [hbm4b:s4+s16], $0x1, s11, s16, $0xb8;
	[tilespmem:$0x9F00] =	vst v63  }
0x142: {  	s18 =	simm.s32 $0x2480;
	s14 =	simm.s32 $0x1780  }
0x143: {  	[tilespmem:s18], [sflag:$0x1] =	stream.indirect.gather [hbm4b:s4+s16], $0x1, s14, s16, $0xb8;
	[tilespmem:$0x9F00] =	vst v63  }
0x144: {  	s15 =	simm.s32 $0x1800;
	s20 =	simm.s32 $0x2500  }
0x145: {  	[tilespmem:s20], [sflag:$0x1] =	stream.indirect.gather [hbm4b:s4+s16], $0x1, s15, s16, $0xb8;
	[tilespmem:$0x9F00] =	vst v63  }
0x146: {  	s22 =	simm.s32 $0x2580;
	s17 =	simm.s32 $0x1880  }
0x147: {  	[tilespmem:s22], [sflag:$0x1] =	stream.indirect.gather [hbm4b:s4+s16], $0x1, s17, s16, $0xb8;
	[tilespmem:$0x9F00] =	vst v63  }
0x148: {  	s18 =	simm.s32 $0x1900;
	s15 =	simm.s32 $0x2600  }
0x149: {  	[tilespmem:s15], [sflag:$0x1] =	stream.indirect.gather [hbm4b:s4+s16], $0x1, s18, s16, $0xb8;
	[tilespmem:$0x9F00] =	vst v63  }
0x14a: {  	s3 =	simm.s32 $0x1980;
	s20 =	simm.s32 $0x2680  }
0x14b: {  	[tilespmem:s20], [sflag:$0x1] =	stream.indirect.gather [hbm4b:s4+s16], $0x1, s3, s16, $0xb8;
	[tilespmem:$0x9F00] =	vst v63  }
0x14c: {  	s26 =	simm.s32 $0x1A00;
	s21 =	simm.s32 $0x2700  }
0x14d: {  	[tilespmem:s21], [sflag:$0x1] =	stream.indirect.gather [hbm4b:s4+s16], $0x1, s26, s16, $0xb8;
	[tilespmem:$0x9F00] =	vst v63  }
0x14e: {  	s25 =	simm.s32 $0x2780;
	s22 =	simm.s32 $0x1A80  }
0x14f: {  	[tilespmem:s25], [sflag:$0x1] =	stream.indirect.gather [hbm4b:s4+s16], $0x1, s22, s16, $0xb8;
	[tilespmem:$0x9F00] =	vst v63  }
0x150: {  	s28 =	simm.s32 $0x2800;
	s26 =	simm.s32 $0x1B00  }
0x151: {  	[tilespmem:s28], [sflag:$0x1] =	stream.indirect.gather [hbm4b:s4+s16], $0x1, s26, s16, $0xb8;
	[tilespmem:$0x9F00] =	vst v63  }
0x152: {  	s30 =	simm.s32 $0x1B80;
	s31 =	simm.s32 $0x2880  }
0x153: {  	[tilespmem:s31], [sflag:$0x1] =	stream.indirect.gather [hbm4b:s4+s16], $0x1, s30, s16, $0xb8;
	[tilespmem:$0x9F00] =	vst v63  }
0x154: {  	s2 =	simm.s32 $0x1C00;
	s10 =	simm.s32 $0x2900  }
0x155: {  	[tilespmem:s10], [sflag:$0x1] =	stream.indirect.gather [hbm4b:s4+s16], $0x1, s2, s16, $0xb8;
	[tilespmem:$0x9F00] =	vst v63  }
0x156: {  	s11 =	simm.s32 $0x1C80;
	s14 =	simm.s32 $0x2980  }
0x157: {  	[tilespmem:s14], [sflag:$0x1] =	stream.indirect.gather [hbm4b:s4+s16], $0x1, s11, s16, $0xb8;
	[tilespmem:$0x9F00] =	vst v63  }
0x158: {  	_ =	swait.ge [sflag:s0], $0x80  }
0x159: {  	[sflag:s0] =	ssyncset.done $0x0  }
0x15a: {  	[sflag:s0] =	ssyncadd.s32 $0xFFFFFF80  }
0x15b: {  	_ =	swait.ge [sflag:s0], $0x80  }
0x15c: {  	[sflag:s0] =	ssyncset.done $0x0  }
0x15d: {  	[sflag:s0] =	ssyncadd.s32 $0xFFFFFF80  }
0x15e: {  	_ =	swait.ge [sflag:s0], $0x80  }
0x15f: {  	[sflag:s0] =	ssyncset.done $0x0  }
0x160: {  	[sflag:s0] =	ssyncadd.s32 $0xFFFFFF80  }
0x161: {  	_ =	swait.ge [sflag:s0], $0x80  }
0x162: {  	[sflag:s0] =	ssyncset.done $0x0  }
0x163: {  	[sflag:s0] =	ssyncadd.s32 $0xFFFFFF80  }
0x164: {  	_ =	swait.ge [sflag:s0], $0x80  }
0x165: {  	[sflag:s0] =	ssyncset.done $0x0  }
0x166: {  	[sflag:s0] =	ssyncadd.s32 $0xFFFFFF80  }
0x167: {  	_ =	swait.ge [sflag:s0], $0x80  }
0x168: {  	[sflag:s0] =	ssyncset.done $0x0  }
0x169: {  	[sflag:s0] =	ssyncadd.s32 $0xFFFFFF80  }
0x16a: {  	_ =	swait.ge [sflag:s0], $0x80  }
0x16b: {  	[sflag:s0] =	ssyncset.done $0x0  }
0x16c: {  	[sflag:s0] =	ssyncadd.s32 $0xFFFFFF80  }
0x16d: {  	_ =	swait.ge [sflag:s0], $0x80  }
0x16e: {  	[sflag:s0] =	ssyncset.done $0x0  }
0x16f: {  	[sflag:s0] =	ssyncadd.s32 $0xFFFFFF80  }
0x170: {  	_ =	swait.ge [sflag:s0], $0x80  }
0x171: {  	[sflag:s0] =	ssyncset.done $0x0  }
0x172: {  	[sflag:s0] =	ssyncadd.s32 $0xFFFFFF80  }
0x173: {  	_ =	swait.ge [sflag:s0], $0x80  }
0x174: {  	[sflag:s0] =	ssyncset.done $0x0  }
0x175: {  	[sflag:s0] =	ssyncadd.s32 $0xFFFFFF80  }
0x176: {  	_ =	swait.ge [sflag:s0], $0x80  }
0x177: {  	[sflag:s0] =	ssyncset.done $0x0  }
0x178: {  	[sflag:s0] =	ssyncadd.s32 $0xFFFFFF80  }
0x179: {  	_ =	swait.ge [sflag:s0], $0x80  }
0x17a: {  	[sflag:s0] =	ssyncset.done $0x0  }
0x17b: {  	[sflag:s0] =	ssyncadd.s32 $0xFFFFFF80  }
0x17c: {  	_ =	swait.ge [sflag:s0], $0x80  }
0x17d: {  	s13 =	simm.s32 $0x1000;
	[sflag:s0] =	ssyncset.done $0x0  }
0x17e: {  	s15 =	simm.s32 $0x2A00;
	s3 =	rddreg [dreg:$0xa];
	[sflag:s0] =	ssyncadd.s32 $0xFFFFFF80  }
0x17f: {  	[tilespmem:s15], [sflag:$0x1] =	stream.indirect.gather [hbm4b:s3+s16], $0x1, s13, s16, $0xb8;
	[tilespmem:$0x9F00] =	vst v63  }
0x180: {  	s17 =	simm.s32 $0x2A80;
	s10 =	simm.s32 $0x1080  }
0x181: {  	[tilespmem:s17], [sflag:$0x1] =	stream.indirect.gather [hbm4b:s3+s16], $0x1, s10, s16, $0xb8;
	[tilespmem:$0x9F00] =	vst v63  }
0x182: {  	s18 =	simm.s32 $0x2B00;
	s21 =	simm.s32 $0x1100  }
0x183: {  	[tilespmem:s18], [sflag:$0x1] =	stream.indirect.gather [hbm4b:s3+s16], $0x1, s21, s16, $0xb8;
	[tilespmem:$0x9F00] =	vst v63  }
0x184: {  	s20 =	simm.s32 $0x2B80;
	s26 =	simm.s32 $0x1180  }
0x185: {  	[tilespmem:s20], [sflag:$0x1] =	stream.indirect.gather [hbm4b:s3+s16], $0x1, s26, s16, $0xb8;
	[tilespmem:$0x9F00] =	vst v63  }
0x186: {  	s23 =	simm.s32 $0x1200;
	s22 =	simm.s32 $0x2C00  }
0x187: {  	[tilespmem:s22], [sflag:$0x1] =	stream.indirect.gather [hbm4b:s3+s16], $0x1, s23, s16, $0xb8;
	[tilespmem:$0x9F00] =	vst v63  }
0x188: {  	s25 =	simm.s32 $0x2C80;
	s28 =	simm.s32 $0x1280  }
0x189: {  	[tilespmem:s25], [sflag:$0x1] =	stream.indirect.gather [hbm4b:s3+s16], $0x1, s28, s16, $0xb8;
	[tilespmem:$0x9F00] =	vst v63  }
0x18a: {  	s31 =	simm.s32 $0x2D00;
	s15 =	simm.s32 $0x1300  }
0x18b: {  	[tilespmem:s31], [sflag:$0x1] =	stream.indirect.gather [hbm4b:s3+s16], $0x1, s15, s16, $0xb8;
	[tilespmem:$0x9F00] =	vst v63  }
0x18c: {  	s4 =	simm.s32 $0x2D80;
	s23 =	simm.s32 $0x1380  }
0x18d: {  	[tilespmem:s4], [sflag:$0x1] =	stream.indirect.gather [hbm4b:s3+s16], $0x1, s23, s16, $0xb8;
	[tilespmem:$0x9F00] =	vst v63  }
0x18e: {  	s19 =	simm.s32 $0x1400;
	s11 =	simm.s32 $0x2E00  }
0x18f: {  	[tilespmem:s11], [sflag:$0x1] =	stream.indirect.gather [hbm4b:s3+s16], $0x1, s19, s16, $0xb8;
	[tilespmem:$0x9F00] =	vst v63  }
0x190: {  	s12 =	simm.s32 $0x1480;
	s13 =	simm.s32 $0x2E80  }
0x191: {  	[tilespmem:s13], [sflag:$0x1] =	stream.indirect.gather [hbm4b:s3+s16], $0x1, s12, s16, $0xb8;
	[tilespmem:$0x9F00] =	vst v63  }
0x192: {  	s14 =	simm.s32 $0x2F00;
	s17 =	simm.s32 $0x1500  }
0x193: {  	[tilespmem:s14], [sflag:$0x1] =	stream.indirect.gather [hbm4b:s3+s16], $0x1, s17, s16, $0xb8;
	[tilespmem:$0x9F00] =	vst v63  }
0x194: {  	s18 =	simm.s32 $0x2F80;
	s12 =	simm.s32 $0x1580  }
0x195: {  	[tilespmem:s18], [sflag:$0x1] =	stream.indirect.gather [hbm4b:s3+s16], $0x1, s12, s16, $0xb8;
	[tilespmem:$0x9F00] =	vst v63  }
0x196: {  	s9 =	simm.s32 $0x1600;
	s19 =	simm.s32 $0x3000  }
0x197: {  	[tilespmem:s19], [sflag:$0x1] =	stream.indirect.gather [hbm4b:s3+s16], $0x1, s9, s16, $0xb8;
	[tilespmem:$0x9F00] =	vst v63  }
0x198: {  	_ =	swait.ge [sflag:s0], $0x80  }
0x199: {  	[sflag:s0] =	ssyncset.done $0x0  }
0x19a: {  	[sflag:s0] =	ssyncadd.s32 $0xFFFFFF80  }
0x19b: {  	_ =	swait.ge [sflag:s0], $0x80  }
0x19c: {  	[sflag:s0] =	ssyncset.done $0x0  }
0x19d: {  	[sflag:s0] =	ssyncadd.s32 $0xFFFFFF80  }
0x19e: {  	_ =	swait.ge [sflag:s0], $0x80  }
0x19f: {  	[sflag:s0] =	ssyncset.done $0x0  }
0x1a0: {  	[sflag:s0] =	ssyncadd.s32 $0xFFFFFF80  }
0x1a1: {  	_ =	swait.ge [sflag:s0], $0x80  }
0x1a2: {  	[sflag:s0] =	ssyncset.done $0x0  }
0x1a3: {  	[sflag:s0] =	ssyncadd.s32 $0xFFFFFF80  }
0x1a4: {  	_ =	swait.ge [sflag:s0], $0x80  }
0x1a5: {  	[sflag:s0] =	ssyncset.done $0x0  }
0x1a6: {  	[sflag:s0] =	ssyncadd.s32 $0xFFFFFF80  }
0x1a7: {  	_ =	swait.ge [sflag:s0], $0x80  }
0x1a8: {  	[sflag:s0] =	ssyncset.done $0x0  }
0x1a9: {  	[sflag:s0] =	ssyncadd.s32 $0xFFFFFF80  }
0x1aa: {  	_ =	swait.ge [sflag:s0], $0x80  }
0x1ab: {  	[sflag:s0] =	ssyncset.done $0x0  }
0x1ac: {  	[sflag:s0] =	ssyncadd.s32 $0xFFFFFF80  }
0x1ad: {  	_ =	swait.ge [sflag:s0], $0x80  }
0x1ae: {  	[sflag:s0] =	ssyncset.done $0x0  }
0x1af: {  	[sflag:s0] =	ssyncadd.s32 $0xFFFFFF80  }
0x1b0: {  	_ =	swait.ge [sflag:s0], $0x80  }
0x1b1: {  	[sflag:s0] =	ssyncset.done $0x0  }
0x1b2: {  	[sflag:s0] =	ssyncadd.s32 $0xFFFFFF80  }
0x1b3: {  	_ =	swait.ge [sflag:s0], $0x80  }
0x1b4: {  	[sflag:s0] =	ssyncset.done $0x0  }
0x1b5: {  	[sflag:s0] =	ssyncadd.s32 $0xFFFFFF80  }
0x1b6: {  	_ =	swait.ge [sflag:s0], $0x80  }
0x1b7: {  	[sflag:s0] =	ssyncset.done $0x0  }
0x1b8: {  	[sflag:s0] =	ssyncadd.s32 $0xFFFFFF80  }
0x1b9: {  	_ =	swait.ge [sflag:s0], $0x80  }
0x1ba: {  	[sflag:s0] =	ssyncset.done $0x0  }
0x1bb: {  	[sflag:s0] =	ssyncadd.s32 $0xFFFFFF80  }
0x1bc: {  	_ =	swait.ge [sflag:s0], $0x80  }
0x1bd: {  	[sflag:s0] =	ssyncset.done $0x0  }
0x1be: {  	s20 =	simm.s32 $0x3080;
	s14 =	simm.s32 $0x1680;
	[sflag:s0] =	ssyncadd.s32 $0xFFFFFF80  }
0x1bf: {  	[tilespmem:s20], [sflag:$0x1] =	stream.indirect.gather [hbm4b:s3+s16], $0x1, s14, s16, $0xb8;
	[tilespmem:$0x9F00] =	vst v63  }
0x1c0: {  	s22 =	simm.s32 $0x3100;
	s11 =	simm.s32 $0x1700  }
0x1c1: {  	[tilespmem:s22], [sflag:$0x1] =	stream.indirect.gather [hbm4b:s3+s16], $0x1, s11, s16, $0xb8;
	[tilespmem:$0x9F00] =	vst v63  }
0x1c2: {  	s25 =	simm.s32 $0x3180;
	s19 =	simm.s32 $0x1780  }
0x1c3: {  	[tilespmem:s25], [sflag:$0x1] =	stream.indirect.gather [hbm4b:s3+s16], $0x1, s19, s16, $0xb8;
	[tilespmem:$0x9F00] =	vst v63  }
0x1c4: {  	s31 =	simm.s32 $0x3200;
	s20 =	simm.s32 $0x1800  }
0x1c5: {  	[tilespmem:s31], [sflag:$0x1] =	stream.indirect.gather [hbm4b:s3+s16], $0x1, s20, s16, $0xb8;
	[tilespmem:$0x9F00] =	vst v63  }
0x1c6: {  	s4 =	simm.s32 $0x3280;
	s22 =	simm.s32 $0x1880  }
0x1c7: {  	[tilespmem:s4], [sflag:$0x1] =	stream.indirect.gather [hbm4b:s3+s16], $0x1, s22, s16, $0xb8;
	[tilespmem:$0x9F00] =	vst v63  }
0x1c8: {  	s9 =	simm.s32 $0x3300;
	s25 =	simm.s32 $0x1900  }
0x1c9: {  	[tilespmem:s9], [sflag:$0x1] =	stream.indirect.gather [hbm4b:s3+s16], $0x1, s25, s16, $0xb8;
	[tilespmem:$0x9F00] =	vst v63  }
0x1ca: {  	s13 =	simm.s32 $0x3380;
	s18 =	simm.s32 $0x1980  }
0x1cb: {  	[tilespmem:s13], [sflag:$0x1] =	stream.indirect.gather [hbm4b:s3+s16], $0x1, s18, s16, $0xb8;
	[tilespmem:$0x9F00] =	vst v63  }
0x1cc: {  	s31 =	simm.s32 $0x3400;
	s13 =	simm.s32 $0x1A00  }
0x1cd: {  	[tilespmem:s31], [sflag:$0x1] =	stream.indirect.gather [hbm4b:s3+s16], $0x1, s13, s16, $0xb8;
	[tilespmem:$0x9F00] =	vst v63  }
0x1ce: {  	s7 =	simm.s32 $0x1A80;
	s4 =	simm.s32 $0x3480  }
0x1cf: {  	[tilespmem:s4], [sflag:$0x1] =	stream.indirect.gather [hbm4b:s3+s16], $0x1, s7, s16, $0xb8;
	[tilespmem:$0x9F00] =	vst v63  }
0x1d0: {  	s7 =	simm.s32 $0x3500;
	s4 =	simm.s32 $0x1B00  }
0x1d1: {  	[tilespmem:s7], [sflag:$0x1] =	stream.indirect.gather [hbm4b:s3+s16], $0x1, s4, s16, $0xb8;
	[tilespmem:$0x9F00] =	vst v63  }
0x1d2: {  	s9 =	simm.s32 $0x3580;
	s7 =	simm.s32 $0x1B80  }
0x1d3: {  	[tilespmem:s9], [sflag:$0x1] =	stream.indirect.gather [hbm4b:s3+s16], $0x1, s7, s16, $0xb8;
	[tilespmem:$0x9F00] =	vst v63  }
0x1d4: {  	s31 =	simm.s32 $0x3600;
	s9 =	simm.s32 $0x1C00  }
0x1d5: {  	[tilespmem:s31], [sflag:$0x1] =	stream.indirect.gather [hbm4b:s3+s16], $0x1, s9, s16, $0xb8;
	[tilespmem:$0x9F00] =	vst v63  }
0x1d6: {  	s30 =	simm.s32 $0x1C80;
	s31 =	simm.s32 $0x3680  }
0x1d7: {  	[tilespmem:s31], [sflag:$0x1] =	stream.indirect.gather [hbm4b:s3+s16], $0x1, s30, s16, $0xb8;
	[tilespmem:$0x9F00] =	vst v63  }
0x1d8: {  	_ =	swait.ge [sflag:s0], $0x80  }
0x1d9: {  	[sflag:s0] =	ssyncset.done $0x0  }
0x1da: {  	[sflag:s0] =	ssyncadd.s32 $0xFFFFFF80  }
0x1db: {  	_ =	swait.ge [sflag:s0], $0x80  }
0x1dc: {  	[sflag:s0] =	ssyncset.done $0x0  }
0x1dd: {  	[sflag:s0] =	ssyncadd.s32 $0xFFFFFF80  }
0x1de: {  	_ =	swait.ge [sflag:s0], $0x80  }
0x1df: {  	[sflag:s0] =	ssyncset.done $0x0  }
0x1e0: {  	[sflag:s0] =	ssyncadd.s32 $0xFFFFFF80  }
0x1e1: {  	_ =	swait.ge [sflag:s0], $0x80  }
0x1e2: {  	[sflag:s0] =	ssyncset.done $0x0  }
0x1e3: {  	[sflag:s0] =	ssyncadd.s32 $0xFFFFFF80  }
0x1e4: {  	_ =	swait.ge [sflag:s0], $0x80  }
0x1e5: {  	[sflag:s0] =	ssyncset.done $0x0  }
0x1e6: {  	[sflag:s0] =	ssyncadd.s32 $0xFFFFFF80  }
0x1e7: {  	_ =	swait.ge [sflag:s0], $0x80  }
0x1e8: {  	[sflag:s0] =	ssyncset.done $0x0  }
0x1e9: {  	[sflag:s0] =	ssyncadd.s32 $0xFFFFFF80  }
0x1ea: {  	_ =	swait.ge [sflag:s0], $0x80  }
0x1eb: {  	[sflag:s0] =	ssyncset.done $0x0  }
0x1ec: {  	[sflag:s0] =	ssyncadd.s32 $0xFFFFFF80  }
0x1ed: {  	_ =	swait.ge [sflag:s0], $0x80  }
0x1ee: {  	[sflag:s0] =	ssyncset.done $0x0  }
0x1ef: {  	[sflag:s0] =	ssyncadd.s32 $0xFFFFFF80  }
0x1f0: {  	_ =	swait.ge [sflag:s0], $0x80  }
0x1f1: {  	[sflag:s0] =	ssyncset.done $0x0  }
0x1f2: {  	[sflag:s0] =	ssyncadd.s32 $0xFFFFFF80  }
0x1f3: {  	_ =	swait.ge [sflag:s0], $0x80  }
0x1f4: {  	[sflag:s0] =	ssyncset.done $0x0  }
0x1f5: {  	[sflag:s0] =	ssyncadd.s32 $0xFFFFFF80  }
0x1f6: {  	_ =	swait.ge [sflag:s0], $0x80  }
0x1f7: {  	[sflag:s0] =	ssyncset.done $0x0  }
0x1f8: {  	[sflag:s0] =	ssyncadd.s32 $0xFFFFFF80  }
0x1f9: {  	_ =	swait.ge [sflag:s0], $0x80  }
0x1fa: {  	[sflag:s0] =	ssyncset.done $0x0  }
0x1fb: {  	[sflag:s0] =	ssyncadd.s32 $0xFFFFFF80  }
0x1fc: {  	_ =	swait.ge [sflag:s0], $0x80  }
0x1fd: {  	[sflag:s0] =	ssyncset.done $0x0  }
0x1fe: {  	s30 =	simm.s32 $0x3700;
	s3 =	simm.s32 $0x1000;
	[sflag:s0] =	ssyncadd.s32 $0xFFFFFF80  }
0x1ff: {  	[tilespmem:s30], [sflag:$0x1] =	stream.indirect.gather [hbm4b:s5+s16], $0x1, s3, s16, $0xb8;
	[tilespmem:$0x9F00] =	vst v63  }
0x200: {  	s31 =	simm.s32 $0x3780  }
0x201: {  	[tilespmem:s31], [sflag:$0x1] =	stream.indirect.gather [hbm4b:s5+s16], $0x1, s10, s16, $0xb8;
	[tilespmem:$0x9F00] =	vst v63  }
0x202: {  	s30 =	simm.s32 $0x3800  }
0x203: {  	[tilespmem:s30], [sflag:$0x1] =	stream.indirect.gather [hbm4b:s5+s16], $0x1, s21, s16, $0xb8;
	[tilespmem:$0x9F00] =	vst v63  }
0x204: {  	s10 =	simm.s32 $0x3880  }
0x205: {  	[tilespmem:s10], [sflag:$0x1] =	stream.indirect.gather [hbm4b:s5+s16], $0x1, s26, s16, $0xb8;
	[tilespmem:$0x9F00] =	vst v63  }
0x206: {  	s21 =	simm.s32 $0x3900;
	s10 =	simm.s32 $0x1200  }
0x207: {  	[tilespmem:s21], [sflag:$0x1] =	stream.indirect.gather [hbm4b:s5+s16], $0x1, s10, s16, $0xb8;
	[tilespmem:$0x9F00] =	vst v63  }
0x208: {  	s26 =	simm.s32 $0x3980  }
0x209: {  	[tilespmem:s26], [sflag:$0x1] =	stream.indirect.gather [hbm4b:s5+s16], $0x1, s28, s16, $0xb8;
	[tilespmem:$0x9F00] =	vst v63  }
0x20a: {  	s30 =	simm.s32 $0x3A00  }
0x20b: {  	[tilespmem:s30], [sflag:$0x1] =	stream.indirect.gather [hbm4b:s5+s16], $0x1, s15, s16, $0xb8;
	[tilespmem:$0x9F00] =	vst v63  }
0x20c: {  	s21 =	simm.s32 $0x3A80  }
0x20d: {  	[tilespmem:s21], [sflag:$0x1] =	stream.indirect.gather [hbm4b:s5+s16], $0x1, s23, s16, $0xb8;
	[tilespmem:$0x9F00] =	vst v63  }
0x20e: {  	s28 =	simm.s32 $0x1400;
	s23 =	simm.s32 $0x3B00  }
0x20f: {  	[tilespmem:s23], [sflag:$0x1] =	stream.indirect.gather [hbm4b:s5+s16], $0x1, s28, s16, $0xb8;
	[tilespmem:$0x9F00] =	vst v63  }
0x210: {  	s30 =	simm.s32 $0x3B80;
	s23 =	simm.s32 $0x1480  }
0x211: {  	[tilespmem:s30], [sflag:$0x1] =	stream.indirect.gather [hbm4b:s5+s16], $0x1, s23, s16, $0xb8;
	[tilespmem:$0x9F00] =	vst v63  }
0x212: {  	s15 =	simm.s32 $0x3C00  }
0x213: {  	[tilespmem:s15], [sflag:$0x1] =	stream.indirect.gather [hbm4b:s5+s16], $0x1, s17, s16, $0xb8;
	[tilespmem:$0x9F00] =	vst v63  }
0x214: {  	s17 =	simm.s32 $0x3C80  }
0x215: {  	[tilespmem:s17], [sflag:$0x1] =	stream.indirect.gather [hbm4b:s5+s16], $0x1, s12, s16, $0xb8;
	[tilespmem:$0x9F00] =	vst v63  }
0x216: {  	s21 =	simm.s32 $0x3D00;
	s30 =	simm.s32 $0x1600  }
0x217: {  	[tilespmem:s21], [sflag:$0x1] =	stream.indirect.gather [hbm4b:s5+s16], $0x1, s30, s16, $0xb8;
	[tilespmem:$0x9F00] =	vst v63  }
0x218: {  	_ =	swait.ge [sflag:s0], $0x80  }
0x219: {  	[sflag:s0] =	ssyncset.done $0x0  }
0x21a: {  	[sflag:s0] =	ssyncadd.s32 $0xFFFFFF80  }
0x21b: {  	_ =	swait.ge [sflag:s0], $0x80  }
0x21c: {  	[sflag:s0] =	ssyncset.done $0x0  }
0x21d: {  	[sflag:s0] =	ssyncadd.s32 $0xFFFFFF80  }
0x21e: {  	_ =	swait.ge [sflag:s0], $0x80  }
0x21f: {  	[sflag:s0] =	ssyncset.done $0x0  }
0x220: {  	[sflag:s0] =	ssyncadd.s32 $0xFFFFFF80  }
0x221: {  	_ =	swait.ge [sflag:s0], $0x80  }
0x222: {  	[sflag:s0] =	ssyncset.done $0x0  }
0x223: {  	[sflag:s0] =	ssyncadd.s32 $0xFFFFFF80  }
0x224: {  	_ =	swait.ge [sflag:s0], $0x80  }
0x225: {  	[sflag:s0] =	ssyncset.done $0x0  }
0x226: {  	[sflag:s0] =	ssyncadd.s32 $0xFFFFFF80  }
0x227: {  	_ =	swait.ge [sflag:s0], $0x80  }
0x228: {  	[sflag:s0] =	ssyncset.done $0x0  }
0x229: {  	[sflag:s0] =	ssyncadd.s32 $0xFFFFFF80  }
0x22a: {  	_ =	swait.ge [sflag:s0], $0x80  }
0x22b: {  	[sflag:s0] =	ssyncset.done $0x0  }
0x22c: {  	[sflag:s0] =	ssyncadd.s32 $0xFFFFFF80  }
0x22d: {  	_ =	swait.ge [sflag:s0], $0x80  }
0x22e: {  	[sflag:s0] =	ssyncset.done $0x0  }
0x22f: {  	[sflag:s0] =	ssyncadd.s32 $0xFFFFFF80  }
0x230: {  	_ =	swait.ge [sflag:s0], $0x80  }
0x231: {  	[sflag:s0] =	ssyncset.done $0x0  }
0x232: {  	[sflag:s0] =	ssyncadd.s32 $0xFFFFFF80  }
0x233: {  	_ =	swait.ge [sflag:s0], $0x80  }
0x234: {  	[sflag:s0] =	ssyncset.done $0x0  }
0x235: {  	[sflag:s0] =	ssyncadd.s32 $0xFFFFFF80  }
0x236: {  	_ =	swait.ge [sflag:s0], $0x80  }
0x237: {  	[sflag:s0] =	ssyncset.done $0x0  }
0x238: {  	[sflag:s0] =	ssyncadd.s32 $0xFFFFFF80  }
0x239: {  	_ =	swait.ge [sflag:s0], $0x80  }
0x23a: {  	[sflag:s0] =	ssyncset.done $0x0  }
0x23b: {  	[sflag:s0] =	ssyncadd.s32 $0xFFFFFF80  }
0x23c: {  	_ =	swait.ge [sflag:s0], $0x80  }
0x23d: {  	[sflag:s0] =	ssyncset.done $0x0  }
0x23e: {  	s12 =	simm.s32 $0x3D80;
	[sflag:s0] =	ssyncadd.s32 $0xFFFFFF80  }
0x23f: {  	[tilespmem:s12], [sflag:$0x1] =	stream.indirect.gather [hbm4b:s5+s16], $0x1, s14, s16, $0xb8;
	[tilespmem:$0x9F00] =	vst v63  }
0x240: {  	s14 =	simm.s32 $0x3E00  }
0x241: {  	[tilespmem:s14], [sflag:$0x1] =	stream.indirect.gather [hbm4b:s5+s16], $0x1, s11, s16, $0xb8;
	[tilespmem:$0x9F00] =	vst v63  }
0x242: {  	s17 =	simm.s32 $0x3E80  }
0x243: {  	[tilespmem:s17], [sflag:$0x1] =	stream.indirect.gather [hbm4b:s5+s16], $0x1, s19, s16, $0xb8;
	[tilespmem:$0x9F00] =	vst v63  }
0x244: {  	s19 =	simm.s32 $0x3F00  }
0x245: {  	[tilespmem:s19], [sflag:$0x1] =	stream.indirect.gather [hbm4b:s5+s16], $0x1, s20, s16, $0xb8;
	[tilespmem:$0x9F00] =	vst v63  }
0x246: {  	s20 =	simm.s32 $0x3F80  }
0x247: {  	[tilespmem:s20], [sflag:$0x1] =	stream.indirect.gather [hbm4b:s5+s16], $0x1, s22, s16, $0xb8;
	[tilespmem:$0x9F00] =	vst v63  }
0x248: {  	s22 =	simm.s32 $0x4000  }
0x249: {  	[tilespmem:s22], [sflag:$0x1] =	stream.indirect.gather [hbm4b:s5+s16], $0x1, s25, s16, $0xb8;
	[tilespmem:$0x9F00] =	vst v63  }
0x24a: {  	s25 =	simm.s32 $0x4080  }
0x24b: {  	[tilespmem:s25], [sflag:$0x1] =	stream.indirect.gather [hbm4b:s5+s16], $0x1, s18, s16, $0xb8;
	[tilespmem:$0x9F00] =	vst v63  }
0x24c: {  	s11 =	simm.s32 $0x4100  }
0x24d: {  	[tilespmem:s11], [sflag:$0x1] =	stream.indirect.gather [hbm4b:s5+s16], $0x1, s13, s16, $0xb8;
	[tilespmem:$0x9F00] =	vst v63  }
0x24e: {  	s12 =	simm.s32 $0x4180;
	s22 =	simm.s32 $0x1A80  }
0x24f: {  	[tilespmem:s12], [sflag:$0x1] =	stream.indirect.gather [hbm4b:s5+s16], $0x1, s22, s16, $0xb8;
	[tilespmem:$0x9F00] =	vst v63  }
0x250: {  	s13 =	simm.s32 $0x4200  }
0x251: {  	[tilespmem:s13], [sflag:$0x1] =	stream.indirect.gather [hbm4b:s5+s16], $0x1, s4, s16, $0xb8;
	[tilespmem:$0x9F00] =	vst v63  }
0x252: {  	s18 =	simm.s32 $0x4280  }
0x253: {  	[tilespmem:s18], [sflag:$0x1] =	stream.indirect.gather [hbm4b:s5+s16], $0x1, s7, s16, $0xb8;
	[tilespmem:$0x9F00] =	vst v63  }
0x254: {  	s19 =	simm.s32 $0x4300  }
0x255: {  	[tilespmem:s19], [sflag:$0x1] =	stream.indirect.gather [hbm4b:s5+s16], $0x1, s9, s16, $0xb8;
	[tilespmem:$0x9F00] =	vst v63  }
0x256: {  	s25 =	simm.s32 $0x4380;
	s9 =	simm.s32 $0x1C80  }
0x257: {  	[tilespmem:s25], [sflag:$0x1] =	stream.indirect.gather [hbm4b:s5+s16], $0x1, s9, s16, $0xb8;
	[tilespmem:$0x9F00] =	vst v63  }
0x258: {  	_ =	swait.ge [sflag:s0], $0x80  }
0x259: {  	[sflag:s0] =	ssyncset.done $0x0  }
0x25a: {  	[sflag:s0] =	ssyncadd.s32 $0xFFFFFF80  }
0x25b: {  	_ =	swait.ge [sflag:s0], $0x80  }
0x25c: {  	[sflag:s0] =	ssyncset.done $0x0  }
0x25d: {  	[sflag:s0] =	ssyncadd.s32 $0xFFFFFF80  }
0x25e: {  	_ =	swait.ge [sflag:s0], $0x80  }
0x25f: {  	[sflag:s0] =	ssyncset.done $0x0  }
0x260: {  	[sflag:s0] =	ssyncadd.s32 $0xFFFFFF80  }
0x261: {  	_ =	swait.ge [sflag:s0], $0x80  }
0x262: {  	[sflag:s0] =	ssyncset.done $0x0  }
0x263: {  	[sflag:s0] =	ssyncadd.s32 $0xFFFFFF80  }
0x264: {  	_ =	swait.ge [sflag:s0], $0x80  }
0x265: {  	[sflag:s0] =	ssyncset.done $0x0  }
0x266: {  	[sflag:s0] =	ssyncadd.s32 $0xFFFFFF80  }
0x267: {  	_ =	swait.ge [sflag:s0], $0x80  }
0x268: {  	[sflag:s0] =	ssyncset.done $0x0  }
0x269: {  	[sflag:s0] =	ssyncadd.s32 $0xFFFFFF80  }
0x26a: {  	_ =	swait.ge [sflag:s0], $0x80  }
0x26b: {  	[sflag:s0] =	ssyncset.done $0x0  }
0x26c: {  	[sflag:s0] =	ssyncadd.s32 $0xFFFFFF80  }
0x26d: {  	_ =	swait.ge [sflag:s0], $0x80  }
0x26e: {  	[sflag:s0] =	ssyncset.done $0x0  }
0x26f: {  	[sflag:s0] =	ssyncadd.s32 $0xFFFFFF80  }
0x270: {  	_ =	swait.ge [sflag:s0], $0x80  }
0x271: {  	[sflag:s0] =	ssyncset.done $0x0  }
0x272: {  	[sflag:s0] =	ssyncadd.s32 $0xFFFFFF80  }
0x273: {  	_ =	swait.ge [sflag:s0], $0x80  }
0x274: {  	[sflag:s0] =	ssyncset.done $0x0  }
0x275: {  	[sflag:s0] =	ssyncadd.s32 $0xFFFFFF80  }
0x276: {  	_ =	swait.ge [sflag:s0], $0x80  }
0x277: {  	[sflag:s0] =	ssyncset.done $0x0  }
0x278: {  	[sflag:s0] =	ssyncadd.s32 $0xFFFFFF80  }
0x279: {  	_ =	swait.ge [sflag:s0], $0x80  }
0x27a: {  	[sflag:s0] =	ssyncset.done $0x0  }
0x27b: {  	[sflag:s0] =	ssyncadd.s32 $0xFFFFFF80  }
0x27c: {  	_ =	swait.ge [sflag:s0], $0x80  }
0x27d: {  	[sflag:s0] =	ssyncset.done $0x0  }
0x27e: {  	s7 =	simm.s32 $0x4400;
	[sflag:s0] =	ssyncadd.s32 $0xFFFFFF80  }
0x27f: {  	[tilespmem:s7], [sflag:$0x1] =	stream.indirect.gather [hbm4b:s8+s16], $0x1, s3, s16, $0xb8;
	[tilespmem:$0x9F00] =	vst v63  }
0x280: {  	s31 =	simm.s32 $0x1080;
	s13 =	simm.s32 $0x4480  }
0x281: {  	[tilespmem:s13], [sflag:$0x1] =	stream.indirect.gather [hbm4b:s8+s16], $0x1, s31, s16, $0xb8;
	[tilespmem:$0x9F00] =	vst v63  }
0x282: {  	s18 =	simm.s32 $0x4500;
	s19 =	simm.s32 $0x1100  }
0x283: {  	[tilespmem:s18], [sflag:$0x1] =	stream.indirect.gather [hbm4b:s8+s16], $0x1, s19, s16, $0xb8;
	[tilespmem:$0x9F00] =	vst v63  }
0x284: {  	s25 =	simm.s32 $0x4580;
	s31 =	simm.s32 $0x1180  }
0x285: {  	[tilespmem:s25], [sflag:$0x1] =	stream.indirect.gather [hbm4b:s8+s16], $0x1, s31, s16, $0xb8;
	[tilespmem:$0x9F00] =	vst v63  }
0x286: {  	s13 =	simm.s32 $0x4600  }
0x287: {  	[tilespmem:s13], [sflag:$0x1] =	stream.indirect.gather [hbm4b:s8+s16], $0x1, s10, s16, $0xb8;
	[tilespmem:$0x9F00] =	vst v63  }
0x288: {  	s18 =	simm.s32 $0x4680;
	s19 =	simm.s32 $0x1280  }
0x289: {  	[tilespmem:s18], [sflag:$0x1] =	stream.indirect.gather [hbm4b:s8+s16], $0x1, s19, s16, $0xb8;
	[tilespmem:$0x9F00] =	vst v63  }
0x28a: {  	s26 =	simm.s32 $0x1300;
	s25 =	simm.s32 $0x4700  }
0x28b: {  	[tilespmem:s25], [sflag:$0x1] =	stream.indirect.gather [hbm4b:s8+s16], $0x1, s26, s16, $0xb8;
	[tilespmem:$0x9F00] =	vst v63  }
0x28c: {  	s31 =	simm.s32 $0x1380;
	s26 =	simm.s32 $0x4780  }
0x28d: {  	[tilespmem:s26], [sflag:$0x1] =	stream.indirect.gather [hbm4b:s8+s16], $0x1, s31, s16, $0xb8;
	[tilespmem:$0x9F00] =	vst v63  }
0x28e: {  	s13 =	simm.s32 $0x4800  }
0x28f: {  	[tilespmem:s13], [sflag:$0x1] =	stream.indirect.gather [hbm4b:s8+s16], $0x1, s28, s16, $0xb8;
	[tilespmem:$0x9F00] =	vst v63  }
0x290: {  	s18 =	simm.s32 $0x4880  }
0x291: {  	[tilespmem:s18], [sflag:$0x1] =	stream.indirect.gather [hbm4b:s8+s16], $0x1, s23, s16, $0xb8;
	[tilespmem:$0x9F00] =	vst v63  }
0x292: {  	s26 =	simm.s32 $0x1500;
	s23 =	simm.s32 $0x4900  }
0x293: {  	[tilespmem:s23], [sflag:$0x1] =	stream.indirect.gather [hbm4b:s8+s16], $0x1, s26, s16, $0xb8;
	[tilespmem:$0x9F00] =	vst v63  }
0x294: {  	s15 =	simm.s32 $0x1580;
	s28 =	simm.s32 $0x4980  }
0x295: {  	[tilespmem:s28], [sflag:$0x1] =	stream.indirect.gather [hbm4b:s8+s16], $0x1, s15, s16, $0xb8;
	[tilespmem:$0x9F00] =	vst v63  }
0x296: {  	s31 =	simm.s32 $0x4A00  }
0x297: {  	[tilespmem:s31], [sflag:$0x1] =	stream.indirect.gather [hbm4b:s8+s16], $0x1, s30, s16, $0xb8;
	[tilespmem:$0x9F00] =	vst v63  }
0x298: {  	_ =	swait.ge [sflag:s0], $0x80  }
0x299: {  	[sflag:s0] =	ssyncset.done $0x0  }
0x29a: {  	[sflag:s0] =	ssyncadd.s32 $0xFFFFFF80  }
0x29b: {  	_ =	swait.ge [sflag:s0], $0x80  }
0x29c: {  	[sflag:s0] =	ssyncset.done $0x0  }
0x29d: {  	[sflag:s0] =	ssyncadd.s32 $0xFFFFFF80  }
0x29e: {  	_ =	swait.ge [sflag:s0], $0x80  }
0x29f: {  	[sflag:s0] =	ssyncset.done $0x0  }
0x2a0: {  	[sflag:s0] =	ssyncadd.s32 $0xFFFFFF80  }
0x2a1: {  	_ =	swait.ge [sflag:s0], $0x80  }
0x2a2: {  	[sflag:s0] =	ssyncset.done $0x0  }
0x2a3: {  	[sflag:s0] =	ssyncadd.s32 $0xFFFFFF80  }
0x2a4: {  	_ =	swait.ge [sflag:s0], $0x80  }
0x2a5: {  	[sflag:s0] =	ssyncset.done $0x0  }
0x2a6: {  	[sflag:s0] =	ssyncadd.s32 $0xFFFFFF80  }
0x2a7: {  	_ =	swait.ge [sflag:s0], $0x80  }
0x2a8: {  	[sflag:s0] =	ssyncset.done $0x0  }
0x2a9: {  	[sflag:s0] =	ssyncadd.s32 $0xFFFFFF80  }
0x2aa: {  	_ =	swait.ge [sflag:s0], $0x80  }
0x2ab: {  	[sflag:s0] =	ssyncset.done $0x0  }
0x2ac: {  	[sflag:s0] =	ssyncadd.s32 $0xFFFFFF80  }
0x2ad: {  	_ =	swait.ge [sflag:s0], $0x80  }
0x2ae: {  	[sflag:s0] =	ssyncset.done $0x0  }
0x2af: {  	[sflag:s0] =	ssyncadd.s32 $0xFFFFFF80  }
0x2b0: {  	_ =	swait.ge [sflag:s0], $0x80  }
0x2b1: {  	[sflag:s0] =	ssyncset.done $0x0  }
0x2b2: {  	[sflag:s0] =	ssyncadd.s32 $0xFFFFFF80  }
0x2b3: {  	_ =	swait.ge [sflag:s0], $0x80  }
0x2b4: {  	[sflag:s0] =	ssyncset.done $0x0  }
0x2b5: {  	[sflag:s0] =	ssyncadd.s32 $0xFFFFFF80  }
0x2b6: {  	_ =	swait.ge [sflag:s0], $0x80  }
0x2b7: {  	[sflag:s0] =	ssyncset.done $0x0  }
0x2b8: {  	[sflag:s0] =	ssyncadd.s32 $0xFFFFFF80  }
0x2b9: {  	_ =	swait.ge [sflag:s0], $0x80  }
0x2ba: {  	[sflag:s0] =	ssyncset.done $0x0  }
0x2bb: {  	[sflag:s0] =	ssyncadd.s32 $0xFFFFFF80  }
0x2bc: {  	_ =	swait.ge [sflag:s0], $0x80  }
0x2bd: {  	[sflag:s0] =	ssyncset.done $0x0  }
0x2be: {  	s21 =	simm.s32 $0x1680;
	s15 =	simm.s32 $0x4A80;
	[sflag:s0] =	ssyncadd.s32 $0xFFFFFF80  }
0x2bf: {  	[tilespmem:s15], [sflag:$0x1] =	stream.indirect.gather [hbm4b:s8+s16], $0x1, s21, s16, $0xb8;
	[tilespmem:$0x9F00] =	vst v63  }
0x2c0: {  	s14 =	simm.s32 $0x1700;
	s21 =	simm.s32 $0x4B00  }
0x2c1: {  	[tilespmem:s21], [sflag:$0x1] =	stream.indirect.gather [hbm4b:s8+s16], $0x1, s14, s16, $0xb8;
	[tilespmem:$0x9F00] =	vst v63  }
0x2c2: {  	s28 =	simm.s32 $0x4B80;
	s30 =	simm.s32 $0x1780  }
0x2c3: {  	[tilespmem:s28], [sflag:$0x1] =	stream.indirect.gather [hbm4b:s8+s16], $0x1, s30, s16, $0xb8;
	[tilespmem:$0x9F00] =	vst v63  }
0x2c4: {  	s14 =	simm.s32 $0x4C00;
	s21 =	simm.s32 $0x1800  }
0x2c5: {  	[tilespmem:s14], [sflag:$0x1] =	stream.indirect.gather [hbm4b:s8+s16], $0x1, s21, s16, $0xb8;
	[tilespmem:$0x9F00] =	vst v63  }
0x2c6: {  	s28 =	simm.s32 $0x4C80;
	s30 =	simm.s32 $0x1880  }
0x2c7: {  	[tilespmem:s28], [sflag:$0x1] =	stream.indirect.gather [hbm4b:s8+s16], $0x1, s30, s16, $0xb8;
	[tilespmem:$0x9F00] =	vst v63  }
0x2c8: {  	s21 =	simm.s32 $0x4D00;
	s28 =	simm.s32 $0x1900  }
0x2c9: {  	[tilespmem:s21], [sflag:$0x1] =	stream.indirect.gather [hbm4b:s8+s16], $0x1, s28, s16, $0xb8;
	[tilespmem:$0x9F00] =	vst v63  }
0x2ca: {  	s20 =	simm.s32 $0x1980;
	s30 =	simm.s32 $0x4D80  }
0x2cb: {  	[tilespmem:s30], [sflag:$0x1] =	stream.indirect.gather [hbm4b:s8+s16], $0x1, s20, s16, $0xb8;
	[tilespmem:$0x9F00] =	vst v63  }
0x2cc: {  	s17 =	simm.s32 $0x1A00;
	s14 =	simm.s32 $0x4E00  }
0x2cd: {  	[tilespmem:s14], [sflag:$0x1] =	stream.indirect.gather [hbm4b:s8+s16], $0x1, s17, s16, $0xb8;
	[tilespmem:$0x9F00] =	vst v63  }
0x2ce: {  	s17 =	simm.s32 $0x4E80  }
0x2cf: {  	[tilespmem:s17], [sflag:$0x1] =	stream.indirect.gather [hbm4b:s8+s16], $0x1, s22, s16, $0xb8;
	[tilespmem:$0x9F00] =	vst v63  }
0x2d0: {  	s11 =	simm.s32 $0x1B00;
	s20 =	simm.s32 $0x4F00  }
0x2d1: {  	[tilespmem:s20], [sflag:$0x1] =	stream.indirect.gather [hbm4b:s8+s16], $0x1, s11, s16, $0xb8;
	[tilespmem:$0x9F00] =	vst v63  }
0x2d2: {  	s4 =	simm.s32 $0x1B80;
	s28 =	simm.s32 $0x4F80  }
0x2d3: {  	[tilespmem:s28], [sflag:$0x1] =	stream.indirect.gather [hbm4b:s8+s16], $0x1, s4, s16, $0xb8;
	[tilespmem:$0x9F00] =	vst v63  }
0x2d4: {  	s12 =	simm.s32 $0x1C00;
	s11 =	simm.s32 $0x5000  }
0x2d5: {  	[tilespmem:s11], [sflag:$0x1] =	stream.indirect.gather [hbm4b:s8+s16], $0x1, s12, s16, $0xb8;
	[tilespmem:$0x9F00] =	vst v63  }
0x2d6: {  	s17 =	simm.s32 $0x5080  }
0x2d7: {  	[tilespmem:s17], [sflag:$0x1] =	stream.indirect.gather [hbm4b:s8+s16], $0x1, s9, s16, $0xb8;
	[tilespmem:$0x9F00] =	vst v63  }
0x2d8: {  	_ =	swait.ge [sflag:s0], $0x80  }
0x2d9: {  	[sflag:s0] =	ssyncset.done $0x0  }
0x2da: {  	[sflag:s0] =	ssyncadd.s32 $0xFFFFFF80  }
0x2db: {  	_ =	swait.ge [sflag:s0], $0x80  }
0x2dc: {  	[sflag:s0] =	ssyncset.done $0x0  }
0x2dd: {  	[sflag:s0] =	ssyncadd.s32 $0xFFFFFF80  }
0x2de: {  	_ =	swait.ge [sflag:s0], $0x80  }
0x2df: {  	[sflag:s0] =	ssyncset.done $0x0  }
0x2e0: {  	[sflag:s0] =	ssyncadd.s32 $0xFFFFFF80  }
0x2e1: {  	_ =	swait.ge [sflag:s0], $0x80  }
0x2e2: {  	[sflag:s0] =	ssyncset.done $0x0  }
0x2e3: {  	[sflag:s0] =	ssyncadd.s32 $0xFFFFFF80  }
0x2e4: {  	_ =	swait.ge [sflag:s0], $0x80  }
0x2e5: {  	[sflag:s0] =	ssyncset.done $0x0  }
0x2e6: {  	[sflag:s0] =	ssyncadd.s32 $0xFFFFFF80  }
0x2e7: {  	_ =	swait.ge [sflag:s0], $0x80  }
0x2e8: {  	[sflag:s0] =	ssyncset.done $0x0  }
0x2e9: {  	[sflag:s0] =	ssyncadd.s32 $0xFFFFFF80  }
0x2ea: {  	_ =	swait.ge [sflag:s0], $0x80  }
0x2eb: {  	[sflag:s0] =	ssyncset.done $0x0  }
0x2ec: {  	[sflag:s0] =	ssyncadd.s32 $0xFFFFFF80  }
0x2ed: {  	_ =	swait.ge [sflag:s0], $0x80  }
0x2ee: {  	[sflag:s0] =	ssyncset.done $0x0  }
0x2ef: {  	[sflag:s0] =	ssyncadd.s32 $0xFFFFFF80  }
0x2f0: {  	_ =	swait.ge [sflag:s0], $0x80  }
0x2f1: {  	[sflag:s0] =	ssyncset.done $0x0  }
0x2f2: {  	[sflag:s0] =	ssyncadd.s32 $0xFFFFFF80  }
0x2f3: {  	_ =	swait.ge [sflag:s0], $0x80  }
0x2f4: {  	[sflag:s0] =	ssyncset.done $0x0  }
0x2f5: {  	[sflag:s0] =	ssyncadd.s32 $0xFFFFFF80  }
0x2f6: {  	_ =	swait.ge [sflag:s0], $0x80  }
0x2f7: {  	[sflag:s0] =	ssyncset.done $0x0  }
0x2f8: {  	[sflag:s0] =	ssyncadd.s32 $0xFFFFFF80  }
0x2f9: {  	_ =	swait.ge [sflag:s0], $0x80  }
0x2fa: {  	[sflag:s0] =	ssyncset.done $0x0  }
0x2fb: {  	[sflag:s0] =	ssyncadd.s32 $0xFFFFFF80  }
0x2fc: {  	_ =	swait.ge [sflag:s0], $0x80  }
0x2fd: {  	[sflag:s0] =	ssyncset.done $0x0  }
0x2fe: {  	s3 =	simm.s32 $0x1000;
	s20 =	simm.s32 $0x5100;
	[sflag:s0] =	ssyncadd.s32 $0xFFFFFF80  }
0x2ff: {  	[tilespmem:s20], [sflag:$0x1] =	stream.indirect.gather [hbm4b:s6+s16], $0x1, s3, s16, $0xb8;
	[tilespmem:$0x9F00] =	vst v63  }
0x300: {  	s7 =	simm.s32 $0x1080;
	s3 =	simm.s32 $0x5180  }
0x301: {  	[tilespmem:s3], [sflag:$0x1] =	stream.indirect.gather [hbm4b:s6+s16], $0x1, s7, s16, $0xb8;
	[tilespmem:$0x9F00] =	vst v63  }
0x302: {  	s11 =	simm.s32 $0x1100;
	s7 =	simm.s32 $0x5200  }
0x303: {  	[tilespmem:s7], [sflag:$0x1] =	stream.indirect.gather [hbm4b:s6+s16], $0x1, s11, s16, $0xb8;
	[tilespmem:$0x9F00] =	vst v63  }
0x304: {  	s12 =	simm.s32 $0x5280;
	s17 =	simm.s32 $0x1180  }
0x305: {  	[tilespmem:s12], [sflag:$0x1] =	stream.indirect.gather [hbm4b:s6+s16], $0x1, s17, s16, $0xb8;
	[tilespmem:$0x9F00] =	vst v63  }
0x306: {  	s10 =	simm.s32 $0x1200;
	s20 =	simm.s32 $0x5300  }
0x307: {  	[tilespmem:s20], [sflag:$0x1] =	stream.indirect.gather [hbm4b:s6+s16], $0x1, s10, s16, $0xb8;
	[tilespmem:$0x9F00] =	vst v63  }
0x308: {  	s3 =	simm.s32 $0x5380;
	s7 =	simm.s32 $0x1280  }
0x309: {  	[tilespmem:s3], [sflag:$0x1] =	stream.indirect.gather [hbm4b:s6+s16], $0x1, s7, s16, $0xb8;
	[tilespmem:$0x9F00] =	vst v63  }
0x30a: {  	s19 =	simm.s32 $0x1300;
	s10 =	simm.s32 $0x5400  }
0x30b: {  	[tilespmem:s10], [sflag:$0x1] =	stream.indirect.gather [hbm4b:s6+s16], $0x1, s19, s16, $0xb8;
	[tilespmem:$0x9F00] =	vst v63  }
0x30c: {  	s11 =	simm.s32 $0x5480;
	s12 =	simm.s32 $0x1380  }
0x30d: {  	[tilespmem:s11], [sflag:$0x1] =	stream.indirect.gather [hbm4b:s6+s16], $0x1, s12, s16, $0xb8;
	[tilespmem:$0x9F00] =	vst v63  }
0x30e: {  	s25 =	simm.s32 $0x1400;
	s17 =	simm.s32 $0x5500  }
0x30f: {  	[tilespmem:s17], [sflag:$0x1] =	stream.indirect.gather [hbm4b:s6+s16], $0x1, s25, s16, $0xb8;
	[tilespmem:$0x9F00] =	vst v63  }
0x310: {  	s18 =	simm.s32 $0x1480;
	s19 =	simm.s32 $0x5580  }
0x311: {  	[tilespmem:s19], [sflag:$0x1] =	stream.indirect.gather [hbm4b:s6+s16], $0x1, s18, s16, $0xb8;
	[tilespmem:$0x9F00] =	vst v63  }
0x312: {  	s26 =	simm.s32 $0x1500;
	s20 =	simm.s32 $0x5600  }
0x313: {  	[tilespmem:s20], [sflag:$0x1] =	stream.indirect.gather [hbm4b:s6+s16], $0x1, s26, s16, $0xb8;
	[tilespmem:$0x9F00] =	vst v63  }
0x314: {  	s13 =	simm.s32 $0x1580;
	s25 =	simm.s32 $0x5680  }
0x315: {  	[tilespmem:s25], [sflag:$0x1] =	stream.indirect.gather [hbm4b:s6+s16], $0x1, s13, s16, $0xb8;
	[tilespmem:$0x9F00] =	vst v63  }
0x316: {  	s23 =	simm.s32 $0x1600;
	s26 =	simm.s32 $0x5700  }
0x317: {  	[tilespmem:s26], [sflag:$0x1] =	stream.indirect.gather [hbm4b:s6+s16], $0x1, s23, s16, $0xb8;
	[tilespmem:$0x9F00] =	vst v63  }
0x318: {  	_ =	swait.ge [sflag:s0], $0x80  }
0x319: {  	[sflag:s0] =	ssyncset.done $0x0  }
0x31a: {  	[sflag:s0] =	ssyncadd.s32 $0xFFFFFF80  }
0x31b: {  	_ =	swait.ge [sflag:s0], $0x80  }
0x31c: {  	[sflag:s0] =	ssyncset.done $0x0  }
0x31d: {  	[sflag:s0] =	ssyncadd.s32 $0xFFFFFF80  }
0x31e: {  	_ =	swait.ge [sflag:s0], $0x80  }
0x31f: {  	[sflag:s0] =	ssyncset.done $0x0  }
0x320: {  	[sflag:s0] =	ssyncadd.s32 $0xFFFFFF80  }
0x321: {  	_ =	swait.ge [sflag:s0], $0x80  }
0x322: {  	[sflag:s0] =	ssyncset.done $0x0  }
0x323: {  	[sflag:s0] =	ssyncadd.s32 $0xFFFFFF80  }
0x324: {  	_ =	swait.ge [sflag:s0], $0x80  }
0x325: {  	[sflag:s0] =	ssyncset.done $0x0  }
0x326: {  	[sflag:s0] =	ssyncadd.s32 $0xFFFFFF80  }
0x327: {  	_ =	swait.ge [sflag:s0], $0x80  }
0x328: {  	[sflag:s0] =	ssyncset.done $0x0  }
0x329: {  	[sflag:s0] =	ssyncadd.s32 $0xFFFFFF80  }
0x32a: {  	_ =	swait.ge [sflag:s0], $0x80  }
0x32b: {  	[sflag:s0] =	ssyncset.done $0x0  }
0x32c: {  	[sflag:s0] =	ssyncadd.s32 $0xFFFFFF80  }
0x32d: {  	_ =	swait.ge [sflag:s0], $0x80  }
0x32e: {  	[sflag:s0] =	ssyncset.done $0x0  }
0x32f: {  	[sflag:s0] =	ssyncadd.s32 $0xFFFFFF80  }
0x330: {  	_ =	swait.ge [sflag:s0], $0x80  }
0x331: {  	[sflag:s0] =	ssyncset.done $0x0  }
0x332: {  	[sflag:s0] =	ssyncadd.s32 $0xFFFFFF80  }
0x333: {  	_ =	swait.ge [sflag:s0], $0x80  }
0x334: {  	[sflag:s0] =	ssyncset.done $0x0  }
0x335: {  	[sflag:s0] =	ssyncadd.s32 $0xFFFFFF80  }
0x336: {  	_ =	swait.ge [sflag:s0], $0x80  }
0x337: {  	[sflag:s0] =	ssyncset.done $0x0  }
0x338: {  	[sflag:s0] =	ssyncadd.s32 $0xFFFFFF80  }
0x339: {  	_ =	swait.ge [sflag:s0], $0x80  }
0x33a: {  	[sflag:s0] =	ssyncset.done $0x0  }
0x33b: {  	[sflag:s0] =	ssyncadd.s32 $0xFFFFFF80  }
0x33c: {  	_ =	swait.ge [sflag:s0], $0x80  }
0x33d: {  	[sflag:s0] =	ssyncset.done $0x0  }
0x33e: {  	s15 =	simm.s32 $0x1680;
	s3 =	simm.s32 $0x5780;
	[sflag:s0] =	ssyncadd.s32 $0xFFFFFF80  }
0x33f: {  	[tilespmem:s3], [sflag:$0x1] =	stream.indirect.gather [hbm4b:s6+s16], $0x1, s15, s16, $0xb8;
	[tilespmem:$0x9F00] =	vst v63  }
0x340: {  	s31 =	simm.s32 $0x1700;
	s7 =	simm.s32 $0x5800  }
0x341: {  	[tilespmem:s7], [sflag:$0x1] =	stream.indirect.gather [hbm4b:s6+s16], $0x1, s31, s16, $0xb8;
	[tilespmem:$0x9F00] =	vst v63  }
0x342: {  	s10 =	simm.s32 $0x5880;
	s11 =	simm.s32 $0x1780  }
0x343: {  	[tilespmem:s10], [sflag:$0x1] =	stream.indirect.gather [hbm4b:s6+s16], $0x1, s11, s16, $0xb8;
	[tilespmem:$0x9F00] =	vst v63  }
0x344: {  	s12 =	simm.s32 $0x5900;
	s13 =	simm.s32 $0x1800  }
0x345: {  	[tilespmem:s12], [sflag:$0x1] =	stream.indirect.gather [hbm4b:s6+s16], $0x1, s13, s16, $0xb8;
	[tilespmem:$0x9F00] =	vst v63  }
0x346: {  	s17 =	simm.s32 $0x1880;
	s15 =	simm.s32 $0x5980  }
0x347: {  	[tilespmem:s15], [sflag:$0x1] =	stream.indirect.gather [hbm4b:s6+s16], $0x1, s17, s16, $0xb8;
	[tilespmem:$0x9F00] =	vst v63  }
0x348: {  	s18 =	simm.s32 $0x5A00;
	s19 =	simm.s32 $0x1900  }
0x349: {  	[tilespmem:s18], [sflag:$0x1] =	stream.indirect.gather [hbm4b:s6+s16], $0x1, s19, s16, $0xb8;
	[tilespmem:$0x9F00] =	vst v63  }
0x34a: {  	s21 =	simm.s32 $0x1980;
	s20 =	simm.s32 $0x5A80  }
0x34b: {  	[tilespmem:s20], [sflag:$0x1] =	stream.indirect.gather [hbm4b:s6+s16], $0x1, s21, s16, $0xb8;
	[tilespmem:$0x9F00] =	vst v63  }
0x34c: {  	s14 =	simm.s32 $0x1A00;
	s21 =	simm.s32 $0x5B00  }
0x34d: {  	[tilespmem:s21], [sflag:$0x1] =	stream.indirect.gather [hbm4b:s6+s16], $0x1, s14, s16, $0xb8;
	[tilespmem:$0x9F00] =	vst v63  }
0x34e: {  	s22 =	simm.s32 $0x1A80;
	s23 =	simm.s32 $0x5B80  }
0x34f: {  	[tilespmem:s23], [sflag:$0x1] =	stream.indirect.gather [hbm4b:s6+s16], $0x1, s22, s16, $0xb8;
	[tilespmem:$0x9F00] =	vst v63  }
0x350: {  	s30 =	simm.s32 $0x1B00;
	s25 =	simm.s32 $0x5C00  }
0x351: {  	[tilespmem:s25], [sflag:$0x1] =	stream.indirect.gather [hbm4b:s6+s16], $0x1, s30, s16, $0xb8;
	[tilespmem:$0x9F00] =	vst v63  }
0x352: {  	s28 =	simm.s32 $0x1B80;
	s26 =	simm.s32 $0x5C80  }
0x353: {  	[tilespmem:s26], [sflag:$0x1] =	stream.indirect.gather [hbm4b:s6+s16], $0x1, s28, s16, $0xb8;
	[tilespmem:$0x9F00] =	vst v63  }
0x354: {  	s4 =	simm.s32 $0x1C00;
	s30 =	simm.s32 $0x5D00  }
0x355: {  	[tilespmem:s30], [sflag:$0x1] =	stream.indirect.gather [hbm4b:s6+s16], $0x1, s4, s16, $0xb8;
	[tilespmem:$0x9F00] =	vst v63  }
0x356: {  	s9 =	simm.s32 $0x1C80;
	s31 =	simm.s32 $0x5D80  }
0x357: {  	[tilespmem:s31], [sflag:$0x1] =	stream.indirect.gather [hbm4b:s6+s16], $0x1, s9, s16, $0xb8;
	[tilespmem:$0x9F00] =	vst v63  }
0x358: {  	_ =	swait.ge [sflag:s0], $0x80  }
0x359: {  	[sflag:s0] =	ssyncset.done $0x0  }
0x35a: {  	[sflag:s0] =	ssyncadd.s32 $0xFFFFFF80  }
0x35b: {  	_ =	swait.ge [sflag:s0], $0x80  }
0x35c: {  	[sflag:s0] =	ssyncset.done $0x0  }
0x35d: {  	[sflag:s0] =	ssyncadd.s32 $0xFFFFFF80  }
0x35e: {  	_ =	swait.ge [sflag:s0], $0x80  }
0x35f: {  	[sflag:s0] =	ssyncset.done $0x0  }
0x360: {  	[sflag:s0] =	ssyncadd.s32 $0xFFFFFF80  }
0x361: {  	_ =	swait.ge [sflag:s0], $0x80  }
0x362: {  	[sflag:s0] =	ssyncset.done $0x0  }
0x363: {  	[sflag:s0] =	ssyncadd.s32 $0xFFFFFF80  }
0x364: {  	_ =	swait.ge [sflag:s0], $0x80  }
0x365: {  	[sflag:s0] =	ssyncset.done $0x0  }
0x366: {  	[sflag:s0] =	ssyncadd.s32 $0xFFFFFF80  }
0x367: {  	_ =	swait.ge [sflag:s0], $0x80  }
0x368: {  	[sflag:s0] =	ssyncset.done $0x0  }
0x369: {  	[sflag:s0] =	ssyncadd.s32 $0xFFFFFF80  }
0x36a: {  	_ =	swait.ge [sflag:s0], $0x80  }
0x36b: {  	[sflag:s0] =	ssyncset.done $0x0  }
0x36c: {  	[sflag:s0] =	ssyncadd.s32 $0xFFFFFF80  }
0x36d: {  	_ =	swait.ge [sflag:s0], $0x80  }
0x36e: {  	[sflag:s0] =	ssyncset.done $0x0  }
0x36f: {  	[sflag:s0] =	ssyncadd.s32 $0xFFFFFF80  }
0x370: {  	_ =	swait.ge [sflag:s0], $0x80  }
0x371: {  	[sflag:s0] =	ssyncset.done $0x0  }
0x372: {  	[sflag:s0] =	ssyncadd.s32 $0xFFFFFF80  }
0x373: {  	_ =	swait.ge [sflag:s0], $0x80  }
0x374: {  	[sflag:s0] =	ssyncset.done $0x0  }
0x375: {  	[sflag:s0] =	ssyncadd.s32 $0xFFFFFF80  }
0x376: {  	_ =	swait.ge [sflag:s0], $0x80  }
0x377: {  	[sflag:s0] =	ssyncset.done $0x0  }
0x378: {  	[sflag:s0] =	ssyncadd.s32 $0xFFFFFF80  }
0x379: {  	_ =	swait.ge [sflag:s0], $0x80  }
0x37a: {  	[sflag:s0] =	ssyncset.done $0x0  }
0x37b: {  	[sflag:s0] =	ssyncadd.s32 $0xFFFFFF80  }
0x37c: {  	_ =	swait.ge [sflag:s0], $0x80  }
0x37d: {  	[sflag:s0] =	ssyncset.done $0x0  }
0x37e: {  	s13 =	simm.s32 $0x0;
	[sflag:s0] =	ssyncadd.s32 $0xFFFFFF80  }
0x37f: {  	s2 =	simm.s32 $0x0;
	v32 =	vadd.s32 s13, v21;
	s19 =	simm.s32 $0x10;
	v31 =	vld [tilespmem:s29+$0x0]  }
.LBB2_4:
0x380: {  	p0 =	sne.s32 s19, $0xCF0;
	_ =	sdelay $0x3  }
0x381: {  	s23 =	sand.u32 $0xFF0, s13;
	s13 =	smov.u32 s19;
	[tilespmem:v32+s24+$0x0] =	vst.idx.msk $0xffff, v31  }
0x382: {  	v32 =	vadd.s32 s2, v27;
	v31 =	vld [tilespmem:s23+$0x2A00];
	_ =	sdelay $0x4  }
0x383: {  	[tilespmem:v32+s24+$0x0] =	vst.idx.msk $0xffff, v31  }
0x384: {  	v32 =	vadd.s32 s2, v28;
	v31 =	vld [tilespmem:s23+$0x3700];
	_ =	sdelay $0x4  }
0x385: {  	[tilespmem:v32+s24+$0x0] =	vst.idx.msk $0xffff, v31  }
0x386: {  	v32 =	vadd.s32 s2, v29;
	v31 =	vld [tilespmem:s23+$0x4400];
	_ =	sdelay $0x4  }
0x387: {  	[tilespmem:v32+s24+$0x0] =	vst.idx.msk $0xffff, v31  }
0x388: {  	v32 =	vadd.s32 s2, v30;
	v31 =	vld [tilespmem:s23+$0x5100];
	_ =	sdelay $0x1  }
.Ltmp1:
0x389: {  	(pc) =	sbr.rel @p0 .LBB2_4-.Ltmp1, $3  }
0x38a: {  	_ =	sdelay $0x1  }
0x38b: {  	s29 =	sadd.s32 $0x10, s29;
	s2 =	sadd.s32 $0x50, s2;
	[tilespmem:v32+s24+$0x0] =	vst.idx.msk $0xffff, v31  }
0x38c: {  	s19 =	sadd.s32 $0x10, s19;
	v32 =	vadd.s32 s2, v21;
	v31 =	vld [tilespmem:s29+$0x0]  }
0x38d: {  	_ =	sdelay $0x3  }
0x38e: {  	s13 =	sand.u32 $0xFF0, s13;
	[tilespmem:v32+s24+$0x0] =	vst.idx.msk $0xffff, v31  }
0x38f: {  	v60 =	vadd.s32 s2, v27;
	v31 =	vld [tilespmem:s13+$0x2A00];
	_ =	sdelay $0x4  }
0x390: {  	[tilespmem:v60+s24+$0x0] =	vst.idx.msk $0xffff, v31  }
0x391: {  	v61 =	vadd.s32 s2, v28;
	v31 =	vld [tilespmem:s13+$0x3700];
	_ =	sdelay $0x4  }
0x392: {  	[tilespmem:v61+s24+$0x0] =	vst.idx.msk $0xffff, v31  }
0x393: {  	v62 =	vadd.s32 s2, v29;
	v31 =	vld [tilespmem:s13+$0x4400];
	_ =	sdelay $0x4  }
0x394: {  	[tilespmem:v62+s24+$0x0] =	vst.idx.msk $0xffff, v31  }
0x395: {  	v63 =	vadd.s32 s2, v30;
	v31 =	vld [tilespmem:s13+$0x5100];
	_ =	sdelay $0x4  }
0x396: {  	s30 =	rddreg [dreg:$0x6];
	s7 =	simm.s32 $0x2;
	[tilespmem:v63+s24+$0x0] =	vst.idx.msk $0xffff, v31  }
0x397: {  	[hbm4b:s30+s1] =	stream.linear.scatter [tilespmem:s24], [sflag:$0x2], $0x4100, $0x38;
	[tilespmem:$0x9F00] =	vst v63  }
0x398: {  	_ =	swait.ge [sflag:s7], $0x4100  }
0x399: {  	s9 =	rddreg [dreg:$0x8]  }
0x39a: {  	s31 =	rddreg [dreg:$0x7];
	s9 =	sadd.s32 $0x1, s9  }
0x39b: {  	p0 =	sne.s32 s9, s31  }
.Ltmp2:
0x39c: {  	_ = 	snop;
	(pc) =	sbr.rel @p0 .LBB2_1-.Ltmp2, $3  }
0x39d: {  	_ =	sdelay $0x1  }
0x39e: {  	[sflag:s7] =	ssyncset.done $0x0  }
0x39f: {  	[sflag:s7] =	ssyncadd.s32 $0xFFFFBF00  }
0x3a0: {  	_ =	sfence.sel $0x180000  }
0x3a1: {  	[bflag:$0x0] =	sbarrier.arrive $0xFFFF  }
0x3a2: {  	_ =	strace $0x90000047  }
0x3a3: {  	s0 =	stileid.u32;
	[bflag:$0x2] =	sbarrier.arrive $0xFFFF  }
0x3a4: {  	p0 =	sne.s32 s0, $0x0;
	s0 =	rddreg [dreg:$0x3]  }
0x3a5: {  	s0 =	sadd.s32 @!p0 $0x100000, s0  }
0x3a6: {  	[sflag:s0] =	ssyncadd.tile.s32 @!p0 $0x1;
	_ =	shalt  }
.Lfunc_end2:
_tile_overlayer_lowered:
.L_overlay_start_2:
0x3a7: {  	(tag) =	ssettag $0x2  }
0x3a8: {  	s0 =	rddreg [dreg:$0x0];
	s2 =	stileid.u32  }
0x3a9: {  	s1 =	rddreg [dreg:$0x1];
	p0 =	sne.s32 s2, $0x0  }
0x3aa: {  	s3 =	rddreg [dreg:$0x2];
	[bflag:$0x3] =	sbarrier.arrive $0xFFFF;
	s2 =	simm.s32 @!p0 $0x1C02  }
0x3ab: {  	[timem:s3], [sflag:s2] =	dma.local @!p0 [hbm:s0], s1  }
0x3ac: {  	s0 =	simm.s32 @!p0 $0x2  }
0x3ad: {  	_ =	swait.ge @!p0 [sflag:s0], s1  }
0x3ae: {  	s1 =	ssub.s32 @!p0 $0x0, s1;
	[sflag:s0] =	ssyncset.done @!p0 $0x0  }
0x3af: {  	[sflag:s0] =	ssyncadd.s32 @!p0 s1  }
0x3b0: {  	[bflag:$0x3] =	sbarrier.arrive $0xFFFF  }
0x3b1: {  	_ =	shalt  }

</sc_bundles>
